<compile_context>
chip_gen: v7x
topology: tpu7x:2x2x1
jax: 0.10.2.dev20260603
libtpu: 0.0.44.dev20260713+nightly
codegen_flags: <defaults>
</compile_context>

<pallas_src>
import functools

import jax
import jax.numpy as jnp
from jax import lax
from jax.experimental import pallas as pl
from jax.experimental.pallas import tpu as pltpu
from jax.experimental.pallas import tpu_sc as plsc

Bb, C, N, K = 4, 64, 2048, 16
CF = 4 * C
W = 2 * C
NP = 512
NBLK = N // NP
EPS = 1e-5

NC, NS = 2, 16
NW = NC * NS
ROWS = Bb * N * K
RPW = ROWS // NW
CH = 128
NCH = RPW // CH



def _pack_bf16(x):
    b = lax.bitcast_convert_type(x, jnp.int32)
    bh = (b + jnp.int32(0x7FFF) + ((b >> 16) & 1)) & jnp.int32(-65536)
    lo = (bh[:, :C // 2] >> 16) & jnp.int32(0xFFFF)
    hi = bh[:, C // 2:]
    return lo | hi


def _unpack_bf16(w):
    lo = lax.bitcast_convert_type(w << 16, jnp.float32)
    hi = lax.bitcast_convert_type(w & jnp.int32(-65536), jnp.float32)
    return jnp.concatenate([lo, hi], axis=1)


def _mxu_t(a):
    r = a.shape[0]
    i0 = lax.broadcasted_iota(jnp.int32, (r, r), 0)
    i1 = lax.broadcasted_iota(jnp.int32, (r, r), 1)
    eye = (i0 == i1).astype(jnp.float32)
    return lax.dot_general(a, eye, (((0,), (0,)), ((), ())),
                           preferred_element_type=jnp.float32)


def _stage_ak_body(x_ref, pcol_ref, prow_ref, win_ref, bin_ref, g1_ref,
                   be1_ref, wq_ref, wk_ref, wv_ref, wd1_ref,
                   h_ref, kvs_ref, idx_ref):
    xb = x_ref[0]
    hT = jnp.dot(win_ref[...], xb, preferred_element_type=jnp.float32)
    hT = hT + bin_ref[...]
    mu = jnp.mean(hT, axis=0, keepdims=True)
    var = jnp.mean((hT - mu) ** 2, axis=0, keepdims=True)
    hn = (hT - mu) / jnp.sqrt(var + EPS) * g1_ref[...] + be1_ref[...]
    kT = jnp.dot(wk_ref[...], hn, preferred_element_type=jnp.float32)
    vT = jnp.dot(wv_ref[...], hn, preferred_element_type=jnp.float32)
    sT = jnp.dot(wd1_ref[...], pcol_ref[0],
                 preferred_element_type=jnp.float32)
    qT = jnp.dot(wq_ref[...], hn, preferred_element_type=jnp.float32)
    h_ref[0] = _mxu_t(hT)
    hw = C // 2
    kvs_ref[0, :, 0 * hw:1 * hw] = _pack_bf16(_mxu_t(kT))
    kvs_ref[0, :, 1 * hw:2 * hw] = _pack_bf16(_mxu_t(vT))
    kvs_ref[0, :, 2 * hw:3 * hw] = _pack_bf16(_mxu_t(sT))
    kvs_ref[0, :, 3 * hw:4 * hw] = _pack_bf16(_mxu_t(qT))
    _stage_k_body(prow_ref, pcol_ref, idx_ref)



def _stage_k_body(prow_ref, pcol_ref, idx_ref):
    b = pl.program_id(0)
    prow = prow_ref[0]
    ni = jnp.sum(prow * prow, axis=1, keepdims=True)
    qblk = 256

    def blk_body(i, _):
        pq = pcol_ref[0, :, pl.ds(i * qblk, qblk)]
        nq = jnp.sum(pq * pq, axis=0, keepdims=True)
        dist = 2.0 * jnp.dot(prow, pq, preferred_element_type=jnp.float32)
        dist = dist - ni - nq
        cand = lax.broadcasted_iota(jnp.int32, (N, qblk), 0)
        qcol = i * qblk + lax.broadcasted_iota(jnp.int32, (N, qblk), 1)
        dist = jnp.where(cand == qcol, -1e9, dist)
        bits = lax.bitcast_convert_type(jnp.minimum(dist, -1e-30),
                                        jnp.int32)
        u = (~bits & jnp.int32(-2048)) | (jnp.int32(N - 1) - cand)
        rows = []
        for _t in range(K):
            m = jnp.max(u, axis=0, keepdims=True)
            rows.append(jnp.int32(N - 1) - (m & jnp.int32(N - 1)))
            u = jnp.where(u == m, 0, u)
        idxblk = jnp.concatenate(rows, axis=0)
        idx_ref[0, :, pl.ds(i * qblk, qblk)] = idxblk + b * N
        return 0

    lax.fori_loop(0, N // qblk, blk_body, 0)


def _stage_ak(x, p16N, pT16, W_in, b_in, g1, be1, W_q, W_k, W_v, W_d1p):
    nb = x.shape[0]
    full = lambda shape: pl.BlockSpec(shape, lambda b: (0, 0))
    return pl.pallas_call(
        _stage_ak_body,
        grid=(nb,),
        in_specs=[
            pl.BlockSpec((1, C, N), lambda b: (b, 0, 0)),
            pl.BlockSpec((1, 16, N), lambda b: (b, 0, 0)),
            pl.BlockSpec((1, N, 16), lambda b: (b, 0, 0)),
            full((C, C)), full((C, 1)), full((C, 1)), full((C, 1)),
            full((C, C)), full((C, C)), full((C, C)), full((C, 16)),
        ],
        out_specs=[
            pl.BlockSpec((1, N, C), lambda b: (b, 0, 0)),
            pl.BlockSpec((1, N, W), lambda b: (b, 0, 0)),
            pl.BlockSpec((1, K, N), lambda b: (b, 0, 0)),
        ],
        out_shape=[
            jax.ShapeDtypeStruct((nb, N, C), jnp.float32),
            jax.ShapeDtypeStruct((nb, N, W), jnp.int32),
            jax.ShapeDtypeStruct((nb, K, N), jnp.int32),
        ],
    )(x, p16N, pT16, W_in, b_in.reshape(C, 1), g1.reshape(C, 1),
      be1.reshape(C, 1), W_q, W_k, W_v, W_d1p)



def _sc_gather_body(nch, idx_hbm, kvs_hbm, out_hbm, idx0, idx1, row0, row1,
                    sem0, sem1):
    wid = lax.axis_index("s") * NC + lax.axis_index("c")
    base = wid * (nch * CH)
    bufs = ((idx0, row0, sem0), (idx1, row1, sem1))

    def fire(i):
        idx_v, row_v, sem = bufs[i % 2]
        pltpu.sync_copy(idx_hbm.at[pl.ds(base + i * CH, CH)], idx_v)
        return pltpu.async_copy(kvs_hbm.at[idx_v], row_v, sem)

    cp = fire(0)
    for i in range(nch):
        nxt = fire(i + 1) if i + 1 < nch else None
        cp.wait()
        row_v = bufs[i % 2][1]
        pltpu.sync_copy(row_v, out_hbm.at[pl.ds(base + i * CH, CH)])
        cp = nxt


def _stage_g(flat_idx, kvs_tab):
    rows = flat_idx.shape[0]
    nch = rows // (NW * CH)
    mesh = plsc.VectorSubcoreMesh(core_axis_name="c", subcore_axis_name="s")
    fn = pl.kernel(
        functools.partial(_sc_gather_body, nch),
        out_type=jax.ShapeDtypeStruct((rows, W), jnp.int32),
        mesh=mesh,
        scratch_types=[
            pltpu.VMEM((CH,), jnp.int32),
            pltpu.VMEM((CH,), jnp.int32),
            pltpu.VMEM((CH, W), jnp.int32),
            pltpu.VMEM((CH, W), jnp.int32),
            pltpu.SemaphoreType.DMA,
            pltpu.SemaphoreType.DMA,
        ],
    )
    return fn(flat_idx, kvs_tab)



def _stage_c_body(h_ref, kvsi_ref, kvsj_ref, bd1_ref, wd2_ref, bd2_ref,
                  wa_ref, ba_ref, g2_ref, be2_ref, wf1_ref, bf1_ref,
                  wf2_ref, bf2_ref, out_ref):
    R = K * NP
    hw = C // 2
    kvs_i = kvsi_ref[0]
    kvs_j = kvsj_ref[0].reshape(R, W)
    s_iu = _unpack_bf16(kvs_i[:, 2 * hw:3 * hw])
    q_iu = _unpack_bf16(kvs_i[:, 3 * hw:4 * hw])
    s_i = jnp.broadcast_to(s_iu[None], (K, NP, C)).reshape(R, C)
    q_i = jnp.broadcast_to(q_iu[None], (K, NP, C)).reshape(R, C)
    k_j = _unpack_bf16(kvs_j[:, 0 * hw:1 * hw])
    v_j = _unpack_bf16(kvs_j[:, 1 * hw:2 * hw])
    s_j = _unpack_bf16(kvs_j[:, 2 * hw:3 * hw])
    r1 = jnp.maximum(s_i - s_j + bd1_ref[...], 0.0)
    d = jnp.dot(r1, wd2_ref[...].T, preferred_element_type=jnp.float32)
    d = d + bd2_ref[...]
    t = q_i - k_j + d
    logits = jnp.dot(t, wa_ref[...].T, preferred_element_type=jnp.float32)
    logits = (logits + ba_ref[...]).reshape(K, NP, C)
    m = jnp.max(logits, axis=0, keepdims=True)
    e = jnp.exp(logits - m)
    s = jnp.sum(e, axis=0, keepdims=True)
    a = e / s
    vpd = (v_j + d).reshape(K, NP, C)
    y = jnp.sum(a * vpd, axis=0)
    h1 = h_ref[0] + y
    mu = jnp.mean(h1, axis=-1, keepdims=True)
    var = jnp.mean((h1 - mu) ** 2, axis=-1, keepdims=True)
    h2 = (h1 - mu) / jnp.sqrt(var + EPS) * g2_ref[...] + be2_ref[...]
    f = jnp.dot(h2, wf1_ref[...].T, preferred_element_type=jnp.float32)
    f = jnp.maximum(f + bf1_ref[...], 0.0)
    ff = jnp.dot(f, wf2_ref[...].T, preferred_element_type=jnp.float32)
    out_ref[0] = _mxu_t(h1 + ff + bf2_ref[...])


def _stage_c(h, kvs, kvsj, b_d1, W_d2, b_d2, W_a, b_a, g2, be2,
             W_f1, b_f1, W_f2, b_f2):
    nb = h.shape[0]
    grid = (nb, NBLK)

    def full(shape):
        return pl.BlockSpec(shape, lambda b, i: tuple(0 for _ in shape))

    return pl.pallas_call(
        _stage_c_body,
        grid=grid,
        in_specs=[
            pl.BlockSpec((1, NP, C), lambda b, i: (b, i, 0)),
            pl.BlockSpec((1, NP, W), lambda b, i: (b, i, 0)),
            pl.BlockSpec((1, K, NP, W), lambda b, i: (b, 0, i, 0)),
            full((1, C)), full((C, C)), full((1, C)),
            full((C, C)), full((1, C)), full((1, C)), full((1, C)),
            full((CF, C)), full((1, CF)), full((C, CF)), full((1, C)),
        ],
        out_specs=pl.BlockSpec((1, C, NP), lambda b, i: (b, 0, i)),
        out_shape=jax.ShapeDtypeStruct((nb, C, N), jnp.float32),
    )(h, kvs, kvsj,
      b_d1.reshape(1, C), W_d2, b_d2.reshape(1, C), W_a,
      b_a.reshape(1, C), g2.reshape(1, C), be2.reshape(1, C),
      W_f1, b_f1.reshape(1, CF), W_f2, b_f2.reshape(1, C))



def kernel(x, p, W_in, b_in, W_q, W_k, W_v, W_d1, b_d1, W_d2, b_d2, W_a,
           b_a, g1, be1, g2, be2, W_f1, b_f1, W_f2, b_f2):
    pT16 = jnp.pad(jnp.transpose(p, (0, 2, 1)), ((0, 0), (0, 0), (0, 13)))
    p16N = jnp.pad(p, ((0, 0), (0, 13), (0, 0)))
    W_d1p = jnp.pad(W_d1, ((0, 0), (0, 13)))

    BH = Bb // 2
    outs = []
    for half in range(2):
        lo = half * BH
        h_h, kvs_h, idx_h = _stage_ak(
            x[lo:lo + BH], p16N[lo:lo + BH], pT16[lo:lo + BH],
            W_in, b_in, g1, be1, W_q, W_k, W_v, W_d1p)
        kvsj_h = _stage_g(idx_h.reshape(BH * K * N),
                          kvs_h.reshape(BH * N, W))
        outs.append(_stage_c(h_h, kvs_h, kvsj_h.reshape(BH, K, N, W),
                             b_d1, W_d2, b_d2, W_a, b_a, g2, be2,
                             W_f1, b_f1, W_f2, b_f2))
    return jnp.concatenate(outs, axis=0)

# --- scband reference (transcript-rebuilt; emitter-appended) ---
"""Pipeline reference for scband-ptblock-19172734009541 (READ-ONLY COPY).

The authoritative reference and input builder live on the scoring server;
editing this copy changes nothing except your own understanding.
"""

import jax, jax.numpy as jnp
import numpy as np

B, Cin, Cout, N, K = 4, 64, 64, 2048, 16


def setup_inputs(seed: int = 0):
    key = jax.random.key(seed)
    ks = jax.random.split(key, 12)
    def w(k, shape):
        return jax.random.normal(k, shape, dtype=jnp.float32) * 0.05
    return {
        "x": jax.random.normal(ks[0], (B, Cin, N), dtype=jnp.float32),
        "p": jax.random.normal(ks[1], (B, 3, N), dtype=jnp.float32),
        "W_in": w(ks[2], (Cout, Cin)), "b_in": jnp.zeros((Cout,), jnp.float32),
        "W_q": w(ks[3], (Cout, Cout)),
        "W_k": w(ks[4], (Cout, Cout)),
        "W_v": w(ks[5], (Cout, Cout)),
        "W_d1": w(ks[6], (Cout, 3)), "b_d1": jnp.zeros((Cout,), jnp.float32),
        "W_d2": w(ks[7], (Cout, Cout)), "b_d2": jnp.zeros((Cout,), jnp.float32),
        "W_a": w(ks[8], (Cout, Cout)), "b_a": jnp.zeros((Cout,), jnp.float32),
        "g1": jnp.ones((Cout,), jnp.float32), "be1": jnp.zeros((Cout,), jnp.float32),
        "g2": jnp.ones((Cout,), jnp.float32), "be2": jnp.zeros((Cout,), jnp.float32),
        "W_f1": w(ks[9], (4 * Cout, Cout)), "b_f1": jnp.zeros((4 * Cout,), jnp.float32),
        "W_f2": w(ks[10], (Cout, 4 * Cout)), "b_f2": jnp.zeros((Cout,), jnp.float32),
    }


def _conv1(W, b, x):
    y = jnp.einsum('oc,bcn->bon', W, x)
    if b is not None:
        y = y + b[None, :, None]
    return y


def _conv2(W, b, x):
    y = jnp.einsum('oc,bcnk->bonk', W, x)
    if b is not None:
        y = y + b[None, :, None, None]
    return y


def _ln(x, g, b, eps=1e-5):
    xt = jnp.transpose(x, (0, 2, 1))
    mu = jnp.mean(xt, axis=-1, keepdims=True)
    var = jnp.mean((xt - mu) ** 2, axis=-1, keepdims=True)
    xh = (xt - mu) / jnp.sqrt(var + eps)
    return jnp.transpose(xh * g + b, (0, 2, 1))


def _knn(p, k):
    xt = jnp.transpose(p, (0, 2, 1))
    inner = -2.0 * jnp.matmul(xt, jnp.transpose(xt, (0, 2, 1)))
    xx = jnp.sum(xt ** 2, axis=2, keepdims=True)
    dist = -xx - inner - jnp.transpose(xx, (0, 2, 1))
    n = p.shape[2]
    dist = dist - 1e9 * jnp.eye(n, dtype=p.dtype)[None]
    _, idx = jax.lax.top_k(dist, k)
    return idx


def _forward(x, p, W_in, b_in, W_q, W_k, W_v, W_d1, b_d1, W_d2, b_d2, W_a, b_a, g1, be1, g2, be2, W_f1, b_f1, W_f2, b_f2):
    h = _conv1(W_in, b_in, x)
    Bb, C, Nn = h.shape
    k = min(K, max(1, Nn - 1))
    h_n = _ln(h, g1, be1)
    idx = _knn(p, k)
    base = jnp.arange(Bb)[:, None, None] * Nn
    flat = (idx + base).reshape(-1)
    k_all = jnp.transpose(_conv1(W_k, None, h_n), (0, 2, 1))
    v_all = jnp.transpose(_conv1(W_v, None, h_n), (0, 2, 1))
    k_j = jnp.transpose(jnp.take(k_all.reshape(Bb * Nn, C), flat, axis=0).reshape(Bb, Nn, k, C), (0, 3, 1, 2))
    v_j = jnp.transpose(jnp.take(v_all.reshape(Bb * Nn, C), flat, axis=0).reshape(Bb, Nn, k, C), (0, 3, 1, 2))
    p_t = jnp.transpose(p, (0, 2, 1))
    p_j = jnp.transpose(jnp.take(p_t.reshape(Bb * Nn, 3), flat, axis=0).reshape(Bb, Nn, k, 3), (0, 3, 1, 2))
    p_i = jnp.broadcast_to(p[:, :, :, None], (Bb, 3, Nn, k))
    d = _conv2(W_d2, b_d2, jax.nn.relu(_conv2(W_d1, b_d1, p_i - p_j)))
    q_i = jnp.broadcast_to(_conv1(W_q, None, h_n)[:, :, :, None], (Bb, C, Nn, k))
    logits = _conv2(W_a, b_a, q_i - k_j + d)
    a = jax.nn.softmax(logits, axis=-1)
    y = jnp.sum(a * (v_j + d), axis=-1)
    h = h + y
    h2 = _ln(h, g2, be2)
    ff = _conv1(W_f2, b_f2, jax.nn.relu(_conv1(W_f1, b_f1, h2)))
    return h + ff


def reference(x, p, W_in, b_in, W_q, W_k, W_v, W_d1, b_d1, W_d2, b_d2, W_a, b_a, g1, be1, g2, be2, W_f1, b_f1, W_f2, b_f2):
    return _forward(x, p, W_in, b_in, W_q, W_k, W_v, W_d1, b_d1, W_d2, b_d2, W_a, b_a, g1, be1, g2, be2, W_f1, b_f1, W_f2, b_f2)

if __name__ == "__main__":
    import jax
    _d = setup_inputs()
    print(jax.jit(kernel)(*tuple(_d.values())))

</pallas_src>

<mosaic_0001>
#map = affine_map<(d0, d1) -> (0)>
#map1 = affine_map<(d0, d1) -> (0, 0)>
module attributes {stable_mosaic.version = 14 : i64} {
  func.func @_sc_gather_body(%arg0: i32, %arg1: i32, %arg2: memref<65536xi32, #tpu.memory_space<hbm>>, %arg3: memref<4096x128xi32, #tpu.memory_space<hbm>>, %arg4: memref<65536x128xi32, #tpu.memory_space<hbm>>, %arg5: memref<128xi32, #tpu.memory_space<vmem>>, %arg6: memref<128xi32, #tpu.memory_space<vmem>>, %arg7: memref<128x128xi32, #tpu.memory_space<vmem>>, %arg8: memref<128x128xi32, #tpu.memory_space<vmem>>, %arg9: memref<!tpu.dma_semaphore, #tpu.memory_space<semaphore_mem>>, %arg10: memref<!tpu.dma_semaphore, #tpu.memory_space<semaphore_mem>>) attributes {dimension_semantics = [#tpu.dimension_semantics<core_parallel>, #tpu.dimension_semantics<subcore_parallel>], iteration_bounds = array<i64: 2, 16>, scalar_prefetch = 0 : i64, scratch_operands = 6 : i64, tpu.core_type = #tpu.core_type<sc_vector_subcore>, window_params = [{transform_indices = #map}, {transform_indices = #map1}, {transform_indices = #map1}]} {
    %mul3A = arith.constant 2 : i32
    %mul3A_0 = arith.muli %arg1, %mul3A : i32
    %add3A = arith.addi %mul3A_0, %arg0 : i32
    %mul3A_1 = arith.constant 2048 : i32
    %mul3A_2 = arith.muli %add3A, %mul3A_1 : i32
    %add3A_3 = arith.constant 0 : i32
    %add3A_4 = arith.addi %mul3A_2, %add3A_3 : i32
    "tpu.region"() ({
      %run_scoped3A = tpu.sem_alloc : memref<!tpu.dma_semaphore, #tpu.memory_space<semaphore_mem>>
      %dma_start3A_161 = tpu.memref_slice %arg2[%add3A_4] : memref<65536xi32, #tpu.memory_space<hbm>> -> memref<128xi32, #tpu.memory_space<hbm>>
      %dma_start3A_162 = tpu.memref_slice %arg2[%add3A_4] : memref<65536xi32, #tpu.memory_space<hbm>> -> memref<128xi32, #tpu.memory_space<hbm>>
      tpu.enqueue_dma source(%dma_start3A_162 : memref<128xi32, #tpu.memory_space<hbm>>) target(%arg5 : memref<128xi32, #tpu.memory_space<vmem>>) target_semaphore(%run_scoped3A : memref<!tpu.dma_semaphore, #tpu.memory_space<semaphore_mem>>)
      %dma_wait3A_163 = tpu.memref_slice %arg2[%add3A_4] : memref<65536xi32, #tpu.memory_space<hbm>> -> memref<128xi32, #tpu.memory_space<hbm>>
      %dma_wait3A_164 = tpu.memref_slice %arg2[%add3A_4] : memref<65536xi32, #tpu.memory_space<hbm>> -> memref<128xi32, #tpu.memory_space<hbm>>
      tpu.wait_dma2 semaphore(%run_scoped3A : memref<!tpu.dma_semaphore, #tpu.memory_space<semaphore_mem>>) src(%dma_wait3A_164 : memref<128xi32, #tpu.memory_space<hbm>>) dst(%arg5 : memref<128xi32, #tpu.memory_space<vmem>>)
      tpu.yield
    }) : () -> ()
    %dma_start3A = arith.constant 0 : i32
    %dma_start3A_5 = arith.constant 0 : i32
    %dma_start3A_6 = tpu.memref_slice %arg3[%dma_start3A, %dma_start3A_5] : memref<4096x128xi32, #tpu.memory_space<hbm>> -> memref<4096x128xi32, #tpu.memory_space<hbm>>
    tpu.enqueue_indirect_dma source(%dma_start3A_6 : memref<4096x128xi32, #tpu.memory_space<hbm>>) target(%arg7 : memref<128x128xi32, #tpu.memory_space<vmem>>) offsets(%arg5 : memref<128xi32, #tpu.memory_space<vmem>>) semaphore(%arg9 : memref<!tpu.dma_semaphore, #tpu.memory_space<semaphore_mem>>)
    %add3A_7 = arith.constant 128 : i32
    %add3A_8 = arith.addi %mul3A_2, %add3A_7 : i32
    "tpu.region"() ({
      %run_scoped3A = tpu.sem_alloc : memref<!tpu.dma_semaphore, #tpu.memory_space<semaphore_mem>>
      %dma_start3A_161 = tpu.memref_slice %arg2[%add3A_8] : memref<65536xi32, #tpu.memory_space<hbm>> -> memref<128xi32, #tpu.memory_space<hbm>>
      %dma_start3A_162 = tpu.memref_slice %arg2[%add3A_8] : memref<65536xi32, #tpu.memory_space<hbm>> -> memref<128xi32, #tpu.memory_space<hbm>>
      tpu.enqueue_dma source(%dma_start3A_162 : memref<128xi32, #tpu.memory_space<hbm>>) target(%arg6 : memref<128xi32, #tpu.memory_space<vmem>>) target_semaphore(%run_scoped3A : memref<!tpu.dma_semaphore, #tpu.memory_space<semaphore_mem>>)
      %dma_wait3A_163 = tpu.memref_slice %arg2[%add3A_8] : memref<65536xi32, #tpu.memory_space<hbm>> -> memref<128xi32, #tpu.memory_space<hbm>>
      %dma_wait3A_164 = tpu.memref_slice %arg2[%add3A_8] : memref<65536xi32, #tpu.memory_space<hbm>> -> memref<128xi32, #tpu.memory_space<hbm>>
      tpu.wait_dma2 semaphore(%run_scoped3A : memref<!tpu.dma_semaphore, #tpu.memory_space<semaphore_mem>>) src(%dma_wait3A_164 : memref<128xi32, #tpu.memory_space<hbm>>) dst(%arg6 : memref<128xi32, #tpu.memory_space<vmem>>)
      tpu.yield
    }) : () -> ()
    %dma_start3A_9 = arith.constant 0 : i32
    %dma_start3A_10 = arith.constant 0 : i32
    %dma_start3A_11 = tpu.memref_slice %arg3[%dma_start3A_9, %dma_start3A_10] : memref<4096x128xi32, #tpu.memory_space<hbm>> -> memref<4096x128xi32, #tpu.memory_space<hbm>>
    tpu.enqueue_indirect_dma source(%dma_start3A_11 : memref<4096x128xi32, #tpu.memory_space<hbm>>) target(%arg8 : memref<128x128xi32, #tpu.memory_space<vmem>>) offsets(%arg6 : memref<128xi32, #tpu.memory_space<vmem>>) semaphore(%arg10 : memref<!tpu.dma_semaphore, #tpu.memory_space<semaphore_mem>>)
    %dma_wait3A = arith.constant 0 : i32
    %dma_wait3A_12 = arith.constant 0 : i32
    %dma_wait3A_13 = tpu.memref_slice %arg3[%dma_wait3A, %dma_wait3A_12] : memref<4096x128xi32, #tpu.memory_space<hbm>> -> memref<4096x128xi32, #tpu.memory_space<hbm>>
    tpu.wait_indirect_dma semaphore(%arg9 : memref<!tpu.dma_semaphore, #tpu.memory_space<semaphore_mem>>) src(%dma_wait3A_13 : memref<4096x128xi32, #tpu.memory_space<hbm>>) dst(%arg7 : memref<128x128xi32, #tpu.memory_space<vmem>>)
    %add3A_14 = arith.constant 0 : i32
    %add3A_15 = arith.addi %mul3A_2, %add3A_14 : i32
    "tpu.region"() ({
      %run_scoped3A = tpu.sem_alloc : memref<!tpu.dma_semaphore, #tpu.memory_space<semaphore_mem>>
      %dma_start3A_161 = arith.constant 0 : i32
      %dma_start3A_162 = tpu.memref_slice %arg4[%add3A_15, %dma_start3A_161] : memref<65536x128xi32, #tpu.memory_space<hbm>> -> memref<128x128xi32, #tpu.memory_space<hbm>>
      %dma_start3A_163 = arith.constant 0 : i32
      %dma_start3A_164 = tpu.memref_slice %arg4[%add3A_15, %dma_start3A_163] : memref<65536x128xi32, #tpu.memory_space<hbm>> -> memref<128x128xi32, #tpu.memory_space<hbm>>
      tpu.enqueue_dma source(%arg7 : memref<128x128xi32, #tpu.memory_space<vmem>>) target(%dma_start3A_164 : memref<128x128xi32, #tpu.memory_space<hbm>>) target_semaphore(%run_scoped3A : memref<!tpu.dma_semaphore, #tpu.memory_space<semaphore_mem>>)
      %dma_wait3A_165 = arith.constant 0 : i32
      %dma_wait3A_166 = tpu.memref_slice %arg4[%add3A_15, %dma_wait3A_165] : memref<65536x128xi32, #tpu.memory_space<hbm>> -> memref<128x128xi32, #tpu.memory_space<hbm>>
      %dma_wait3A_167 = arith.constant 0 : i32
      %dma_wait3A_168 = tpu.memref_slice %arg4[%add3A_15, %dma_wait3A_167] : memref<65536x128xi32, #tpu.memory_space<hbm>> -> memref<128x128xi32, #tpu.memory_space<hbm>>
      tpu.wait_dma2 semaphore(%run_scoped3A : memref<!tpu.dma_semaphore, #tpu.memory_space<semaphore_mem>>) src(%arg7 : memref<128x128xi32, #tpu.memory_space<vmem>>) dst(%dma_wait3A_168 : memref<128x128xi32, #tpu.memory_space<hbm>>)
      tpu.yield
    }) : () -> ()
    %add3A_16 = arith.constant 256 : i32
    %add3A_17 = arith.addi %mul3A_2, %add3A_16 : i32
    "tpu.region"() ({
      %run_scoped3A = tpu.sem_alloc : memref<!tpu.dma_semaphore, #tpu.memory_space<semaphore_mem>>
      %dma_start3A_161 = tpu.memref_slice %arg2[%add3A_17] : memref<65536xi32, #tpu.memory_space<hbm>> -> memref<128xi32, #tpu.memory_space<hbm>>
      %dma_start3A_162 = tpu.memref_slice %arg2[%add3A_17] : memref<65536xi32, #tpu.memory_space<hbm>> -> memref<128xi32, #tpu.memory_space<hbm>>
      tpu.enqueue_dma source(%dma_start3A_162 : memref<128xi32, #tpu.memory_space<hbm>>) target(%arg5 : memref<128xi32, #tpu.memory_space<vmem>>) target_semaphore(%run_scoped3A : memref<!tpu.dma_semaphore, #tpu.memory_space<semaphore_mem>>)
      %dma_wait3A_163 = tpu.memref_slice %arg2[%add3A_17] : memref<65536xi32, #tpu.memory_space<hbm>> -> memref<128xi32, #tpu.memory_space<hbm>>
      %dma_wait3A_164 = tpu.memref_slice %arg2[%add3A_17] : memref<65536xi32, #tpu.memory_space<hbm>> -> memref<128xi32, #tpu.memory_space<hbm>>
      tpu.wait_dma2 semaphore(%run_scoped3A : memref<!tpu.dma_semaphore, #tpu.memory_space<semaphore_mem>>) src(%dma_wait3A_164 : memref<128xi32, #tpu.memory_space<hbm>>) dst(%arg5 : memref<128xi32, #tpu.memory_space<vmem>>)
      tpu.yield
    }) : () -> ()
    %dma_start3A_18 = arith.constant 0 : i32
    %dma_start3A_19 = arith.constant 0 : i32
    %dma_start3A_20 = tpu.memref_slice %arg3[%dma_start3A_18, %dma_start3A_19] : memref<4096x128xi32, #tpu.memory_space<hbm>> -> memref<4096x128xi32, #tpu.memory_space<hbm>>
    tpu.enqueue_indirect_dma source(%dma_start3A_20 : memref<4096x128xi32, #tpu.memory_space<hbm>>) target(%arg7 : memref<128x128xi32, #tpu.memory_space<vmem>>) offsets(%arg5 : memref<128xi32, #tpu.memory_space<vmem>>) semaphore(%arg9 : memref<!tpu.dma_semaphore, #tpu.memory_space<semaphore_mem>>)
    %dma_wait3A_21 = arith.constant 0 : i32
    %dma_wait3A_22 = arith.constant 0 : i32
    %dma_wait3A_23 = tpu.memref_slice %arg3[%dma_wait3A_21, %dma_wait3A_22] : memref<4096x128xi32, #tpu.memory_space<hbm>> -> memref<4096x128xi32, #tpu.memory_space<hbm>>
    tpu.wait_indirect_dma semaphore(%arg10 : memref<!tpu.dma_semaphore, #tpu.memory_space<semaphore_mem>>) src(%dma_wait3A_23 : memref<4096x128xi32, #tpu.memory_space<hbm>>) dst(%arg8 : memref<128x128xi32, #tpu.memory_space<vmem>>)
    %add3A_24 = arith.constant 128 : i32
    %add3A_25 = arith.addi %mul3A_2, %add3A_24 : i32
    "tpu.region"() ({
      %run_scoped3A = tpu.sem_alloc : memref<!tpu.dma_semaphore, #tpu.memory_space<semaphore_mem>>
      %dma_start3A_161 = arith.constant 0 : i32
      %dma_start3A_162 = tpu.memref_slice %arg4[%add3A_25, %dma_start3A_161] : memref<65536x128xi32, #tpu.memory_space<hbm>> -> memref<128x128xi32, #tpu.memory_space<hbm>>
      %dma_start3A_163 = arith.constant 0 : i32
      %dma_start3A_164 = tpu.memref_slice %arg4[%add3A_25, %dma_start3A_163] : memref<65536x128xi32, #tpu.memory_space<hbm>> -> memref<128x128xi32, #tpu.memory_space<hbm>>
      tpu.enqueue_dma source(%arg8 : memref<128x128xi32, #tpu.memory_space<vmem>>) target(%dma_start3A_164 : memref<128x128xi32, #tpu.memory_space<hbm>>) target_semaphore(%run_scoped3A : memref<!tpu.dma_semaphore, #tpu.memory_space<semaphore_mem>>)
      %dma_wait3A_165 = arith.constant 0 : i32
      %dma_wait3A_166 = tpu.memref_slice %arg4[%add3A_25, %dma_wait3A_165] : memref<65536x128xi32, #tpu.memory_space<hbm>> -> memref<128x128xi32, #tpu.memory_space<hbm>>
      %dma_wait3A_167 = arith.constant 0 : i32
      %dma_wait3A_168 = tpu.memref_slice %arg4[%add3A_25, %dma_wait3A_167] : memref<65536x128xi32, #tpu.memory_space<hbm>> -> memref<128x128xi32, #tpu.memory_space<hbm>>
      tpu.wait_dma2 semaphore(%run_scoped3A : memref<!tpu.dma_semaphore, #tpu.memory_space<semaphore_mem>>) src(%arg8 : memref<128x128xi32, #tpu.memory_space<vmem>>) dst(%dma_wait3A_168 : memref<128x128xi32, #tpu.memory_space<hbm>>)
      tpu.yield
    }) : () -> ()
    %add3A_26 = arith.constant 384 : i32
    %add3A_27 = arith.addi %mul3A_2, %add3A_26 : i32
    "tpu.region"() ({
      %run_scoped3A = tpu.sem_alloc : memref<!tpu.dma_semaphore, #tpu.memory_space<semaphore_mem>>
      %dma_start3A_161 = tpu.memref_slice %arg2[%add3A_27] : memref<65536xi32, #tpu.memory_space<hbm>> -> memref<128xi32, #tpu.memory_space<hbm>>
      %dma_start3A_162 = tpu.memref_slice %arg2[%add3A_27] : memref<65536xi32, #tpu.memory_space<hbm>> -> memref<128xi32, #tpu.memory_space<hbm>>
      tpu.enqueue_dma source(%dma_start3A_162 : memref<128xi32, #tpu.memory_space<hbm>>) target(%arg6 : memref<128xi32, #tpu.memory_space<vmem>>) target_semaphore(%run_scoped3A : memref<!tpu.dma_semaphore, #tpu.memory_space<semaphore_mem>>)
      %dma_wait3A_163 = tpu.memref_slice %arg2[%add3A_27] : memref<65536xi32, #tpu.memory_space<hbm>> -> memref<128xi32, #tpu.memory_space<hbm>>
      %dma_wait3A_164 = tpu.memref_slice %arg2[%add3A_27] : memref<65536xi32, #tpu.memory_space<hbm>> -> memref<128xi32, #tpu.memory_space<hbm>>
      tpu.wait_dma2 semaphore(%run_scoped3A : memref<!tpu.dma_semaphore, #tpu.memory_space<semaphore_mem>>) src(%dma_wait3A_164 : memref<128xi32, #tpu.memory_space<hbm>>) dst(%arg6 : memref<128xi32, #tpu.memory_space<vmem>>)
      tpu.yield
    }) : () -> ()
    %dma_start3A_28 = arith.constant 0 : i32
    %dma_start3A_29 = arith.constant 0 : i32
    %dma_start3A_30 = tpu.memref_slice %arg3[%dma_start3A_28, %dma_start3A_29] : memref<4096x128xi32, #tpu.memory_space<hbm>> -> memref<4096x128xi32, #tpu.memory_space<hbm>>
    tpu.enqueue_indirect_dma source(%dma_start3A_30 : memref<4096x128xi32, #tpu.memory_space<hbm>>) target(%arg8 : memref<128x128xi32, #tpu.memory_space<vmem>>) offsets(%arg6 : memref<128xi32, #tpu.memory_space<vmem>>) semaphore(%arg10 : memref<!tpu.dma_semaphore, #tpu.memory_space<semaphore_mem>>)
    %dma_wait3A_31 = arith.constant 0 : i32
    %dma_wait3A_32 = arith.constant 0 : i32
    %dma_wait3A_33 = tpu.memref_slice %arg3[%dma_wait3A_31, %dma_wait3A_32] : memref<4096x128xi32, #tpu.memory_space<hbm>> -> memref<4096x128xi32, #tpu.memory_space<hbm>>
    tpu.wait_indirect_dma semaphore(%arg9 : memref<!tpu.dma_semaphore, #tpu.memory_space<semaphore_mem>>) src(%dma_wait3A_33 : memref<4096x128xi32, #tpu.memory_space<hbm>>) dst(%arg7 : memref<128x128xi32, #tpu.memory_space<vmem>>)
    %add3A_34 = arith.constant 256 : i32
    %add3A_35 = arith.addi %mul3A_2, %add3A_34 : i32
    "tpu.region"() ({
      %run_scoped3A = tpu.sem_alloc : memref<!tpu.dma_semaphore, #tpu.memory_space<semaphore_mem>>
      %dma_start3A_161 = arith.constant 0 : i32
      %dma_start3A_162 = tpu.memref_slice %arg4[%add3A_35, %dma_start3A_161] : memref<65536x128xi32, #tpu.memory_space<hbm>> -> memref<128x128xi32, #tpu.memory_space<hbm>>
      %dma_start3A_163 = arith.constant 0 : i32
      %dma_start3A_164 = tpu.memref_slice %arg4[%add3A_35, %dma_start3A_163] : memref<65536x128xi32, #tpu.memory_space<hbm>> -> memref<128x128xi32, #tpu.memory_space<hbm>>
      tpu.enqueue_dma source(%arg7 : memref<128x128xi32, #tpu.memory_space<vmem>>) target(%dma_start3A_164 : memref<128x128xi32, #tpu.memory_space<hbm>>) target_semaphore(%run_scoped3A : memref<!tpu.dma_semaphore, #tpu.memory_space<semaphore_mem>>)
      %dma_wait3A_165 = arith.constant 0 : i32
      %dma_wait3A_166 = tpu.memref_slice %arg4[%add3A_35, %dma_wait3A_165] : memref<65536x128xi32, #tpu.memory_space<hbm>> -> memref<128x128xi32, #tpu.memory_space<hbm>>
      %dma_wait3A_167 = arith.constant 0 : i32
      %dma_wait3A_168 = tpu.memref_slice %arg4[%add3A_35, %dma_wait3A_167] : memref<65536x128xi32, #tpu.memory_space<hbm>> -> memref<128x128xi32, #tpu.memory_space<hbm>>
      tpu.wait_dma2 semaphore(%run_scoped3A : memref<!tpu.dma_semaphore, #tpu.memory_space<semaphore_mem>>) src(%arg7 : memref<128x128xi32, #tpu.memory_space<vmem>>) dst(%dma_wait3A_168 : memref<128x128xi32, #tpu.memory_space<hbm>>)
      tpu.yield
    }) : () -> ()
    %add3A_36 = arith.constant 512 : i32
    %add3A_37 = arith.addi %mul3A_2, %add3A_36 : i32
    "tpu.region"() ({
      %run_scoped3A = tpu.sem_alloc : memref<!tpu.dma_semaphore, #tpu.memory_space<semaphore_mem>>
      %dma_start3A_161 = tpu.memref_slice %arg2[%add3A_37] : memref<65536xi32, #tpu.memory_space<hbm>> -> memref<128xi32, #tpu.memory_space<hbm>>
      %dma_start3A_162 = tpu.memref_slice %arg2[%add3A_37] : memref<65536xi32, #tpu.memory_space<hbm>> -> memref<128xi32, #tpu.memory_space<hbm>>
      tpu.enqueue_dma source(%dma_start3A_162 : memref<128xi32, #tpu.memory_space<hbm>>) target(%arg5 : memref<128xi32, #tpu.memory_space<vmem>>) target_semaphore(%run_scoped3A : memref<!tpu.dma_semaphore, #tpu.memory_space<semaphore_mem>>)
      %dma_wait3A_163 = tpu.memref_slice %arg2[%add3A_37] : memref<65536xi32, #tpu.memory_space<hbm>> -> memref<128xi32, #tpu.memory_space<hbm>>
      %dma_wait3A_164 = tpu.memref_slice %arg2[%add3A_37] : memref<65536xi32, #tpu.memory_space<hbm>> -> memref<128xi32, #tpu.memory_space<hbm>>
      tpu.wait_dma2 semaphore(%run_scoped3A : memref<!tpu.dma_semaphore, #tpu.memory_space<semaphore_mem>>) src(%dma_wait3A_164 : memref<128xi32, #tpu.memory_space<hbm>>) dst(%arg5 : memref<128xi32, #tpu.memory_space<vmem>>)
      tpu.yield
    }) : () -> ()
    %dma_start3A_38 = arith.constant 0 : i32
    %dma_start3A_39 = arith.constant 0 : i32
    %dma_start3A_40 = tpu.memref_slice %arg3[%dma_start3A_38, %dma_start3A_39] : memref<4096x128xi32, #tpu.memory_space<hbm>> -> memref<4096x128xi32, #tpu.memory_space<hbm>>
    tpu.enqueue_indirect_dma source(%dma_start3A_40 : memref<4096x128xi32, #tpu.memory_space<hbm>>) target(%arg7 : memref<128x128xi32, #tpu.memory_space<vmem>>) offsets(%arg5 : memref<128xi32, #tpu.memory_space<vmem>>) semaphore(%arg9 : memref<!tpu.dma_semaphore, #tpu.memory_space<semaphore_mem>>)
    %dma_wait3A_41 = arith.constant 0 : i32
    %dma_wait3A_42 = arith.constant 0 : i32
    %dma_wait3A_43 = tpu.memref_slice %arg3[%dma_wait3A_41, %dma_wait3A_42] : memref<4096x128xi32, #tpu.memory_space<hbm>> -> memref<4096x128xi32, #tpu.memory_space<hbm>>
    tpu.wait_indirect_dma semaphore(%arg10 : memref<!tpu.dma_semaphore, #tpu.memory_space<semaphore_mem>>) src(%dma_wait3A_43 : memref<4096x128xi32, #tpu.memory_space<hbm>>) dst(%arg8 : memref<128x128xi32, #tpu.memory_space<vmem>>)
    %add3A_44 = arith.constant 384 : i32
    %add3A_45 = arith.addi %mul3A_2, %add3A_44 : i32
    "tpu.region"() ({
      %run_scoped3A = tpu.sem_alloc : memref<!tpu.dma_semaphore, #tpu.memory_space<semaphore_mem>>
      %dma_start3A_161 = arith.constant 0 : i32
      %dma_start3A_162 = tpu.memref_slice %arg4[%add3A_45, %dma_start3A_161] : memref<65536x128xi32, #tpu.memory_space<hbm>> -> memref<128x128xi32, #tpu.memory_space<hbm>>
      %dma_start3A_163 = arith.constant 0 : i32
      %dma_start3A_164 = tpu.memref_slice %arg4[%add3A_45, %dma_start3A_163] : memref<65536x128xi32, #tpu.memory_space<hbm>> -> memref<128x128xi32, #tpu.memory_space<hbm>>
      tpu.enqueue_dma source(%arg8 : memref<128x128xi32, #tpu.memory_space<vmem>>) target(%dma_start3A_164 : memref<128x128xi32, #tpu.memory_space<hbm>>) target_semaphore(%run_scoped3A : memref<!tpu.dma_semaphore, #tpu.memory_space<semaphore_mem>>)
      %dma_wait3A_165 = arith.constant 0 : i32
      %dma_wait3A_166 = tpu.memref_slice %arg4[%add3A_45, %dma_wait3A_165] : memref<65536x128xi32, #tpu.memory_space<hbm>> -> memref<128x128xi32, #tpu.memory_space<hbm>>
      %dma_wait3A_167 = arith.constant 0 : i32
      %dma_wait3A_168 = tpu.memref_slice %arg4[%add3A_45, %dma_wait3A_167] : memref<65536x128xi32, #tpu.memory_space<hbm>> -> memref<128x128xi32, #tpu.memory_space<hbm>>
      tpu.wait_dma2 semaphore(%run_scoped3A : memref<!tpu.dma_semaphore, #tpu.memory_space<semaphore_mem>>) src(%arg8 : memref<128x128xi32, #tpu.memory_space<vmem>>) dst(%dma_wait3A_168 : memref<128x128xi32, #tpu.memory_space<hbm>>)
      tpu.yield
    }) : () -> ()
    %add3A_46 = arith.constant 640 : i32
    %add3A_47 = arith.addi %mul3A_2, %add3A_46 : i32
    "tpu.region"() ({
      %run_scoped3A = tpu.sem_alloc : memref<!tpu.dma_semaphore, #tpu.memory_space<semaphore_mem>>
      %dma_start3A_161 = tpu.memref_slice %arg2[%add3A_47] : memref<65536xi32, #tpu.memory_space<hbm>> -> memref<128xi32, #tpu.memory_space<hbm>>
      %dma_start3A_162 = tpu.memref_slice %arg2[%add3A_47] : memref<65536xi32, #tpu.memory_space<hbm>> -> memref<128xi32, #tpu.memory_space<hbm>>
      tpu.enqueue_dma source(%dma_start3A_162 : memref<128xi32, #tpu.memory_space<hbm>>) target(%arg6 : memref<128xi32, #tpu.memory_space<vmem>>) target_semaphore(%run_scoped3A : memref<!tpu.dma_semaphore, #tpu.memory_space<semaphore_mem>>)
      %dma_wait3A_163 = tpu.memref_slice %arg2[%add3A_47] : memref<65536xi32, #tpu.memory_space<hbm>> -> memref<128xi32, #tpu.memory_space<hbm>>
      %dma_wait3A_164 = tpu.memref_slice %arg2[%add3A_47] : memref<65536xi32, #tpu.memory_space<hbm>> -> memref<128xi32, #tpu.memory_space<hbm>>
      tpu.wait_dma2 semaphore(%run_scoped3A : memref<!tpu.dma_semaphore, #tpu.memory_space<semaphore_mem>>) src(%dma_wait3A_164 : memref<128xi32, #tpu.memory_space<hbm>>) dst(%arg6 : memref<128xi32, #tpu.memory_space<vmem>>)
      tpu.yield
    }) : () -> ()
    %dma_start3A_48 = arith.constant 0 : i32
    %dma_start3A_49 = arith.constant 0 : i32
    %dma_start3A_50 = tpu.memref_slice %arg3[%dma_start3A_48, %dma_start3A_49] : memref<4096x128xi32, #tpu.memory_space<hbm>> -> memref<4096x128xi32, #tpu.memory_space<hbm>>
    tpu.enqueue_indirect_dma source(%dma_start3A_50 : memref<4096x128xi32, #tpu.memory_space<hbm>>) target(%arg8 : memref<128x128xi32, #tpu.memory_space<vmem>>) offsets(%arg6 : memref<128xi32, #tpu.memory_space<vmem>>) semaphore(%arg10 : memref<!tpu.dma_semaphore, #tpu.memory_space<semaphore_mem>>)
    %dma_wait3A_51 = arith.constant 0 : i32
    %dma_wait3A_52 = arith.constant 0 : i32
    %dma_wait3A_53 = tpu.memref_slice %arg3[%dma_wait3A_51, %dma_wait3A_52] : memref<4096x128xi32, #tpu.memory_space<hbm>> -> memref<4096x128xi32, #tpu.memory_space<hbm>>
    tpu.wait_indirect_dma semaphore(%arg9 : memref<!tpu.dma_semaphore, #tpu.memory_space<semaphore_mem>>) src(%dma_wait3A_53 : memref<4096x128xi32, #tpu.memory_space<hbm>>) dst(%arg7 : memref<128x128xi32, #tpu.memory_space<vmem>>)
    %add3A_54 = arith.constant 512 : i32
    %add3A_55 = arith.addi %mul3A_2, %add3A_54 : i32
    "tpu.region"() ({
      %run_scoped3A = tpu.sem_alloc : memref<!tpu.dma_semaphore, #tpu.memory_space<semaphore_mem>>
      %dma_start3A_161 = arith.constant 0 : i32
      %dma_start3A_162 = tpu.memref_slice %arg4[%add3A_55, %dma_start3A_161] : memref<65536x128xi32, #tpu.memory_space<hbm>> -> memref<128x128xi32, #tpu.memory_space<hbm>>
      %dma_start3A_163 = arith.constant 0 : i32
      %dma_start3A_164 = tpu.memref_slice %arg4[%add3A_55, %dma_start3A_163] : memref<65536x128xi32, #tpu.memory_space<hbm>> -> memref<128x128xi32, #tpu.memory_space<hbm>>
      tpu.enqueue_dma source(%arg7 : memref<128x128xi32, #tpu.memory_space<vmem>>) target(%dma_start3A_164 : memref<128x128xi32, #tpu.memory_space<hbm>>) target_semaphore(%run_scoped3A : memref<!tpu.dma_semaphore, #tpu.memory_space<semaphore_mem>>)
      %dma_wait3A_165 = arith.constant 0 : i32
      %dma_wait3A_166 = tpu.memref_slice %arg4[%add3A_55, %dma_wait3A_165] : memref<65536x128xi32, #tpu.memory_space<hbm>> -> memref<128x128xi32, #tpu.memory_space<hbm>>
      %dma_wait3A_167 = arith.constant 0 : i32
      %dma_wait3A_168 = tpu.memref_slice %arg4[%add3A_55, %dma_wait3A_167] : memref<65536x128xi32, #tpu.memory_space<hbm>> -> memref<128x128xi32, #tpu.memory_space<hbm>>
      tpu.wait_dma2 semaphore(%run_scoped3A : memref<!tpu.dma_semaphore, #tpu.memory_space<semaphore_mem>>) src(%arg7 : memref<128x128xi32, #tpu.memory_space<vmem>>) dst(%dma_wait3A_168 : memref<128x128xi32, #tpu.memory_space<hbm>>)
      tpu.yield
    }) : () -> ()
    %add3A_56 = arith.constant 768 : i32
    %add3A_57 = arith.addi %mul3A_2, %add3A_56 : i32
    "tpu.region"() ({
      %run_scoped3A = tpu.sem_alloc : memref<!tpu.dma_semaphore, #tpu.memory_space<semaphore_mem>>
      %dma_start3A_161 = tpu.memref_slice %arg2[%add3A_57] : memref<65536xi32, #tpu.memory_space<hbm>> -> memref<128xi32, #tpu.memory_space<hbm>>
      %dma_start3A_162 = tpu.memref_slice %arg2[%add3A_57] : memref<65536xi32, #tpu.memory_space<hbm>> -> memref<128xi32, #tpu.memory_space<hbm>>
      tpu.enqueue_dma source(%dma_start3A_162 : memref<128xi32, #tpu.memory_space<hbm>>) target(%arg5 : memref<128xi32, #tpu.memory_space<vmem>>) target_semaphore(%run_scoped3A : memref<!tpu.dma_semaphore, #tpu.memory_space<semaphore_mem>>)
      %dma_wait3A_163 = tpu.memref_slice %arg2[%add3A_57] : memref<65536xi32, #tpu.memory_space<hbm>> -> memref<128xi32, #tpu.memory_space<hbm>>
      %dma_wait3A_164 = tpu.memref_slice %arg2[%add3A_57] : memref<65536xi32, #tpu.memory_space<hbm>> -> memref<128xi32, #tpu.memory_space<hbm>>
      tpu.wait_dma2 semaphore(%run_scoped3A : memref<!tpu.dma_semaphore, #tpu.memory_space<semaphore_mem>>) src(%dma_wait3A_164 : memref<128xi32, #tpu.memory_space<hbm>>) dst(%arg5 : memref<128xi32, #tpu.memory_space<vmem>>)
      tpu.yield
    }) : () -> ()
    %dma_start3A_58 = arith.constant 0 : i32
    %dma_start3A_59 = arith.constant 0 : i32
    %dma_start3A_60 = tpu.memref_slice %arg3[%dma_start3A_58, %dma_start3A_59] : memref<4096x128xi32, #tpu.memory_space<hbm>> -> memref<4096x128xi32, #tpu.memory_space<hbm>>
    tpu.enqueue_indirect_dma source(%dma_start3A_60 : memref<4096x128xi32, #tpu.memory_space<hbm>>) target(%arg7 : memref<128x128xi32, #tpu.memory_space<vmem>>) offsets(%arg5 : memref<128xi32, #tpu.memory_space<vmem>>) semaphore(%arg9 : memref<!tpu.dma_semaphore, #tpu.memory_space<semaphore_mem>>)
    %dma_wait3A_61 = arith.constant 0 : i32
    %dma_wait3A_62 = arith.constant 0 : i32
    %dma_wait3A_63 = tpu.memref_slice %arg3[%dma_wait3A_61, %dma_wait3A_62] : memref<4096x128xi32, #tpu.memory_space<hbm>> -> memref<4096x128xi32, #tpu.memory_space<hbm>>
    tpu.wait_indirect_dma semaphore(%arg10 : memref<!tpu.dma_semaphore, #tpu.memory_space<semaphore_mem>>) src(%dma_wait3A_63 : memref<4096x128xi32, #tpu.memory_space<hbm>>) dst(%arg8 : memref<128x128xi32, #tpu.memory_space<vmem>>)
    %add3A_64 = arith.constant 640 : i32
    %add3A_65 = arith.addi %mul3A_2, %add3A_64 : i32
    "tpu.region"() ({
      %run_scoped3A = tpu.sem_alloc : memref<!tpu.dma_semaphore, #tpu.memory_space<semaphore_mem>>
      %dma_start3A_161 = arith.constant 0 : i32
      %dma_start3A_162 = tpu.memref_slice %arg4[%add3A_65, %dma_start3A_161] : memref<65536x128xi32, #tpu.memory_space<hbm>> -> memref<128x128xi32, #tpu.memory_space<hbm>>
      %dma_start3A_163 = arith.constant 0 : i32
      %dma_start3A_164 = tpu.memref_slice %arg4[%add3A_65, %dma_start3A_163] : memref<65536x128xi32, #tpu.memory_space<hbm>> -> memref<128x128xi32, #tpu.memory_space<hbm>>
      tpu.enqueue_dma source(%arg8 : memref<128x128xi32, #tpu.memory_space<vmem>>) target(%dma_start3A_164 : memref<128x128xi32, #tpu.memory_space<hbm>>) target_semaphore(%run_scoped3A : memref<!tpu.dma_semaphore, #tpu.memory_space<semaphore_mem>>)
      %dma_wait3A_165 = arith.constant 0 : i32
      %dma_wait3A_166 = tpu.memref_slice %arg4[%add3A_65, %dma_wait3A_165] : memref<65536x128xi32, #tpu.memory_space<hbm>> -> memref<128x128xi32, #tpu.memory_space<hbm>>
      %dma_wait3A_167 = arith.constant 0 : i32
      %dma_wait3A_168 = tpu.memref_slice %arg4[%add3A_65, %dma_wait3A_167] : memref<65536x128xi32, #tpu.memory_space<hbm>> -> memref<128x128xi32, #tpu.memory_space<hbm>>
      tpu.wait_dma2 semaphore(%run_scoped3A : memref<!tpu.dma_semaphore, #tpu.memory_space<semaphore_mem>>) src(%arg8 : memref<128x128xi32, #tpu.memory_space<vmem>>) dst(%dma_wait3A_168 : memref<128x128xi32, #tpu.memory_space<hbm>>)
      tpu.yield
    }) : () -> ()
    %add3A_66 = arith.constant 896 : i32
    %add3A_67 = arith.addi %mul3A_2, %add3A_66 : i32
    "tpu.region"() ({
      %run_scoped3A = tpu.sem_alloc : memref<!tpu.dma_semaphore, #tpu.memory_space<semaphore_mem>>
      %dma_start3A_161 = tpu.memref_slice %arg2[%add3A_67] : memref<65536xi32, #tpu.memory_space<hbm>> -> memref<128xi32, #tpu.memory_space<hbm>>
      %dma_start3A_162 = tpu.memref_slice %arg2[%add3A_67] : memref<65536xi32, #tpu.memory_space<hbm>> -> memref<128xi32, #tpu.memory_space<hbm>>
      tpu.enqueue_dma source(%dma_start3A_162 : memref<128xi32, #tpu.memory_space<hbm>>) target(%arg6 : memref<128xi32, #tpu.memory_space<vmem>>) target_semaphore(%run_scoped3A : memref<!tpu.dma_semaphore, #tpu.memory_space<semaphore_mem>>)
      %dma_wait3A_163 = tpu.memref_slice %arg2[%add3A_67] : memref<65536xi32, #tpu.memory_space<hbm>> -> memref<128xi32, #tpu.memory_space<hbm>>
      %dma_wait3A_164 = tpu.memref_slice %arg2[%add3A_67] : memref<65536xi32, #tpu.memory_space<hbm>> -> memref<128xi32, #tpu.memory_space<hbm>>
      tpu.wait_dma2 semaphore(%run_scoped3A : memref<!tpu.dma_semaphore, #tpu.memory_space<semaphore_mem>>) src(%dma_wait3A_164 : memref<128xi32, #tpu.memory_space<hbm>>) dst(%arg6 : memref<128xi32, #tpu.memory_space<vmem>>)
      tpu.yield
    }) : () -> ()
    %dma_start3A_68 = arith.constant 0 : i32
    %dma_start3A_69 = arith.constant 0 : i32
    %dma_start3A_70 = tpu.memref_slice %arg3[%dma_start3A_68, %dma_start3A_69] : memref<4096x128xi32, #tpu.memory_space<hbm>> -> memref<4096x128xi32, #tpu.memory_space<hbm>>
    tpu.enqueue_indirect_dma source(%dma_start3A_70 : memref<4096x128xi32, #tpu.memory_space<hbm>>) target(%arg8 : memref<128x128xi32, #tpu.memory_space<vmem>>) offsets(%arg6 : memref<128xi32, #tpu.memory_space<vmem>>) semaphore(%arg10 : memref<!tpu.dma_semaphore, #tpu.memory_space<semaphore_mem>>)
    %dma_wait3A_71 = arith.constant 0 : i32
    %dma_wait3A_72 = arith.constant 0 : i32
    %dma_wait3A_73 = tpu.memref_slice %arg3[%dma_wait3A_71, %dma_wait3A_72] : memref<4096x128xi32, #tpu.memory_space<hbm>> -> memref<4096x128xi32, #tpu.memory_space<hbm>>
    tpu.wait_indirect_dma semaphore(%arg9 : memref<!tpu.dma_semaphore, #tpu.memory_space<semaphore_mem>>) src(%dma_wait3A_73 : memref<4096x128xi32, #tpu.memory_space<hbm>>) dst(%arg7 : memref<128x128xi32, #tpu.memory_space<vmem>>)
    %add3A_74 = arith.constant 768 : i32
    %add3A_75 = arith.addi %mul3A_2, %add3A_74 : i32
    "tpu.region"() ({
      %run_scoped3A = tpu.sem_alloc : memref<!tpu.dma_semaphore, #tpu.memory_space<semaphore_mem>>
      %dma_start3A_161 = arith.constant 0 : i32
      %dma_start3A_162 = tpu.memref_slice %arg4[%add3A_75, %dma_start3A_161] : memref<65536x128xi32, #tpu.memory_space<hbm>> -> memref<128x128xi32, #tpu.memory_space<hbm>>
      %dma_start3A_163 = arith.constant 0 : i32
      %dma_start3A_164 = tpu.memref_slice %arg4[%add3A_75, %dma_start3A_163] : memref<65536x128xi32, #tpu.memory_space<hbm>> -> memref<128x128xi32, #tpu.memory_space<hbm>>
      tpu.enqueue_dma source(%arg7 : memref<128x128xi32, #tpu.memory_space<vmem>>) target(%dma_start3A_164 : memref<128x128xi32, #tpu.memory_space<hbm>>) target_semaphore(%run_scoped3A : memref<!tpu.dma_semaphore, #tpu.memory_space<semaphore_mem>>)
      %dma_wait3A_165 = arith.constant 0 : i32
      %dma_wait3A_166 = tpu.memref_slice %arg4[%add3A_75, %dma_wait3A_165] : memref<65536x128xi32, #tpu.memory_space<hbm>> -> memref<128x128xi32, #tpu.memory_space<hbm>>
      %dma_wait3A_167 = arith.constant 0 : i32
      %dma_wait3A_168 = tpu.memref_slice %arg4[%add3A_75, %dma_wait3A_167] : memref<65536x128xi32, #tpu.memory_space<hbm>> -> memref<128x128xi32, #tpu.memory_space<hbm>>
      tpu.wait_dma2 semaphore(%run_scoped3A : memref<!tpu.dma_semaphore, #tpu.memory_space<semaphore_mem>>) src(%arg7 : memref<128x128xi32, #tpu.memory_space<vmem>>) dst(%dma_wait3A_168 : memref<128x128xi32, #tpu.memory_space<hbm>>)
      tpu.yield
    }) : () -> ()
    %add3A_76 = arith.constant 1024 : i32
    %add3A_77 = arith.addi %mul3A_2, %add3A_76 : i32
    "tpu.region"() ({
      %run_scoped3A = tpu.sem_alloc : memref<!tpu.dma_semaphore, #tpu.memory_space<semaphore_mem>>
      %dma_start3A_161 = tpu.memref_slice %arg2[%add3A_77] : memref<65536xi32, #tpu.memory_space<hbm>> -> memref<128xi32, #tpu.memory_space<hbm>>
      %dma_start3A_162 = tpu.memref_slice %arg2[%add3A_77] : memref<65536xi32, #tpu.memory_space<hbm>> -> memref<128xi32, #tpu.memory_space<hbm>>
      tpu.enqueue_dma source(%dma_start3A_162 : memref<128xi32, #tpu.memory_space<hbm>>) target(%arg5 : memref<128xi32, #tpu.memory_space<vmem>>) target_semaphore(%run_scoped3A : memref<!tpu.dma_semaphore, #tpu.memory_space<semaphore_mem>>)
      %dma_wait3A_163 = tpu.memref_slice %arg2[%add3A_77] : memref<65536xi32, #tpu.memory_space<hbm>> -> memref<128xi32, #tpu.memory_space<hbm>>
      %dma_wait3A_164 = tpu.memref_slice %arg2[%add3A_77] : memref<65536xi32, #tpu.memory_space<hbm>> -> memref<128xi32, #tpu.memory_space<hbm>>
      tpu.wait_dma2 semaphore(%run_scoped3A : memref<!tpu.dma_semaphore, #tpu.memory_space<semaphore_mem>>) src(%dma_wait3A_164 : memref<128xi32, #tpu.memory_space<hbm>>) dst(%arg5 : memref<128xi32, #tpu.memory_space<vmem>>)
      tpu.yield
    }) : () -> ()
    %dma_start3A_78 = arith.constant 0 : i32
    %dma_start3A_79 = arith.constant 0 : i32
    %dma_start3A_80 = tpu.memref_slice %arg3[%dma_start3A_78, %dma_start3A_79] : memref<4096x128xi32, #tpu.memory_space<hbm>> -> memref<4096x128xi32, #tpu.memory_space<hbm>>
    tpu.enqueue_indirect_dma source(%dma_start3A_80 : memref<4096x128xi32, #tpu.memory_space<hbm>>) target(%arg7 : memref<128x128xi32, #tpu.memory_space<vmem>>) offsets(%arg5 : memref<128xi32, #tpu.memory_space<vmem>>) semaphore(%arg9 : memref<!tpu.dma_semaphore, #tpu.memory_space<semaphore_mem>>)
    %dma_wait3A_81 = arith.constant 0 : i32
    %dma_wait3A_82 = arith.constant 0 : i32
    %dma_wait3A_83 = tpu.memref_slice %arg3[%dma_wait3A_81, %dma_wait3A_82] : memref<4096x128xi32, #tpu.memory_space<hbm>> -> memref<4096x128xi32, #tpu.memory_space<hbm>>
    tpu.wait_indirect_dma semaphore(%arg10 : memref<!tpu.dma_semaphore, #tpu.memory_space<semaphore_mem>>) src(%dma_wait3A_83 : memref<4096x128xi32, #tpu.memory_space<hbm>>) dst(%arg8 : memref<128x128xi32, #tpu.memory_space<vmem>>)
    %add3A_84 = arith.constant 896 : i32
    %add3A_85 = arith.addi %mul3A_2, %add3A_84 : i32
    "tpu.region"() ({
      %run_scoped3A = tpu.sem_alloc : memref<!tpu.dma_semaphore, #tpu.memory_space<semaphore_mem>>
      %dma_start3A_161 = arith.constant 0 : i32
      %dma_start3A_162 = tpu.memref_slice %arg4[%add3A_85, %dma_start3A_161] : memref<65536x128xi32, #tpu.memory_space<hbm>> -> memref<128x128xi32, #tpu.memory_space<hbm>>
      %dma_start3A_163 = arith.constant 0 : i32
      %dma_start3A_164 = tpu.memref_slice %arg4[%add3A_85, %dma_start3A_163] : memref<65536x128xi32, #tpu.memory_space<hbm>> -> memref<128x128xi32, #tpu.memory_space<hbm>>
      tpu.enqueue_dma source(%arg8 : memref<128x128xi32, #tpu.memory_space<vmem>>) target(%dma_start3A_164 : memref<128x128xi32, #tpu.memory_space<hbm>>) target_semaphore(%run_scoped3A : memref<!tpu.dma_semaphore, #tpu.memory_space<semaphore_mem>>)
      %dma_wait3A_165 = arith.constant 0 : i32
      %dma_wait3A_166 = tpu.memref_slice %arg4[%add3A_85, %dma_wait3A_165] : memref<65536x128xi32, #tpu.memory_space<hbm>> -> memref<128x128xi32, #tpu.memory_space<hbm>>
      %dma_wait3A_167 = arith.constant 0 : i32
      %dma_wait3A_168 = tpu.memref_slice %arg4[%add3A_85, %dma_wait3A_167] : memref<65536x128xi32, #tpu.memory_space<hbm>> -> memref<128x128xi32, #tpu.memory_space<hbm>>
      tpu.wait_dma2 semaphore(%run_scoped3A : memref<!tpu.dma_semaphore, #tpu.memory_space<semaphore_mem>>) src(%arg8 : memref<128x128xi32, #tpu.memory_space<vmem>>) dst(%dma_wait3A_168 : memref<128x128xi32, #tpu.memory_space<hbm>>)
      tpu.yield
    }) : () -> ()
    %add3A_86 = arith.constant 1152 : i32
    %add3A_87 = arith.addi %mul3A_2, %add3A_86 : i32
    "tpu.region"() ({
      %run_scoped3A = tpu.sem_alloc : memref<!tpu.dma_semaphore, #tpu.memory_space<semaphore_mem>>
      %dma_start3A_161 = tpu.memref_slice %arg2[%add3A_87] : memref<65536xi32, #tpu.memory_space<hbm>> -> memref<128xi32, #tpu.memory_space<hbm>>
      %dma_start3A_162 = tpu.memref_slice %arg2[%add3A_87] : memref<65536xi32, #tpu.memory_space<hbm>> -> memref<128xi32, #tpu.memory_space<hbm>>
      tpu.enqueue_dma source(%dma_start3A_162 : memref<128xi32, #tpu.memory_space<hbm>>) target(%arg6 : memref<128xi32, #tpu.memory_space<vmem>>) target_semaphore(%run_scoped3A : memref<!tpu.dma_semaphore, #tpu.memory_space<semaphore_mem>>)
      %dma_wait3A_163 = tpu.memref_slice %arg2[%add3A_87] : memref<65536xi32, #tpu.memory_space<hbm>> -> memref<128xi32, #tpu.memory_space<hbm>>
      %dma_wait3A_164 = tpu.memref_slice %arg2[%add3A_87] : memref<65536xi32, #tpu.memory_space<hbm>> -> memref<128xi32, #tpu.memory_space<hbm>>
      tpu.wait_dma2 semaphore(%run_scoped3A : memref<!tpu.dma_semaphore, #tpu.memory_space<semaphore_mem>>) src(%dma_wait3A_164 : memref<128xi32, #tpu.memory_space<hbm>>) dst(%arg6 : memref<128xi32, #tpu.memory_space<vmem>>)
      tpu.yield
    }) : () -> ()
    %dma_start3A_88 = arith.constant 0 : i32
    %dma_start3A_89 = arith.constant 0 : i32
    %dma_start3A_90 = tpu.memref_slice %arg3[%dma_start3A_88, %dma_start3A_89] : memref<4096x128xi32, #tpu.memory_space<hbm>> -> memref<4096x128xi32, #tpu.memory_space<hbm>>
    tpu.enqueue_indirect_dma source(%dma_start3A_90 : memref<4096x128xi32, #tpu.memory_space<hbm>>) target(%arg8 : memref<128x128xi32, #tpu.memory_space<vmem>>) offsets(%arg6 : memref<128xi32, #tpu.memory_space<vmem>>) semaphore(%arg10 : memref<!tpu.dma_semaphore, #tpu.memory_space<semaphore_mem>>)
    %dma_wait3A_91 = arith.constant 0 : i32
    %dma_wait3A_92 = arith.constant 0 : i32
    %dma_wait3A_93 = tpu.memref_slice %arg3[%dma_wait3A_91, %dma_wait3A_92] : memref<4096x128xi32, #tpu.memory_space<hbm>> -> memref<4096x128xi32, #tpu.memory_space<hbm>>
    tpu.wait_indirect_dma semaphore(%arg9 : memref<!tpu.dma_semaphore, #tpu.memory_space<semaphore_mem>>) src(%dma_wait3A_93 : memref<4096x128xi32, #tpu.memory_space<hbm>>) dst(%arg7 : memref<128x128xi32, #tpu.memory_space<vmem>>)
    %add3A_94 = arith.constant 1024 : i32
    %add3A_95 = arith.addi %mul3A_2, %add3A_94 : i32
    "tpu.region"() ({
      %run_scoped3A = tpu.sem_alloc : memref<!tpu.dma_semaphore, #tpu.memory_space<semaphore_mem>>
      %dma_start3A_161 = arith.constant 0 : i32
      %dma_start3A_162 = tpu.memref_slice %arg4[%add3A_95, %dma_start3A_161] : memref<65536x128xi32, #tpu.memory_space<hbm>> -> memref<128x128xi32, #tpu.memory_space<hbm>>
      %dma_start3A_163 = arith.constant 0 : i32
      %dma_start3A_164 = tpu.memref_slice %arg4[%add3A_95, %dma_start3A_163] : memref<65536x128xi32, #tpu.memory_space<hbm>> -> memref<128x128xi32, #tpu.memory_space<hbm>>
      tpu.enqueue_dma source(%arg7 : memref<128x128xi32, #tpu.memory_space<vmem>>) target(%dma_start3A_164 : memref<128x128xi32, #tpu.memory_space<hbm>>) target_semaphore(%run_scoped3A : memref<!tpu.dma_semaphore, #tpu.memory_space<semaphore_mem>>)
      %dma_wait3A_165 = arith.constant 0 : i32
      %dma_wait3A_166 = tpu.memref_slice %arg4[%add3A_95, %dma_wait3A_165] : memref<65536x128xi32, #tpu.memory_space<hbm>> -> memref<128x128xi32, #tpu.memory_space<hbm>>
      %dma_wait3A_167 = arith.constant 0 : i32
      %dma_wait3A_168 = tpu.memref_slice %arg4[%add3A_95, %dma_wait3A_167] : memref<65536x128xi32, #tpu.memory_space<hbm>> -> memref<128x128xi32, #tpu.memory_space<hbm>>
      tpu.wait_dma2 semaphore(%run_scoped3A : memref<!tpu.dma_semaphore, #tpu.memory_space<semaphore_mem>>) src(%arg7 : memref<128x128xi32, #tpu.memory_space<vmem>>) dst(%dma_wait3A_168 : memref<128x128xi32, #tpu.memory_space<hbm>>)
      tpu.yield
    }) : () -> ()
    %add3A_96 = arith.constant 1280 : i32
    %add3A_97 = arith.addi %mul3A_2, %add3A_96 : i32
    "tpu.region"() ({
      %run_scoped3A = tpu.sem_alloc : memref<!tpu.dma_semaphore, #tpu.memory_space<semaphore_mem>>
      %dma_start3A_161 = tpu.memref_slice %arg2[%add3A_97] : memref<65536xi32, #tpu.memory_space<hbm>> -> memref<128xi32, #tpu.memory_space<hbm>>
      %dma_start3A_162 = tpu.memref_slice %arg2[%add3A_97] : memref<65536xi32, #tpu.memory_space<hbm>> -> memref<128xi32, #tpu.memory_space<hbm>>
      tpu.enqueue_dma source(%dma_start3A_162 : memref<128xi32, #tpu.memory_space<hbm>>) target(%arg5 : memref<128xi32, #tpu.memory_space<vmem>>) target_semaphore(%run_scoped3A : memref<!tpu.dma_semaphore, #tpu.memory_space<semaphore_mem>>)
      %dma_wait3A_163 = tpu.memref_slice %arg2[%add3A_97] : memref<65536xi32, #tpu.memory_space<hbm>> -> memref<128xi32, #tpu.memory_space<hbm>>
      %dma_wait3A_164 = tpu.memref_slice %arg2[%add3A_97] : memref<65536xi32, #tpu.memory_space<hbm>> -> memref<128xi32, #tpu.memory_space<hbm>>
      tpu.wait_dma2 semaphore(%run_scoped3A : memref<!tpu.dma_semaphore, #tpu.memory_space<semaphore_mem>>) src(%dma_wait3A_164 : memref<128xi32, #tpu.memory_space<hbm>>) dst(%arg5 : memref<128xi32, #tpu.memory_space<vmem>>)
      tpu.yield
    }) : () -> ()
    %dma_start3A_98 = arith.constant 0 : i32
    %dma_start3A_99 = arith.constant 0 : i32
    %dma_start3A_100 = tpu.memref_slice %arg3[%dma_start3A_98, %dma_start3A_99] : memref<4096x128xi32, #tpu.memory_space<hbm>> -> memref<4096x128xi32, #tpu.memory_space<hbm>>
    tpu.enqueue_indirect_dma source(%dma_start3A_100 : memref<4096x128xi32, #tpu.memory_space<hbm>>) target(%arg7 : memref<128x128xi32, #tpu.memory_space<vmem>>) offsets(%arg5 : memref<128xi32, #tpu.memory_space<vmem>>) semaphore(%arg9 : memref<!tpu.dma_semaphore, #tpu.memory_space<semaphore_mem>>)
    %dma_wait3A_101 = arith.constant 0 : i32
    %dma_wait3A_102 = arith.constant 0 : i32
    %dma_wait3A_103 = tpu.memref_slice %arg3[%dma_wait3A_101, %dma_wait3A_102] : memref<4096x128xi32, #tpu.memory_space<hbm>> -> memref<4096x128xi32, #tpu.memory_space<hbm>>
    tpu.wait_indirect_dma semaphore(%arg10 : memref<!tpu.dma_semaphore, #tpu.memory_space<semaphore_mem>>) src(%dma_wait3A_103 : memref<4096x128xi32, #tpu.memory_space<hbm>>) dst(%arg8 : memref<128x128xi32, #tpu.memory_space<vmem>>)
    %add3A_104 = arith.constant 1152 : i32
    %add3A_105 = arith.addi %mul3A_2, %add3A_104 : i32
    "tpu.region"() ({
      %run_scoped3A = tpu.sem_alloc : memref<!tpu.dma_semaphore, #tpu.memory_space<semaphore_mem>>
      %dma_start3A_161 = arith.constant 0 : i32
      %dma_start3A_162 = tpu.memref_slice %arg4[%add3A_105, %dma_start3A_161] : memref<65536x128xi32, #tpu.memory_space<hbm>> -> memref<128x128xi32, #tpu.memory_space<hbm>>
      %dma_start3A_163 = arith.constant 0 : i32
      %dma_start3A_164 = tpu.memref_slice %arg4[%add3A_105, %dma_start3A_163] : memref<65536x128xi32, #tpu.memory_space<hbm>> -> memref<128x128xi32, #tpu.memory_space<hbm>>
      tpu.enqueue_dma source(%arg8 : memref<128x128xi32, #tpu.memory_space<vmem>>) target(%dma_start3A_164 : memref<128x128xi32, #tpu.memory_space<hbm>>) target_semaphore(%run_scoped3A : memref<!tpu.dma_semaphore, #tpu.memory_space<semaphore_mem>>)
      %dma_wait3A_165 = arith.constant 0 : i32
      %dma_wait3A_166 = tpu.memref_slice %arg4[%add3A_105, %dma_wait3A_165] : memref<65536x128xi32, #tpu.memory_space<hbm>> -> memref<128x128xi32, #tpu.memory_space<hbm>>
      %dma_wait3A_167 = arith.constant 0 : i32
      %dma_wait3A_168 = tpu.memref_slice %arg4[%add3A_105, %dma_wait3A_167] : memref<65536x128xi32, #tpu.memory_space<hbm>> -> memref<128x128xi32, #tpu.memory_space<hbm>>
      tpu.wait_dma2 semaphore(%run_scoped3A : memref<!tpu.dma_semaphore, #tpu.memory_space<semaphore_mem>>) src(%arg8 : memref<128x128xi32, #tpu.memory_space<vmem>>) dst(%dma_wait3A_168 : memref<128x128xi32, #tpu.memory_space<hbm>>)
      tpu.yield
    }) : () -> ()
    %add3A_106 = arith.constant 1408 : i32
    %add3A_107 = arith.addi %mul3A_2, %add3A_106 : i32
    "tpu.region"() ({
      %run_scoped3A = tpu.sem_alloc : memref<!tpu.dma_semaphore, #tpu.memory_space<semaphore_mem>>
      %dma_start3A_161 = tpu.memref_slice %arg2[%add3A_107] : memref<65536xi32, #tpu.memory_space<hbm>> -> memref<128xi32, #tpu.memory_space<hbm>>
      %dma_start3A_162 = tpu.memref_slice %arg2[%add3A_107] : memref<65536xi32, #tpu.memory_space<hbm>> -> memref<128xi32, #tpu.memory_space<hbm>>
      tpu.enqueue_dma source(%dma_start3A_162 : memref<128xi32, #tpu.memory_space<hbm>>) target(%arg6 : memref<128xi32, #tpu.memory_space<vmem>>) target_semaphore(%run_scoped3A : memref<!tpu.dma_semaphore, #tpu.memory_space<semaphore_mem>>)
      %dma_wait3A_163 = tpu.memref_slice %arg2[%add3A_107] : memref<65536xi32, #tpu.memory_space<hbm>> -> memref<128xi32, #tpu.memory_space<hbm>>
      %dma_wait3A_164 = tpu.memref_slice %arg2[%add3A_107] : memref<65536xi32, #tpu.memory_space<hbm>> -> memref<128xi32, #tpu.memory_space<hbm>>
      tpu.wait_dma2 semaphore(%run_scoped3A : memref<!tpu.dma_semaphore, #tpu.memory_space<semaphore_mem>>) src(%dma_wait3A_164 : memref<128xi32, #tpu.memory_space<hbm>>) dst(%arg6 : memref<128xi32, #tpu.memory_space<vmem>>)
      tpu.yield
    }) : () -> ()
    %dma_start3A_108 = arith.constant 0 : i32
    %dma_start3A_109 = arith.constant 0 : i32
    %dma_start3A_110 = tpu.memref_slice %arg3[%dma_start3A_108, %dma_start3A_109] : memref<4096x128xi32, #tpu.memory_space<hbm>> -> memref<4096x128xi32, #tpu.memory_space<hbm>>
    tpu.enqueue_indirect_dma source(%dma_start3A_110 : memref<4096x128xi32, #tpu.memory_space<hbm>>) target(%arg8 : memref<128x128xi32, #tpu.memory_space<vmem>>) offsets(%arg6 : memref<128xi32, #tpu.memory_space<vmem>>) semaphore(%arg10 : memref<!tpu.dma_semaphore, #tpu.memory_space<semaphore_mem>>)
    %dma_wait3A_111 = arith.constant 0 : i32
    %dma_wait3A_112 = arith.constant 0 : i32
    %dma_wait3A_113 = tpu.memref_slice %arg3[%dma_wait3A_111, %dma_wait3A_112] : memref<4096x128xi32, #tpu.memory_space<hbm>> -> memref<4096x128xi32, #tpu.memory_space<hbm>>
    tpu.wait_indirect_dma semaphore(%arg9 : memref<!tpu.dma_semaphore, #tpu.memory_space<semaphore_mem>>) src(%dma_wait3A_113 : memref<4096x128xi32, #tpu.memory_space<hbm>>) dst(%arg7 : memref<128x128xi32, #tpu.memory_space<vmem>>)
    %add3A_114 = arith.constant 1280 : i32
    %add3A_115 = arith.addi %mul3A_2, %add3A_114 : i32
    "tpu.region"() ({
      %run_scoped3A = tpu.sem_alloc : memref<!tpu.dma_semaphore, #tpu.memory_space<semaphore_mem>>
      %dma_start3A_161 = arith.constant 0 : i32
      %dma_start3A_162 = tpu.memref_slice %arg4[%add3A_115, %dma_start3A_161] : memref<65536x128xi32, #tpu.memory_space<hbm>> -> memref<128x128xi32, #tpu.memory_space<hbm>>
      %dma_start3A_163 = arith.constant 0 : i32
      %dma_start3A_164 = tpu.memref_slice %arg4[%add3A_115, %dma_start3A_163] : memref<65536x128xi32, #tpu.memory_space<hbm>> -> memref<128x128xi32, #tpu.memory_space<hbm>>
      tpu.enqueue_dma source(%arg7 : memref<128x128xi32, #tpu.memory_space<vmem>>) target(%dma_start3A_164 : memref<128x128xi32, #tpu.memory_space<hbm>>) target_semaphore(%run_scoped3A : memref<!tpu.dma_semaphore, #tpu.memory_space<semaphore_mem>>)
      %dma_wait3A_165 = arith.constant 0 : i32
      %dma_wait3A_166 = tpu.memref_slice %arg4[%add3A_115, %dma_wait3A_165] : memref<65536x128xi32, #tpu.memory_space<hbm>> -> memref<128x128xi32, #tpu.memory_space<hbm>>
      %dma_wait3A_167 = arith.constant 0 : i32
      %dma_wait3A_168 = tpu.memref_slice %arg4[%add3A_115, %dma_wait3A_167] : memref<65536x128xi32, #tpu.memory_space<hbm>> -> memref<128x128xi32, #tpu.memory_space<hbm>>
      tpu.wait_dma2 semaphore(%run_scoped3A : memref<!tpu.dma_semaphore, #tpu.memory_space<semaphore_mem>>) src(%arg7 : memref<128x128xi32, #tpu.memory_space<vmem>>) dst(%dma_wait3A_168 : memref<128x128xi32, #tpu.memory_space<hbm>>)
      tpu.yield
    }) : () -> ()
    %add3A_116 = arith.constant 1536 : i32
    %add3A_117 = arith.addi %mul3A_2, %add3A_116 : i32
    "tpu.region"() ({
      %run_scoped3A = tpu.sem_alloc : memref<!tpu.dma_semaphore, #tpu.memory_space<semaphore_mem>>
      %dma_start3A_161 = tpu.memref_slice %arg2[%add3A_117] : memref<65536xi32, #tpu.memory_space<hbm>> -> memref<128xi32, #tpu.memory_space<hbm>>
      %dma_start3A_162 = tpu.memref_slice %arg2[%add3A_117] : memref<65536xi32, #tpu.memory_space<hbm>> -> memref<128xi32, #tpu.memory_space<hbm>>
      tpu.enqueue_dma source(%dma_start3A_162 : memref<128xi32, #tpu.memory_space<hbm>>) target(%arg5 : memref<128xi32, #tpu.memory_space<vmem>>) target_semaphore(%run_scoped3A : memref<!tpu.dma_semaphore, #tpu.memory_space<semaphore_mem>>)
      %dma_wait3A_163 = tpu.memref_slice %arg2[%add3A_117] : memref<65536xi32, #tpu.memory_space<hbm>> -> memref<128xi32, #tpu.memory_space<hbm>>
      %dma_wait3A_164 = tpu.memref_slice %arg2[%add3A_117] : memref<65536xi32, #tpu.memory_space<hbm>> -> memref<128xi32, #tpu.memory_space<hbm>>
      tpu.wait_dma2 semaphore(%run_scoped3A : memref<!tpu.dma_semaphore, #tpu.memory_space<semaphore_mem>>) src(%dma_wait3A_164 : memref<128xi32, #tpu.memory_space<hbm>>) dst(%arg5 : memref<128xi32, #tpu.memory_space<vmem>>)
      tpu.yield
    }) : () -> ()
    %dma_start3A_118 = arith.constant 0 : i32
    %dma_start3A_119 = arith.constant 0 : i32
    %dma_start3A_120 = tpu.memref_slice %arg3[%dma_start3A_118, %dma_start3A_119] : memref<4096x128xi32, #tpu.memory_space<hbm>> -> memref<4096x128xi32, #tpu.memory_space<hbm>>
    tpu.enqueue_indirect_dma source(%dma_start3A_120 : memref<4096x128xi32, #tpu.memory_space<hbm>>) target(%arg7 : memref<128x128xi32, #tpu.memory_space<vmem>>) offsets(%arg5 : memref<128xi32, #tpu.memory_space<vmem>>) semaphore(%arg9 : memref<!tpu.dma_semaphore, #tpu.memory_space<semaphore_mem>>)
    %dma_wait3A_121 = arith.constant 0 : i32
    %dma_wait3A_122 = arith.constant 0 : i32
    %dma_wait3A_123 = tpu.memref_slice %arg3[%dma_wait3A_121, %dma_wait3A_122] : memref<4096x128xi32, #tpu.memory_space<hbm>> -> memref<4096x128xi32, #tpu.memory_space<hbm>>
    tpu.wait_indirect_dma semaphore(%arg10 : memref<!tpu.dma_semaphore, #tpu.memory_space<semaphore_mem>>) src(%dma_wait3A_123 : memref<4096x128xi32, #tpu.memory_space<hbm>>) dst(%arg8 : memref<128x128xi32, #tpu.memory_space<vmem>>)
    %add3A_124 = arith.constant 1408 : i32
    %add3A_125 = arith.addi %mul3A_2, %add3A_124 : i32
    "tpu.region"() ({
      %run_scoped3A = tpu.sem_alloc : memref<!tpu.dma_semaphore, #tpu.memory_space<semaphore_mem>>
      %dma_start3A_161 = arith.constant 0 : i32
      %dma_start3A_162 = tpu.memref_slice %arg4[%add3A_125, %dma_start3A_161] : memref<65536x128xi32, #tpu.memory_space<hbm>> -> memref<128x128xi32, #tpu.memory_space<hbm>>
      %dma_start3A_163 = arith.constant 0 : i32
      %dma_start3A_164 = tpu.memref_slice %arg4[%add3A_125, %dma_start3A_163] : memref<65536x128xi32, #tpu.memory_space<hbm>> -> memref<128x128xi32, #tpu.memory_space<hbm>>
      tpu.enqueue_dma source(%arg8 : memref<128x128xi32, #tpu.memory_space<vmem>>) target(%dma_start3A_164 : memref<128x128xi32, #tpu.memory_space<hbm>>) target_semaphore(%run_scoped3A : memref<!tpu.dma_semaphore, #tpu.memory_space<semaphore_mem>>)
      %dma_wait3A_165 = arith.constant 0 : i32
      %dma_wait3A_166 = tpu.memref_slice %arg4[%add3A_125, %dma_wait3A_165] : memref<65536x128xi32, #tpu.memory_space<hbm>> -> memref<128x128xi32, #tpu.memory_space<hbm>>
      %dma_wait3A_167 = arith.constant 0 : i32
      %dma_wait3A_168 = tpu.memref_slice %arg4[%add3A_125, %dma_wait3A_167] : memref<65536x128xi32, #tpu.memory_space<hbm>> -> memref<128x128xi32, #tpu.memory_space<hbm>>
      tpu.wait_dma2 semaphore(%run_scoped3A : memref<!tpu.dma_semaphore, #tpu.memory_space<semaphore_mem>>) src(%arg8 : memref<128x128xi32, #tpu.memory_space<vmem>>) dst(%dma_wait3A_168 : memref<128x128xi32, #tpu.memory_space<hbm>>)
      tpu.yield
    }) : () -> ()
    %add3A_126 = arith.constant 1664 : i32
    %add3A_127 = arith.addi %mul3A_2, %add3A_126 : i32
    "tpu.region"() ({
      %run_scoped3A = tpu.sem_alloc : memref<!tpu.dma_semaphore, #tpu.memory_space<semaphore_mem>>
      %dma_start3A_161 = tpu.memref_slice %arg2[%add3A_127] : memref<65536xi32, #tpu.memory_space<hbm>> -> memref<128xi32, #tpu.memory_space<hbm>>
      %dma_start3A_162 = tpu.memref_slice %arg2[%add3A_127] : memref<65536xi32, #tpu.memory_space<hbm>> -> memref<128xi32, #tpu.memory_space<hbm>>
      tpu.enqueue_dma source(%dma_start3A_162 : memref<128xi32, #tpu.memory_space<hbm>>) target(%arg6 : memref<128xi32, #tpu.memory_space<vmem>>) target_semaphore(%run_scoped3A : memref<!tpu.dma_semaphore, #tpu.memory_space<semaphore_mem>>)
      %dma_wait3A_163 = tpu.memref_slice %arg2[%add3A_127] : memref<65536xi32, #tpu.memory_space<hbm>> -> memref<128xi32, #tpu.memory_space<hbm>>
      %dma_wait3A_164 = tpu.memref_slice %arg2[%add3A_127] : memref<65536xi32, #tpu.memory_space<hbm>> -> memref<128xi32, #tpu.memory_space<hbm>>
      tpu.wait_dma2 semaphore(%run_scoped3A : memref<!tpu.dma_semaphore, #tpu.memory_space<semaphore_mem>>) src(%dma_wait3A_164 : memref<128xi32, #tpu.memory_space<hbm>>) dst(%arg6 : memref<128xi32, #tpu.memory_space<vmem>>)
      tpu.yield
    }) : () -> ()
    %dma_start3A_128 = arith.constant 0 : i32
    %dma_start3A_129 = arith.constant 0 : i32
    %dma_start3A_130 = tpu.memref_slice %arg3[%dma_start3A_128, %dma_start3A_129] : memref<4096x128xi32, #tpu.memory_space<hbm>> -> memref<4096x128xi32, #tpu.memory_space<hbm>>
    tpu.enqueue_indirect_dma source(%dma_start3A_130 : memref<4096x128xi32, #tpu.memory_space<hbm>>) target(%arg8 : memref<128x128xi32, #tpu.memory_space<vmem>>) offsets(%arg6 : memref<128xi32, #tpu.memory_space<vmem>>) semaphore(%arg10 : memref<!tpu.dma_semaphore, #tpu.memory_space<semaphore_mem>>)
    %dma_wait3A_131 = arith.constant 0 : i32
    %dma_wait3A_132 = arith.constant 0 : i32
    %dma_wait3A_133 = tpu.memref_slice %arg3[%dma_wait3A_131, %dma_wait3A_132] : memref<4096x128xi32, #tpu.memory_space<hbm>> -> memref<4096x128xi32, #tpu.memory_space<hbm>>
    tpu.wait_indirect_dma semaphore(%arg9 : memref<!tpu.dma_semaphore, #tpu.memory_space<semaphore_mem>>) src(%dma_wait3A_133 : memref<4096x128xi32, #tpu.memory_space<hbm>>) dst(%arg7 : memref<128x128xi32, #tpu.memory_space<vmem>>)
    %add3A_134 = arith.constant 1536 : i32
    %add3A_135 = arith.addi %mul3A_2, %add3A_134 : i32
    "tpu.region"() ({
      %run_scoped3A = tpu.sem_alloc : memref<!tpu.dma_semaphore, #tpu.memory_space<semaphore_mem>>
      %dma_start3A_161 = arith.constant 0 : i32
      %dma_start3A_162 = tpu.memref_slice %arg4[%add3A_135, %dma_start3A_161] : memref<65536x128xi32, #tpu.memory_space<hbm>> -> memref<128x128xi32, #tpu.memory_space<hbm>>
      %dma_start3A_163 = arith.constant 0 : i32
      %dma_start3A_164 = tpu.memref_slice %arg4[%add3A_135, %dma_start3A_163] : memref<65536x128xi32, #tpu.memory_space<hbm>> -> memref<128x128xi32, #tpu.memory_space<hbm>>
      tpu.enqueue_dma source(%arg7 : memref<128x128xi32, #tpu.memory_space<vmem>>) target(%dma_start3A_164 : memref<128x128xi32, #tpu.memory_space<hbm>>) target_semaphore(%run_scoped3A : memref<!tpu.dma_semaphore, #tpu.memory_space<semaphore_mem>>)
      %dma_wait3A_165 = arith.constant 0 : i32
      %dma_wait3A_166 = tpu.memref_slice %arg4[%add3A_135, %dma_wait3A_165] : memref<65536x128xi32, #tpu.memory_space<hbm>> -> memref<128x128xi32, #tpu.memory_space<hbm>>
      %dma_wait3A_167 = arith.constant 0 : i32
      %dma_wait3A_168 = tpu.memref_slice %arg4[%add3A_135, %dma_wait3A_167] : memref<65536x128xi32, #tpu.memory_space<hbm>> -> memref<128x128xi32, #tpu.memory_space<hbm>>
      tpu.wait_dma2 semaphore(%run_scoped3A : memref<!tpu.dma_semaphore, #tpu.memory_space<semaphore_mem>>) src(%arg7 : memref<128x128xi32, #tpu.memory_space<vmem>>) dst(%dma_wait3A_168 : memref<128x128xi32, #tpu.memory_space<hbm>>)
      tpu.yield
    }) : () -> ()
    %add3A_136 = arith.constant 1792 : i32
    %add3A_137 = arith.addi %mul3A_2, %add3A_136 : i32
    "tpu.region"() ({
      %run_scoped3A = tpu.sem_alloc : memref<!tpu.dma_semaphore, #tpu.memory_space<semaphore_mem>>
      %dma_start3A_161 = tpu.memref_slice %arg2[%add3A_137] : memref<65536xi32, #tpu.memory_space<hbm>> -> memref<128xi32, #tpu.memory_space<hbm>>
      %dma_start3A_162 = tpu.memref_slice %arg2[%add3A_137] : memref<65536xi32, #tpu.memory_space<hbm>> -> memref<128xi32, #tpu.memory_space<hbm>>
      tpu.enqueue_dma source(%dma_start3A_162 : memref<128xi32, #tpu.memory_space<hbm>>) target(%arg5 : memref<128xi32, #tpu.memory_space<vmem>>) target_semaphore(%run_scoped3A : memref<!tpu.dma_semaphore, #tpu.memory_space<semaphore_mem>>)
      %dma_wait3A_163 = tpu.memref_slice %arg2[%add3A_137] : memref<65536xi32, #tpu.memory_space<hbm>> -> memref<128xi32, #tpu.memory_space<hbm>>
      %dma_wait3A_164 = tpu.memref_slice %arg2[%add3A_137] : memref<65536xi32, #tpu.memory_space<hbm>> -> memref<128xi32, #tpu.memory_space<hbm>>
      tpu.wait_dma2 semaphore(%run_scoped3A : memref<!tpu.dma_semaphore, #tpu.memory_space<semaphore_mem>>) src(%dma_wait3A_164 : memref<128xi32, #tpu.memory_space<hbm>>) dst(%arg5 : memref<128xi32, #tpu.memory_space<vmem>>)
      tpu.yield
    }) : () -> ()
    %dma_start3A_138 = arith.constant 0 : i32
    %dma_start3A_139 = arith.constant 0 : i32
    %dma_start3A_140 = tpu.memref_slice %arg3[%dma_start3A_138, %dma_start3A_139] : memref<4096x128xi32, #tpu.memory_space<hbm>> -> memref<4096x128xi32, #tpu.memory_space<hbm>>
    tpu.enqueue_indirect_dma source(%dma_start3A_140 : memref<4096x128xi32, #tpu.memory_space<hbm>>) target(%arg7 : memref<128x128xi32, #tpu.memory_space<vmem>>) offsets(%arg5 : memref<128xi32, #tpu.memory_space<vmem>>) semaphore(%arg9 : memref<!tpu.dma_semaphore, #tpu.memory_space<semaphore_mem>>)
    %dma_wait3A_141 = arith.constant 0 : i32
    %dma_wait3A_142 = arith.constant 0 : i32
    %dma_wait3A_143 = tpu.memref_slice %arg3[%dma_wait3A_141, %dma_wait3A_142] : memref<4096x128xi32, #tpu.memory_space<hbm>> -> memref<4096x128xi32, #tpu.memory_space<hbm>>
    tpu.wait_indirect_dma semaphore(%arg10 : memref<!tpu.dma_semaphore, #tpu.memory_space<semaphore_mem>>) src(%dma_wait3A_143 : memref<4096x128xi32, #tpu.memory_space<hbm>>) dst(%arg8 : memref<128x128xi32, #tpu.memory_space<vmem>>)
    %add3A_144 = arith.constant 1664 : i32
    %add3A_145 = arith.addi %mul3A_2, %add3A_144 : i32
    "tpu.region"() ({
      %run_scoped3A = tpu.sem_alloc : memref<!tpu.dma_semaphore, #tpu.memory_space<semaphore_mem>>
      %dma_start3A_161 = arith.constant 0 : i32
      %dma_start3A_162 = tpu.memref_slice %arg4[%add3A_145, %dma_start3A_161] : memref<65536x128xi32, #tpu.memory_space<hbm>> -> memref<128x128xi32, #tpu.memory_space<hbm>>
      %dma_start3A_163 = arith.constant 0 : i32
      %dma_start3A_164 = tpu.memref_slice %arg4[%add3A_145, %dma_start3A_163] : memref<65536x128xi32, #tpu.memory_space<hbm>> -> memref<128x128xi32, #tpu.memory_space<hbm>>
      tpu.enqueue_dma source(%arg8 : memref<128x128xi32, #tpu.memory_space<vmem>>) target(%dma_start3A_164 : memref<128x128xi32, #tpu.memory_space<hbm>>) target_semaphore(%run_scoped3A : memref<!tpu.dma_semaphore, #tpu.memory_space<semaphore_mem>>)
      %dma_wait3A_165 = arith.constant 0 : i32
      %dma_wait3A_166 = tpu.memref_slice %arg4[%add3A_145, %dma_wait3A_165] : memref<65536x128xi32, #tpu.memory_space<hbm>> -> memref<128x128xi32, #tpu.memory_space<hbm>>
      %dma_wait3A_167 = arith.constant 0 : i32
      %dma_wait3A_168 = tpu.memref_slice %arg4[%add3A_145, %dma_wait3A_167] : memref<65536x128xi32, #tpu.memory_space<hbm>> -> memref<128x128xi32, #tpu.memory_space<hbm>>
      tpu.wait_dma2 semaphore(%run_scoped3A : memref<!tpu.dma_semaphore, #tpu.memory_space<semaphore_mem>>) src(%arg8 : memref<128x128xi32, #tpu.memory_space<vmem>>) dst(%dma_wait3A_168 : memref<128x128xi32, #tpu.memory_space<hbm>>)
      tpu.yield
    }) : () -> ()
    %add3A_146 = arith.constant 1920 : i32
    %add3A_147 = arith.addi %mul3A_2, %add3A_146 : i32
    "tpu.region"() ({
      %run_scoped3A = tpu.sem_alloc : memref<!tpu.dma_semaphore, #tpu.memory_space<semaphore_mem>>
      %dma_start3A_161 = tpu.memref_slice %arg2[%add3A_147] : memref<65536xi32, #tpu.memory_space<hbm>> -> memref<128xi32, #tpu.memory_space<hbm>>
      %dma_start3A_162 = tpu.memref_slice %arg2[%add3A_147] : memref<65536xi32, #tpu.memory_space<hbm>> -> memref<128xi32, #tpu.memory_space<hbm>>
      tpu.enqueue_dma source(%dma_start3A_162 : memref<128xi32, #tpu.memory_space<hbm>>) target(%arg6 : memref<128xi32, #tpu.memory_space<vmem>>) target_semaphore(%run_scoped3A : memref<!tpu.dma_semaphore, #tpu.memory_space<semaphore_mem>>)
      %dma_wait3A_163 = tpu.memref_slice %arg2[%add3A_147] : memref<65536xi32, #tpu.memory_space<hbm>> -> memref<128xi32, #tpu.memory_space<hbm>>
      %dma_wait3A_164 = tpu.memref_slice %arg2[%add3A_147] : memref<65536xi32, #tpu.memory_space<hbm>> -> memref<128xi32, #tpu.memory_space<hbm>>
      tpu.wait_dma2 semaphore(%run_scoped3A : memref<!tpu.dma_semaphore, #tpu.memory_space<semaphore_mem>>) src(%dma_wait3A_164 : memref<128xi32, #tpu.memory_space<hbm>>) dst(%arg6 : memref<128xi32, #tpu.memory_space<vmem>>)
      tpu.yield
    }) : () -> ()
    %dma_start3A_148 = arith.constant 0 : i32
    %dma_start3A_149 = arith.constant 0 : i32
    %dma_start3A_150 = tpu.memref_slice %arg3[%dma_start3A_148, %dma_start3A_149] : memref<4096x128xi32, #tpu.memory_space<hbm>> -> memref<4096x128xi32, #tpu.memory_space<hbm>>
    tpu.enqueue_indirect_dma source(%dma_start3A_150 : memref<4096x128xi32, #tpu.memory_space<hbm>>) target(%arg8 : memref<128x128xi32, #tpu.memory_space<vmem>>) offsets(%arg6 : memref<128xi32, #tpu.memory_space<vmem>>) semaphore(%arg10 : memref<!tpu.dma_semaphore, #tpu.memory_space<semaphore_mem>>)
    %dma_wait3A_151 = arith.constant 0 : i32
    %dma_wait3A_152 = arith.constant 0 : i32
    %dma_wait3A_153 = tpu.memref_slice %arg3[%dma_wait3A_151, %dma_wait3A_152] : memref<4096x128xi32, #tpu.memory_space<hbm>> -> memref<4096x128xi32, #tpu.memory_space<hbm>>
    tpu.wait_indirect_dma semaphore(%arg9 : memref<!tpu.dma_semaphore, #tpu.memory_space<semaphore_mem>>) src(%dma_wait3A_153 : memref<4096x128xi32, #tpu.memory_space<hbm>>) dst(%arg7 : memref<128x128xi32, #tpu.memory_space<vmem>>)
    %add3A_154 = arith.constant 1792 : i32
    %add3A_155 = arith.addi %mul3A_2, %add3A_154 : i32
    "tpu.region"() ({
      %run_scoped3A = tpu.sem_alloc : memref<!tpu.dma_semaphore, #tpu.memory_space<semaphore_mem>>
      %dma_start3A_161 = arith.constant 0 : i32
      %dma_start3A_162 = tpu.memref_slice %arg4[%add3A_155, %dma_start3A_161] : memref<65536x128xi32, #tpu.memory_space<hbm>> -> memref<128x128xi32, #tpu.memory_space<hbm>>
      %dma_start3A_163 = arith.constant 0 : i32
      %dma_start3A_164 = tpu.memref_slice %arg4[%add3A_155, %dma_start3A_163] : memref<65536x128xi32, #tpu.memory_space<hbm>> -> memref<128x128xi32, #tpu.memory_space<hbm>>
      tpu.enqueue_dma source(%arg7 : memref<128x128xi32, #tpu.memory_space<vmem>>) target(%dma_start3A_164 : memref<128x128xi32, #tpu.memory_space<hbm>>) target_semaphore(%run_scoped3A : memref<!tpu.dma_semaphore, #tpu.memory_space<semaphore_mem>>)
      %dma_wait3A_165 = arith.constant 0 : i32
      %dma_wait3A_166 = tpu.memref_slice %arg4[%add3A_155, %dma_wait3A_165] : memref<65536x128xi32, #tpu.memory_space<hbm>> -> memref<128x128xi32, #tpu.memory_space<hbm>>
      %dma_wait3A_167 = arith.constant 0 : i32
      %dma_wait3A_168 = tpu.memref_slice %arg4[%add3A_155, %dma_wait3A_167] : memref<65536x128xi32, #tpu.memory_space<hbm>> -> memref<128x128xi32, #tpu.memory_space<hbm>>
      tpu.wait_dma2 semaphore(%run_scoped3A : memref<!tpu.dma_semaphore, #tpu.memory_space<semaphore_mem>>) src(%arg7 : memref<128x128xi32, #tpu.memory_space<vmem>>) dst(%dma_wait3A_168 : memref<128x128xi32, #tpu.memory_space<hbm>>)
      tpu.yield
    }) : () -> ()
    %dma_wait3A_156 = arith.constant 0 : i32
    %dma_wait3A_157 = arith.constant 0 : i32
    %dma_wait3A_158 = tpu.memref_slice %arg3[%dma_wait3A_156, %dma_wait3A_157] : memref<4096x128xi32, #tpu.memory_space<hbm>> -> memref<4096x128xi32, #tpu.memory_space<hbm>>
    tpu.wait_indirect_dma semaphore(%arg10 : memref<!tpu.dma_semaphore, #tpu.memory_space<semaphore_mem>>) src(%dma_wait3A_158 : memref<4096x128xi32, #tpu.memory_space<hbm>>) dst(%arg8 : memref<128x128xi32, #tpu.memory_space<vmem>>)
    %add3A_159 = arith.constant 1920 : i32
    %add3A_160 = arith.addi %mul3A_2, %add3A_159 : i32
    "tpu.region"() ({
      %run_scoped3A = tpu.sem_alloc : memref<!tpu.dma_semaphore, #tpu.memory_space<semaphore_mem>>
      %dma_start3A_161 = arith.constant 0 : i32
      %dma_start3A_162 = tpu.memref_slice %arg4[%add3A_160, %dma_start3A_161] : memref<65536x128xi32, #tpu.memory_space<hbm>> -> memref<128x128xi32, #tpu.memory_space<hbm>>
      %dma_start3A_163 = arith.constant 0 : i32
      %dma_start3A_164 = tpu.memref_slice %arg4[%add3A_160, %dma_start3A_163] : memref<65536x128xi32, #tpu.memory_space<hbm>> -> memref<128x128xi32, #tpu.memory_space<hbm>>
      tpu.enqueue_dma source(%arg8 : memref<128x128xi32, #tpu.memory_space<vmem>>) target(%dma_start3A_164 : memref<128x128xi32, #tpu.memory_space<hbm>>) target_semaphore(%run_scoped3A : memref<!tpu.dma_semaphore, #tpu.memory_space<semaphore_mem>>)
      %dma_wait3A_165 = arith.constant 0 : i32
      %dma_wait3A_166 = tpu.memref_slice %arg4[%add3A_160, %dma_wait3A_165] : memref<65536x128xi32, #tpu.memory_space<hbm>> -> memref<128x128xi32, #tpu.memory_space<hbm>>
      %dma_wait3A_167 = arith.constant 0 : i32
      %dma_wait3A_168 = tpu.memref_slice %arg4[%add3A_160, %dma_wait3A_167] : memref<65536x128xi32, #tpu.memory_space<hbm>> -> memref<128x128xi32, #tpu.memory_space<hbm>>
      tpu.wait_dma2 semaphore(%run_scoped3A : memref<!tpu.dma_semaphore, #tpu.memory_space<semaphore_mem>>) src(%arg8 : memref<128x128xi32, #tpu.memory_space<vmem>>) dst(%dma_wait3A_168 : memref<128x128xi32, #tpu.memory_space<hbm>>)
      tpu.yield
    }) : () -> ()
    return
  }
}

#map = affine_map<(d0, d1) -> (0)>
#map1 = affine_map<(d0, d1) -> (0, 0)>
module attributes {stable_mosaic.version = 14 : i64} {
  func.func @_sc_gather_body(%arg0: i32, %arg1: i32, %arg2: memref<65536xi32, #tpu.memory_space<hbm>>, %arg3: memref<4096x128xi32, #tpu.memory_space<hbm>>, %arg4: memref<65536x128xi32, #tpu.memory_space<hbm>>, %arg5: memref<128xi32, #tpu.memory_space<vmem>>, %arg6: memref<128xi32, #tpu.memory_space<vmem>>, %arg7: memref<128x128xi32, #tpu.memory_space<vmem>>, %arg8: memref<128x128xi32, #tpu.memory_space<vmem>>, %arg9: memref<!tpu.dma_semaphore, #tpu.memory_space<semaphore_mem>>, %arg10: memref<!tpu.dma_semaphore, #tpu.memory_space<semaphore_mem>>) attributes {dimension_semantics = [#tpu.dimension_semantics<core_parallel>, #tpu.dimension_semantics<subcore_parallel>], iteration_bounds = array<i64: 2, 16>, scalar_prefetch = 0 : i64, scratch_operands = 6 : i64, tpu.core_type = #tpu.core_type<sc_vector_subcore>, window_params = [{transform_indices = #map}, {transform_indices = #map1}, {transform_indices = #map1}]} {
    %mul3A = arith.constant 2 : i32
    %mul3A_0 = arith.muli %arg1, %mul3A : i32
    %add3A = arith.addi %mul3A_0, %arg0 : i32
    %mul3A_1 = arith.constant 2048 : i32
    %mul3A_2 = arith.muli %add3A, %mul3A_1 : i32
    %add3A_3 = arith.constant 0 : i32
    %add3A_4 = arith.addi %mul3A_2, %add3A_3 : i32
    "tpu.region"() ({
      %run_scoped3A = tpu.sem_alloc : memref<!tpu.dma_semaphore, #tpu.memory_space<semaphore_mem>>
      %dma_start3A_161 = tpu.memref_slice %arg2[%add3A_4] : memref<65536xi32, #tpu.memory_space<hbm>> -> memref<128xi32, #tpu.memory_space<hbm>>
      %dma_start3A_162 = tpu.memref_slice %arg2[%add3A_4] : memref<65536xi32, #tpu.memory_space<hbm>> -> memref<128xi32, #tpu.memory_space<hbm>>
      tpu.enqueue_dma source(%dma_start3A_162 : memref<128xi32, #tpu.memory_space<hbm>>) target(%arg5 : memref<128xi32, #tpu.memory_space<vmem>>) target_semaphore(%run_scoped3A : memref<!tpu.dma_semaphore, #tpu.memory_space<semaphore_mem>>)
      %dma_wait3A_163 = tpu.memref_slice %arg2[%add3A_4] : memref<65536xi32, #tpu.memory_space<hbm>> -> memref<128xi32, #tpu.memory_space<hbm>>
      %dma_wait3A_164 = tpu.memref_slice %arg2[%add3A_4] : memref<65536xi32, #tpu.memory_space<hbm>> -> memref<128xi32, #tpu.memory_space<hbm>>
      tpu.wait_dma2 semaphore(%run_scoped3A : memref<!tpu.dma_semaphore, #tpu.memory_space<semaphore_mem>>) src(%dma_wait3A_164 : memref<128xi32, #tpu.memory_space<hbm>>) dst(%arg5 : memref<128xi32, #tpu.memory_space<vmem>>)
      tpu.yield
    }) : () -> ()
    %dma_start3A = arith.constant 0 : i32
    %dma_start3A_5 = arith.constant 0 : i32
    %dma_start3A_6 = tpu.memref_slice %arg3[%dma_start3A, %dma_start3A_5] : memref<4096x128xi32, #tpu.memory_space<hbm>> -> memref<4096x128xi32, #tpu.memory_space<hbm>>
    tpu.enqueue_indirect_dma source(%dma_start3A_6 : memref<4096x128xi32, #tpu.memory_space<hbm>>) target(%arg7 : memref<128x128xi32, #tpu.memory_space<vmem>>) offsets(%arg5 : memref<128xi32, #tpu.memory_space<vmem>>) semaphore(%arg9 : memref<!tpu.dma_semaphore, #tpu.memory_space<semaphore_mem>>)
    %add3A_7 = arith.constant 128 : i32
    %add3A_8 = arith.addi %mul3A_2, %add3A_7 : i32
    "tpu.region"() ({
      %run_scoped3A = tpu.sem_alloc : memref<!tpu.dma_semaphore, #tpu.memory_space<semaphore_mem>>
      %dma_start3A_161 = tpu.memref_slice %arg2[%add3A_8] : memref<65536xi32, #tpu.memory_space<hbm>> -> memref<128xi32, #tpu.memory_space<hbm>>
      %dma_start3A_162 = tpu.memref_slice %arg2[%add3A_8] : memref<65536xi32, #tpu.memory_space<hbm>> -> memref<128xi32, #tpu.memory_space<hbm>>
      tpu.enqueue_dma source(%dma_start3A_162 : memref<128xi32, #tpu.memory_space<hbm>>) target(%arg6 : memref<128xi32, #tpu.memory_space<vmem>>) target_semaphore(%run_scoped3A : memref<!tpu.dma_semaphore, #tpu.memory_space<semaphore_mem>>)
      %dma_wait3A_163 = tpu.memref_slice %arg2[%add3A_8] : memref<65536xi32, #tpu.memory_space<hbm>> -> memref<128xi32, #tpu.memory_space<hbm>>
      %dma_wait3A_164 = tpu.memref_slice %arg2[%add3A_8] : memref<65536xi32, #tpu.memory_space<hbm>> -> memref<128xi32, #tpu.memory_space<hbm>>
      tpu.wait_dma2 semaphore(%run_scoped3A : memref<!tpu.dma_semaphore, #tpu.memory_space<semaphore_mem>>) src(%dma_wait3A_164 : memref<128xi32, #tpu.memory_space<hbm>>) dst(%arg6 : memref<128xi32, #tpu.memory_space<vmem>>)
      tpu.yield
    }) : () -> ()
    %dma_start3A_9 = arith.constant 0 : i32
    %dma_start3A_10 = arith.constant 0 : i32
    %dma_start3A_11 = tpu.memref_slice %arg3[%dma_start3A_9, %dma_start3A_10] : memref<4096x128xi32, #tpu.memory_space<hbm>> -> memref<4096x128xi32, #tpu.memory_space<hbm>>
    tpu.enqueue_indirect_dma source(%dma_start3A_11 : memref<4096x128xi32, #tpu.memory_space<hbm>>) target(%arg8 : memref<128x128xi32, #tpu.memory_space<vmem>>) offsets(%arg6 : memref<128xi32, #tpu.memory_space<vmem>>) semaphore(%arg10 : memref<!tpu.dma_semaphore, #tpu.memory_space<semaphore_mem>>)
    %dma_wait3A = arith.constant 0 : i32
    %dma_wait3A_12 = arith.constant 0 : i32
    %dma_wait3A_13 = tpu.memref_slice %arg3[%dma_wait3A, %dma_wait3A_12] : memref<4096x128xi32, #tpu.memory_space<hbm>> -> memref<4096x128xi32, #tpu.memory_space<hbm>>
    tpu.wait_indirect_dma semaphore(%arg9 : memref<!tpu.dma_semaphore, #tpu.memory_space<semaphore_mem>>) src(%dma_wait3A_13 : memref<4096x128xi32, #tpu.memory_space<hbm>>) dst(%arg7 : memref<128x128xi32, #tpu.memory_space<vmem>>)
    %add3A_14 = arith.constant 0 : i32
    %add3A_15 = arith.addi %mul3A_2, %add3A_14 : i32
    "tpu.region"() ({
      %run_scoped3A = tpu.sem_alloc : memref<!tpu.dma_semaphore, #tpu.memory_space<semaphore_mem>>
      %dma_start3A_161 = arith.constant 0 : i32
      %dma_start3A_162 = tpu.memref_slice %arg4[%add3A_15, %dma_start3A_161] : memref<65536x128xi32, #tpu.memory_space<hbm>> -> memref<128x128xi32, #tpu.memory_space<hbm>>
      %dma_start3A_163 = arith.constant 0 : i32
      %dma_start3A_164 = tpu.memref_slice %arg4[%add3A_15, %dma_start3A_163] : memref<65536x128xi32, #tpu.memory_space<hbm>> -> memref<128x128xi32, #tpu.memory_space<hbm>>
      tpu.enqueue_dma source(%arg7 : memref<128x128xi32, #tpu.memory_space<vmem>>) target(%dma_start3A_164 : memref<128x128xi32, #tpu.memory_space<hbm>>) target_semaphore(%run_scoped3A : memref<!tpu.dma_semaphore, #tpu.memory_space<semaphore_mem>>)
      %dma_wait3A_165 = arith.constant 0 : i32
      %dma_wait3A_166 = tpu.memref_slice %arg4[%add3A_15, %dma_wait3A_165] : memref<65536x128xi32, #tpu.memory_space<hbm>> -> memref<128x128xi32, #tpu.memory_space<hbm>>
      %dma_wait3A_167 = arith.constant 0 : i32
      %dma_wait3A_168 = tpu.memref_slice %arg4[%add3A_15, %dma_wait3A_167] : memref<65536x128xi32, #tpu.memory_space<hbm>> -> memref<128x128xi32, #tpu.memory_space<hbm>>
      tpu.wait_dma2 semaphore(%run_scoped3A : memref<!tpu.dma_semaphore, #tpu.memory_space<semaphore_mem>>) src(%arg7 : memref<128x128xi32, #tpu.memory_space<vmem>>) dst(%dma_wait3A_168 : memref<128x128xi32, #tpu.memory_space<hbm>>)
      tpu.yield
    }) : () -> ()
    %add3A_16 = arith.constant 256 : i32
    %add3A_17 = arith.addi %mul3A_2, %add3A_16 : i32
    "tpu.region"() ({
      %run_scoped3A = tpu.sem_alloc : memref<!tpu.dma_semaphore, #tpu.memory_space<semaphore_mem>>
      %dma_start3A_161 = tpu.memref_slice %arg2[%add3A_17] : memref<65536xi32, #tpu.memory_space<hbm>> -> memref<128xi32, #tpu.memory_space<hbm>>
      %dma_start3A_162 = tpu.memref_slice %arg2[%add3A_17] : memref<65536xi32, #tpu.memory_space<hbm>> -> memref<128xi32, #tpu.memory_space<hbm>>
      tpu.enqueue_dma source(%dma_start3A_162 : memref<128xi32, #tpu.memory_space<hbm>>) target(%arg5 : memref<128xi32, #tpu.memory_space<vmem>>) target_semaphore(%run_scoped3A : memref<!tpu.dma_semaphore, #tpu.memory_space<semaphore_mem>>)
      %dma_wait3A_163 = tpu.memref_slice %arg2[%add3A_17] : memref<65536xi32, #tpu.memory_space<hbm>> -> memref<128xi32, #tpu.memory_space<hbm>>
      %dma_wait3A_164 = tpu.memref_slice %arg2[%add3A_17] : memref<65536xi32, #tpu.memory_space<hbm>> -> memref<128xi32, #tpu.memory_space<hbm>>
      tpu.wait_dma2 semaphore(%run_scoped3A : memref<!tpu.dma_semaphore, #tpu.memory_space<semaphore_mem>>) src(%dma_wait3A_164 : memref<128xi32, #tpu.memory_space<hbm>>) dst(%arg5 : memref<128xi32, #tpu.memory_space<vmem>>)
      tpu.yield
    }) : () -> ()
    %dma_start3A_18 = arith.constant 0 : i32
    %dma_start3A_19 = arith.constant 0 : i32
    %dma_start3A_20 = tpu.memref_slice %arg3[%dma_start3A_18, %dma_start3A_19] : memref<4096x128xi32, #tpu.memory_space<hbm>> -> memref<4096x128xi32, #tpu.memory_space<hbm>>
    tpu.enqueue_indirect_dma source(%dma_start3A_20 : memref<4096x128xi32, #tpu.memory_space<hbm>>) target(%arg7 : memref<128x128xi32, #tpu.memory_space<vmem>>) offsets(%arg5 : memref<128xi32, #tpu.memory_space<vmem>>) semaphore(%arg9 : memref<!tpu.dma_semaphore, #tpu.memory_space<semaphore_mem>>)
    %dma_wait3A_21 = arith.constant 0 : i32
    %dma_wait3A_22 = arith.constant 0 : i32
    %dma_wait3A_23 = tpu.memref_slice %arg3[%dma_wait3A_21, %dma_wait3A_22] : memref<4096x128xi32, #tpu.memory_space<hbm>> -> memref<4096x128xi32, #tpu.memory_space<hbm>>
    tpu.wait_indirect_dma semaphore(%arg10 : memref<!tpu.dma_semaphore, #tpu.memory_space<semaphore_mem>>) src(%dma_wait3A_23 : memref<4096x128xi32, #tpu.memory_space<hbm>>) dst(%arg8 : memref<128x128xi32, #tpu.memory_space<vmem>>)
    %add3A_24 = arith.constant 128 : i32
    %add3A_25 = arith.addi %mul3A_2, %add3A_24 : i32
    "tpu.region"() ({
      %run_scoped3A = tpu.sem_alloc : memref<!tpu.dma_semaphore, #tpu.memory_space<semaphore_mem>>
      %dma_start3A_161 = arith.constant 0 : i32
      %dma_start3A_162 = tpu.memref_slice %arg4[%add3A_25, %dma_start3A_161] : memref<65536x128xi32, #tpu.memory_space<hbm>> -> memref<128x128xi32, #tpu.memory_space<hbm>>
      %dma_start3A_163 = arith.constant 0 : i32
      %dma_start3A_164 = tpu.memref_slice %arg4[%add3A_25, %dma_start3A_163] : memref<65536x128xi32, #tpu.memory_space<hbm>> -> memref<128x128xi32, #tpu.memory_space<hbm>>
      tpu.enqueue_dma source(%arg8 : memref<128x128xi32, #tpu.memory_space<vmem>>) target(%dma_start3A_164 : memref<128x128xi32, #tpu.memory_space<hbm>>) target_semaphore(%run_scoped3A : memref<!tpu.dma_semaphore, #tpu.memory_space<semaphore_mem>>)
      %dma_wait3A_165 = arith.constant 0 : i32
      %dma_wait3A_166 = tpu.memref_slice %arg4[%add3A_25, %dma_wait3A_165] : memref<65536x128xi32, #tpu.memory_space<hbm>> -> memref<128x128xi32, #tpu.memory_space<hbm>>
      %dma_wait3A_167 = arith.constant 0 : i32
      %dma_wait3A_168 = tpu.memref_slice %arg4[%add3A_25, %dma_wait3A_167] : memref<65536x128xi32, #tpu.memory_space<hbm>> -> memref<128x128xi32, #tpu.memory_space<hbm>>
      tpu.wait_dma2 semaphore(%run_scoped3A : memref<!tpu.dma_semaphore, #tpu.memory_space<semaphore_mem>>) src(%arg8 : memref<128x128xi32, #tpu.memory_space<vmem>>) dst(%dma_wait3A_168 : memref<128x128xi32, #tpu.memory_space<hbm>>)
      tpu.yield
    }) : () -> ()
    %add3A_26 = arith.constant 384 : i32
    %add3A_27 = arith.addi %mul3A_2, %add3A_26 : i32
    "tpu.region"() ({
      %run_scoped3A = tpu.sem_alloc : memref<!tpu.dma_semaphore, #tpu.memory_space<semaphore_mem>>
      %dma_start3A_161 = tpu.memref_slice %arg2[%add3A_27] : memref<65536xi32, #tpu.memory_space<hbm>> -> memref<128xi32, #tpu.memory_space<hbm>>
      %dma_start3A_162 = tpu.memref_slice %arg2[%add3A_27] : memref<65536xi32, #tpu.memory_space<hbm>> -> memref<128xi32, #tpu.memory_space<hbm>>
      tpu.enqueue_dma source(%dma_start3A_162 : memref<128xi32, #tpu.memory_space<hbm>>) target(%arg6 : memref<128xi32, #tpu.memory_space<vmem>>) target_semaphore(%run_scoped3A : memref<!tpu.dma_semaphore, #tpu.memory_space<semaphore_mem>>)
      %dma_wait3A_163 = tpu.memref_slice %arg2[%add3A_27] : memref<65536xi32, #tpu.memory_space<hbm>> -> memref<128xi32, #tpu.memory_space<hbm>>
      %dma_wait3A_164 = tpu.memref_slice %arg2[%add3A_27] : memref<65536xi32, #tpu.memory_space<hbm>> -> memref<128xi32, #tpu.memory_space<hbm>>
      tpu.wait_dma2 semaphore(%run_scoped3A : memref<!tpu.dma_semaphore, #tpu.memory_space<semaphore_mem>>) src(%dma_wait3A_164 : memref<128xi32, #tpu.memory_space<hbm>>) dst(%arg6 : memref<128xi32, #tpu.memory_space<vmem>>)
      tpu.yield
    }) : () -> ()
    %dma_start3A_28 = arith.constant 0 : i32
    %dma_start3A_29 = arith.constant 0 : i32
    %dma_start3A_30 = tpu.memref_slice %arg3[%dma_start3A_28, %dma_start3A_29] : memref<4096x128xi32, #tpu.memory_space<hbm>> -> memref<4096x128xi32, #tpu.memory_space<hbm>>
    tpu.enqueue_indirect_dma source(%dma_start3A_30 : memref<4096x128xi32, #tpu.memory_space<hbm>>) target(%arg8 : memref<128x128xi32, #tpu.memory_space<vmem>>) offsets(%arg6 : memref<128xi32, #tpu.memory_space<vmem>>) semaphore(%arg10 : memref<!tpu.dma_semaphore, #tpu.memory_space<semaphore_mem>>)
    %dma_wait3A_31 = arith.constant 0 : i32
    %dma_wait3A_32 = arith.constant 0 : i32
    %dma_wait3A_33 = tpu.memref_slice %arg3[%dma_wait3A_31, %dma_wait3A_32] : memref<4096x128xi32, #tpu.memory_space<hbm>> -> memref<4096x128xi32, #tpu.memory_space<hbm>>
    tpu.wait_indirect_dma semaphore(%arg9 : memref<!tpu.dma_semaphore, #tpu.memory_space<semaphore_mem>>) src(%dma_wait3A_33 : memref<4096x128xi32, #tpu.memory_space<hbm>>) dst(%arg7 : memref<128x128xi32, #tpu.memory_space<vmem>>)
    %add3A_34 = arith.constant 256 : i32
    %add3A_35 = arith.addi %mul3A_2, %add3A_34 : i32
    "tpu.region"() ({
      %run_scoped3A = tpu.sem_alloc : memref<!tpu.dma_semaphore, #tpu.memory_space<semaphore_mem>>
      %dma_start3A_161 = arith.constant 0 : i32
      %dma_start3A_162 = tpu.memref_slice %arg4[%add3A_35, %dma_start3A_161] : memref<65536x128xi32, #tpu.memory_space<hbm>> -> memref<128x128xi32, #tpu.memory_space<hbm>>
      %dma_start3A_163 = arith.constant 0 : i32
      %dma_start3A_164 = tpu.memref_slice %arg4[%add3A_35, %dma_start3A_163] : memref<65536x128xi32, #tpu.memory_space<hbm>> -> memref<128x128xi32, #tpu.memory_space<hbm>>
      tpu.enqueue_dma source(%arg7 : memref<128x128xi32, #tpu.memory_space<vmem>>) target(%dma_start3A_164 : memref<128x128xi32, #tpu.memory_space<hbm>>) target_semaphore(%run_scoped3A : memref<!tpu.dma_semaphore, #tpu.memory_space<semaphore_mem>>)
      %dma_wait3A_165 = arith.constant 0 : i32
      %dma_wait3A_166 = tpu.memref_slice %arg4[%add3A_35, %dma_wait3A_165] : memref<65536x128xi32, #tpu.memory_space<hbm>> -> memref<128x128xi32, #tpu.memory_space<hbm>>
      %dma_wait3A_167 = arith.constant 0 : i32
      %dma_wait3A_168 = tpu.memref_slice %arg4[%add3A_35, %dma_wait3A_167] : memref<65536x128xi32, #tpu.memory_space<hbm>> -> memref<128x128xi32, #tpu.memory_space<hbm>>
      tpu.wait_dma2 semaphore(%run_scoped3A : memref<!tpu.dma_semaphore, #tpu.memory_space<semaphore_mem>>) src(%arg7 : memref<128x128xi32, #tpu.memory_space<vmem>>) dst(%dma_wait3A_168 : memref<128x128xi32, #tpu.memory_space<hbm>>)
      tpu.yield
    }) : () -> ()
    %add3A_36 = arith.constant 512 : i32
    %add3A_37 = arith.addi %mul3A_2, %add3A_36 : i32
    "tpu.region"() ({
      %run_scoped3A = tpu.sem_alloc : memref<!tpu.dma_semaphore, #tpu.memory_space<semaphore_mem>>
      %dma_start3A_161 = tpu.memref_slice %arg2[%add3A_37] : memref<65536xi32, #tpu.memory_space<hbm>> -> memref<128xi32, #tpu.memory_space<hbm>>
      %dma_start3A_162 = tpu.memref_slice %arg2[%add3A_37] : memref<65536xi32, #tpu.memory_space<hbm>> -> memref<128xi32, #tpu.memory_space<hbm>>
      tpu.enqueue_dma source(%dma_start3A_162 : memref<128xi32, #tpu.memory_space<hbm>>) target(%arg5 : memref<128xi32, #tpu.memory_space<vmem>>) target_semaphore(%run_scoped3A : memref<!tpu.dma_semaphore, #tpu.memory_space<semaphore_mem>>)
      %dma_wait3A_163 = tpu.memref_slice %arg2[%add3A_37] : memref<65536xi32, #tpu.memory_space<hbm>> -> memref<128xi32, #tpu.memory_space<hbm>>
      %dma_wait3A_164 = tpu.memref_slice %arg2[%add3A_37] : memref<65536xi32, #tpu.memory_space<hbm>> -> memref<128xi32, #tpu.memory_space<hbm>>
      tpu.wait_dma2 semaphore(%run_scoped3A : memref<!tpu.dma_semaphore, #tpu.memory_space<semaphore_mem>>) src(%dma_wait3A_164 : memref<128xi32, #tpu.memory_space<hbm>>) dst(%arg5 : memref<128xi32, #tpu.memory_space<vmem>>)
      tpu.yield
    }) : () -> ()
    %dma_start3A_38 = arith.constant 0 : i32
    %dma_start3A_39 = arith.constant 0 : i32
    %dma_start3A_40 = tpu.memref_slice %arg3[%dma_start3A_38, %dma_start3A_39] : memref<4096x128xi32, #tpu.memory_space<hbm>> -> memref<4096x128xi32, #tpu.memory_space<hbm>>
    tpu.enqueue_indirect_dma source(%dma_start3A_40 : memref<4096x128xi32, #tpu.memory_space<hbm>>) target(%arg7 : memref<128x128xi32, #tpu.memory_space<vmem>>) offsets(%arg5 : memref<128xi32, #tpu.memory_space<vmem>>) semaphore(%arg9 : memref<!tpu.dma_semaphore, #tpu.memory_space<semaphore_mem>>)
    %dma_wait3A_41 = arith.constant 0 : i32
    %dma_wait3A_42 = arith.constant 0 : i32
    %dma_wait3A_43 = tpu.memref_slice %arg3[%dma_wait3A_41, %dma_wait3A_42] : memref<4096x128xi32, #tpu.memory_space<hbm>> -> memref<4096x128xi32, #tpu.memory_space<hbm>>
    tpu.wait_indirect_dma semaphore(%arg10 : memref<!tpu.dma_semaphore, #tpu.memory_space<semaphore_mem>>) src(%dma_wait3A_43 : memref<4096x128xi32, #tpu.memory_space<hbm>>) dst(%arg8 : memref<128x128xi32, #tpu.memory_space<vmem>>)
    %add3A_44 = arith.constant 384 : i32
    %add3A_45 = arith.addi %mul3A_2, %add3A_44 : i32
    "tpu.region"() ({
      %run_scoped3A = tpu.sem_alloc : memref<!tpu.dma_semaphore, #tpu.memory_space<semaphore_mem>>
      %dma_start3A_161 = arith.constant 0 : i32
      %dma_start3A_162 = tpu.memref_slice %arg4[%add3A_45, %dma_start3A_161] : memref<65536x128xi32, #tpu.memory_space<hbm>> -> memref<128x128xi32, #tpu.memory_space<hbm>>
      %dma_start3A_163 = arith.constant 0 : i32
      %dma_start3A_164 = tpu.memref_slice %arg4[%add3A_45, %dma_start3A_163] : memref<65536x128xi32, #tpu.memory_space<hbm>> -> memref<128x128xi32, #tpu.memory_space<hbm>>
      tpu.enqueue_dma source(%arg8 : memref<128x128xi32, #tpu.memory_space<vmem>>) target(%dma_start3A_164 : memref<128x128xi32, #tpu.memory_space<hbm>>) target_semaphore(%run_scoped3A : memref<!tpu.dma_semaphore, #tpu.memory_space<semaphore_mem>>)
      %dma_wait3A_165 = arith.constant 0 : i32
      %dma_wait3A_166 = tpu.memref_slice %arg4[%add3A_45, %dma_wait3A_165] : memref<65536x128xi32, #tpu.memory_space<hbm>> -> memref<128x128xi32, #tpu.memory_space<hbm>>
      %dma_wait3A_167 = arith.constant 0 : i32
      %dma_wait3A_168 = tpu.memref_slice %arg4[%add3A_45, %dma_wait3A_167] : memref<65536x128xi32, #tpu.memory_space<hbm>> -> memref<128x128xi32, #tpu.memory_space<hbm>>
      tpu.wait_dma2 semaphore(%run_scoped3A : memref<!tpu.dma_semaphore, #tpu.memory_space<semaphore_mem>>) src(%arg8 : memref<128x128xi32, #tpu.memory_space<vmem>>) dst(%dma_wait3A_168 : memref<128x128xi32, #tpu.memory_space<hbm>>)
      tpu.yield
    }) : () -> ()
    %add3A_46 = arith.constant 640 : i32
    %add3A_47 = arith.addi %mul3A_2, %add3A_46 : i32
    "tpu.region"() ({
      %run_scoped3A = tpu.sem_alloc : memref<!tpu.dma_semaphore, #tpu.memory_space<semaphore_mem>>
      %dma_start3A_161 = tpu.memref_slice %arg2[%add3A_47] : memref<65536xi32, #tpu.memory_space<hbm>> -> memref<128xi32, #tpu.memory_space<hbm>>
      %dma_start3A_162 = tpu.memref_slice %arg2[%add3A_47] : memref<65536xi32, #tpu.memory_space<hbm>> -> memref<128xi32, #tpu.memory_space<hbm>>
      tpu.enqueue_dma source(%dma_start3A_162 : memref<128xi32, #tpu.memory_space<hbm>>) target(%arg6 : memref<128xi32, #tpu.memory_space<vmem>>) target_semaphore(%run_scoped3A : memref<!tpu.dma_semaphore, #tpu.memory_space<semaphore_mem>>)
      %dma_wait3A_163 = tpu.memref_slice %arg2[%add3A_47] : memref<65536xi32, #tpu.memory_space<hbm>> -> memref<128xi32, #tpu.memory_space<hbm>>
      %dma_wait3A_164 = tpu.memref_slice %arg2[%add3A_47] : memref<65536xi32, #tpu.memory_space<hbm>> -> memref<128xi32, #tpu.memory_space<hbm>>
      tpu.wait_dma2 semaphore(%run_scoped3A : memref<!tpu.dma_semaphore, #tpu.memory_space<semaphore_mem>>) src(%dma_wait3A_164 : memref<128xi32, #tpu.memory_space<hbm>>) dst(%arg6 : memref<128xi32, #tpu.memory_space<vmem>>)
      tpu.yield
    }) : () -> ()
    %dma_start3A_48 = arith.constant 0 : i32
    %dma_start3A_49 = arith.constant 0 : i32
    %dma_start3A_50 = tpu.memref_slice %arg3[%dma_start3A_48, %dma_start3A_49] : memref<4096x128xi32, #tpu.memory_space<hbm>> -> memref<4096x128xi32, #tpu.memory_space<hbm>>
    tpu.enqueue_indirect_dma source(%dma_start3A_50 : memref<4096x128xi32, #tpu.memory_space<hbm>>) target(%arg8 : memref<128x128xi32, #tpu.memory_space<vmem>>) offsets(%arg6 : memref<128xi32, #tpu.memory_space<vmem>>) semaphore(%arg10 : memref<!tpu.dma_semaphore, #tpu.memory_space<semaphore_mem>>)
    %dma_wait3A_51 = arith.constant 0 : i32
    %dma_wait3A_52 = arith.constant 0 : i32
    %dma_wait3A_53 = tpu.memref_slice %arg3[%dma_wait3A_51, %dma_wait3A_52] : memref<4096x128xi32, #tpu.memory_space<hbm>> -> memref<4096x128xi32, #tpu.memory_space<hbm>>
    tpu.wait_indirect_dma semaphore(%arg9 : memref<!tpu.dma_semaphore, #tpu.memory_space<semaphore_mem>>) src(%dma_wait3A_53 : memref<4096x128xi32, #tpu.memory_space<hbm>>) dst(%arg7 : memref<128x128xi32, #tpu.memory_space<vmem>>)
    %add3A_54 = arith.constant 512 : i32
    %add3A_55 = arith.addi %mul3A_2, %add3A_54 : i32
    "tpu.region"() ({
      %run_scoped3A = tpu.sem_alloc : memref<!tpu.dma_semaphore, #tpu.memory_space<semaphore_mem>>
      %dma_start3A_161 = arith.constant 0 : i32
      %dma_start3A_162 = tpu.memref_slice %arg4[%add3A_55, %dma_start3A_161] : memref<65536x128xi32, #tpu.memory_space<hbm>> -> memref<128x128xi32, #tpu.memory_space<hbm>>
      %dma_start3A_163 = arith.constant 0 : i32
      %dma_start3A_164 = tpu.memref_slice %arg4[%add3A_55, %dma_start3A_163] : memref<65536x128xi32, #tpu.memory_space<hbm>> -> memref<128x128xi32, #tpu.memory_space<hbm>>
      tpu.enqueue_dma source(%arg7 : memref<128x128xi32, #tpu.memory_space<vmem>>) target(%dma_start3A_164 : memref<128x128xi32, #tpu.memory_space<hbm>>) target_semaphore(%run_scoped3A : memref<!tpu.dma_semaphore, #tpu.memory_space<semaphore_mem>>)
      %dma_wait3A_165 = arith.constant 0 : i32
      %dma_wait3A_166 = tpu.memref_slice %arg4[%add3A_55, %dma_wait3A_165] : memref<65536x128xi32, #tpu.memory_space<hbm>> -> memref<128x128xi32, #tpu.memory_space<hbm>>
      %dma_wait3A_167 = arith.constant 0 : i32
      %dma_wait3A_168 = tpu.memref_slice %arg4[%add3A_55, %dma_wait3A_167] : memref<65536x128xi32, #tpu.memory_space<hbm>> -> memref<128x128xi32, #tpu.memory_space<hbm>>
      tpu.wait_dma2 semaphore(%run_scoped3A : memref<!tpu.dma_semaphore, #tpu.memory_space<semaphore_mem>>) src(%arg7 : memref<128x128xi32, #tpu.memory_space<vmem>>) dst(%dma_wait3A_168 : memref<128x128xi32, #tpu.memory_space<hbm>>)
      tpu.yield
    }) : () -> ()
    %add3A_56 = arith.constant 768 : i32
    %add3A_57 = arith.addi %mul3A_2, %add3A_56 : i32
    "tpu.region"() ({
      %run_scoped3A = tpu.sem_alloc : memref<!tpu.dma_semaphore, #tpu.memory_space<semaphore_mem>>
      %dma_start3A_161 = tpu.memref_slice %arg2[%add3A_57] : memref<65536xi32, #tpu.memory_space<hbm>> -> memref<128xi32, #tpu.memory_space<hbm>>
      %dma_start3A_162 = tpu.memref_slice %arg2[%add3A_57] : memref<65536xi32, #tpu.memory_space<hbm>> -> memref<128xi32, #tpu.memory_space<hbm>>
      tpu.enqueue_dma source(%dma_start3A_162 : memref<128xi32, #tpu.memory_space<hbm>>) target(%arg5 : memref<128xi32, #tpu.memory_space<vmem>>) target_semaphore(%run_scoped3A : memref<!tpu.dma_semaphore, #tpu.memory_space<semaphore_mem>>)
      %dma_wait3A_163 = tpu.memref_slice %arg2[%add3A_57] : memref<65536xi32, #tpu.memory_space<hbm>> -> memref<128xi32, #tpu.memory_space<hbm>>
      %dma_wait3A_164 = tpu.memref_slice %arg2[%add3A_57] : memref<65536xi32, #tpu.memory_space<hbm>> -> memref<128xi32, #tpu.memory_space<hbm>>
      tpu.wait_dma2 semaphore(%run_scoped3A : memref<!tpu.dma_semaphore, #tpu.memory_space<semaphore_mem>>) src(%dma_wait3A_164 : memref<128xi32, #tpu.memory_space<hbm>>) dst(%arg5 : memref<128xi32, #tpu.memory_space<vmem>>)
      tpu.yield
    }) : () -> ()
    %dma_start3A_58 = arith.constant 0 : i32
    %dma_start3A_59 = arith.constant 0 : i32
    %dma_start3A_60 = tpu.memref_slice %arg3[%dma_start3A_58, %dma_start3A_59] : memref<4096x128xi32, #tpu.memory_space<hbm>> -> memref<4096x128xi32, #tpu.memory_space<hbm>>
    tpu.enqueue_indirect_dma source(%dma_start3A_60 : memref<4096x128xi32, #tpu.memory_space<hbm>>) target(%arg7 : memref<128x128xi32, #tpu.memory_space<vmem>>) offsets(%arg5 : memref<128xi32, #tpu.memory_space<vmem>>) semaphore(%arg9 : memref<!tpu.dma_semaphore, #tpu.memory_space<semaphore_mem>>)
    %dma_wait3A_61 = arith.constant 0 : i32
    %dma_wait3A_62 = arith.constant 0 : i32
    %dma_wait3A_63 = tpu.memref_slice %arg3[%dma_wait3A_61, %dma_wait3A_62] : memref<4096x128xi32, #tpu.memory_space<hbm>> -> memref<4096x128xi32, #tpu.memory_space<hbm>>
    tpu.wait_indirect_dma semaphore(%arg10 : memref<!tpu.dma_semaphore, #tpu.memory_space<semaphore_mem>>) src(%dma_wait3A_63 : memref<4096x128xi32, #tpu.memory_space<hbm>>) dst(%arg8 : memref<128x128xi32, #tpu.memory_space<vmem>>)
    %add3A_64 = arith.constant 640 : i32
    %add3A_65 = arith.addi %mul3A_2, %add3A_64 : i32
    "tpu.region"() ({
      %run_scoped3A = tpu.sem_alloc : memref<!tpu.dma_semaphore, #tpu.memory_space<semaphore_mem>>
      %dma_start3A_161 = arith.constant 0 : i32
      %dma_start3A_162 = tpu.memref_slice %arg4[%add3A_65, %dma_start3A_161] : memref<65536x128xi32, #tpu.memory_space<hbm>> -> memref<128x128xi32, #tpu.memory_space<hbm>>
      %dma_start3A_163 = arith.constant 0 : i32
      %dma_start3A_164 = tpu.memref_slice %arg4[%add3A_65, %dma_start3A_163] : memref<65536x128xi32, #tpu.memory_space<hbm>> -> memref<128x128xi32, #tpu.memory_space<hbm>>
      tpu.enqueue_dma source(%arg8 : memref<128x128xi32, #tpu.memory_space<vmem>>) target(%dma_start3A_164 : memref<128x128xi32, #tpu.memory_space<hbm>>) target_semaphore(%run_scoped3A : memref<!tpu.dma_semaphore, #tpu.memory_space<semaphore_mem>>)
      %dma_wait3A_165 = arith.constant 0 : i32
      %dma_wait3A_166 = tpu.memref_slice %arg4[%add3A_65, %dma_wait3A_165] : memref<65536x128xi32, #tpu.memory_space<hbm>> -> memref<128x128xi32, #tpu.memory_space<hbm>>
      %dma_wait3A_167 = arith.constant 0 : i32
      %dma_wait3A_168 = tpu.memref_slice %arg4[%add3A_65, %dma_wait3A_167] : memref<65536x128xi32, #tpu.memory_space<hbm>> -> memref<128x128xi32, #tpu.memory_space<hbm>>
      tpu.wait_dma2 semaphore(%run_scoped3A : memref<!tpu.dma_semaphore, #tpu.memory_space<semaphore_mem>>) src(%arg8 : memref<128x128xi32, #tpu.memory_space<vmem>>) dst(%dma_wait3A_168 : memref<128x128xi32, #tpu.memory_space<hbm>>)
      tpu.yield
    }) : () -> ()
    %add3A_66 = arith.constant 896 : i32
    %add3A_67 = arith.addi %mul3A_2, %add3A_66 : i32
    "tpu.region"() ({
      %run_scoped3A = tpu.sem_alloc : memref<!tpu.dma_semaphore, #tpu.memory_space<semaphore_mem>>
      %dma_start3A_161 = tpu.memref_slice %arg2[%add3A_67] : memref<65536xi32, #tpu.memory_space<hbm>> -> memref<128xi32, #tpu.memory_space<hbm>>
      %dma_start3A_162 = tpu.memref_slice %arg2[%add3A_67] : memref<65536xi32, #tpu.memory_space<hbm>> -> memref<128xi32, #tpu.memory_space<hbm>>
      tpu.enqueue_dma source(%dma_start3A_162 : memref<128xi32, #tpu.memory_space<hbm>>) target(%arg6 : memref<128xi32, #tpu.memory_space<vmem>>) target_semaphore(%run_scoped3A : memref<!tpu.dma_semaphore, #tpu.memory_space<semaphore_mem>>)
      %dma_wait3A_163 = tpu.memref_slice %arg2[%add3A_67] : memref<65536xi32, #tpu.memory_space<hbm>> -> memref<128xi32, #tpu.memory_space<hbm>>
      %dma_wait3A_164 = tpu.memref_slice %arg2[%add3A_67] : memref<65536xi32, #tpu.memory_space<hbm>> -> memref<128xi32, #tpu.memory_space<hbm>>
      tpu.wait_dma2 semaphore(%run_scoped3A : memref<!tpu.dma_semaphore, #tpu.memory_space<semaphore_mem>>) src(%dma_wait3A_164 : memref<128xi32, #tpu.memory_space<hbm>>) dst(%arg6 : memref<128xi32, #tpu.memory_space<vmem>>)
      tpu.yield
    }) : () -> ()
    %dma_start3A_68 = arith.constant 0 : i32
    %dma_start3A_69 = arith.constant 0 : i32
    %dma_start3A_70 = tpu.memref_slice %arg3[%dma_start3A_68, %dma_start3A_69] : memref<4096x128xi32, #tpu.memory_space<hbm>> -> memref<4096x128xi32, #tpu.memory_space<hbm>>
    tpu.enqueue_indirect_dma source(%dma_start3A_70 : memref<4096x128xi32, #tpu.memory_space<hbm>>) target(%arg8 : memref<128x128xi32, #tpu.memory_space<vmem>>) offsets(%arg6 : memref<128xi32, #tpu.memory_space<vmem>>) semaphore(%arg10 : memref<!tpu.dma_semaphore, #tpu.memory_space<semaphore_mem>>)
    %dma_wait3A_71 = arith.constant 0 : i32
    %dma_wait3A_72 = arith.constant 0 : i32
    %dma_wait3A_73 = tpu.memref_slice %arg3[%dma_wait3A_71, %dma_wait3A_72] : memref<4096x128xi32, #tpu.memory_space<hbm>> -> memref<4096x128xi32, #tpu.memory_space<hbm>>
    tpu.wait_indirect_dma semaphore(%arg9 : memref<!tpu.dma_semaphore, #tpu.memory_space<semaphore_mem>>) src(%dma_wait3A_73 : memref<4096x128xi32, #tpu.memory_space<hbm>>) dst(%arg7 : memref<128x128xi32, #tpu.memory_space<vmem>>)
    %add3A_74 = arith.constant 768 : i32
    %add3A_75 = arith.addi %mul3A_2, %add3A_74 : i32
    "tpu.region"() ({
      %run_scoped3A = tpu.sem_alloc : memref<!tpu.dma_semaphore, #tpu.memory_space<semaphore_mem>>
      %dma_start3A_161 = arith.constant 0 : i32
      %dma_start3A_162 = tpu.memref_slice %arg4[%add3A_75, %dma_start3A_161] : memref<65536x128xi32, #tpu.memory_space<hbm>> -> memref<128x128xi32, #tpu.memory_space<hbm>>
      %dma_start3A_163 = arith.constant 0 : i32
      %dma_start3A_164 = tpu.memref_slice %arg4[%add3A_75, %dma_start3A_163] : memref<65536x128xi32, #tpu.memory_space<hbm>> -> memref<128x128xi32, #tpu.memory_space<hbm>>
      tpu.enqueue_dma source(%arg7 : memref<128x128xi32, #tpu.memory_space<vmem>>) target(%dma_start3A_164 : memref<128x128xi32, #tpu.memory_space<hbm>>) target_semaphore(%run_scoped3A : memref<!tpu.dma_semaphore, #tpu.memory_space<semaphore_mem>>)
      %dma_wait3A_165 = arith.constant 0 : i32
      %dma_wait3A_166 = tpu.memref_slice %arg4[%add3A_75, %dma_wait3A_165] : memref<65536x128xi32, #tpu.memory_space<hbm>> -> memref<128x128xi32, #tpu.memory_space<hbm>>
      %dma_wait3A_167 = arith.constant 0 : i32
      %dma_wait3A_168 = tpu.memref_slice %arg4[%add3A_75, %dma_wait3A_167] : memref<65536x128xi32, #tpu.memory_space<hbm>> -> memref<128x128xi32, #tpu.memory_space<hbm>>
      tpu.wait_dma2 semaphore(%run_scoped3A : memref<!tpu.dma_semaphore, #tpu.memory_space<semaphore_mem>>) src(%arg7 : memref<128x128xi32, #tpu.memory_space<vmem>>) dst(%dma_wait3A_168 : memref<128x128xi32, #tpu.memory_space<hbm>>)
      tpu.yield
    }) : () -> ()
    %add3A_76 = arith.constant 1024 : i32
    %add3A_77 = arith.addi %mul3A_2, %add3A_76 : i32
    "tpu.region"() ({
      %run_scoped3A = tpu.sem_alloc : memref<!tpu.dma_semaphore, #tpu.memory_space<semaphore_mem>>
      %dma_start3A_161 = tpu.memref_slice %arg2[%add3A_77] : memref<65536xi32, #tpu.memory_space<hbm>> -> memref<128xi32, #tpu.memory_space<hbm>>
      %dma_start3A_162 = tpu.memref_slice %arg2[%add3A_77] : memref<65536xi32, #tpu.memory_space<hbm>> -> memref<128xi32, #tpu.memory_space<hbm>>
      tpu.enqueue_dma source(%dma_start3A_162 : memref<128xi32, #tpu.memory_space<hbm>>) target(%arg5 : memref<128xi32, #tpu.memory_space<vmem>>) target_semaphore(%run_scoped3A : memref<!tpu.dma_semaphore, #tpu.memory_space<semaphore_mem>>)
      %dma_wait3A_163 = tpu.memref_slice %arg2[%add3A_77] : memref<65536xi32, #tpu.memory_space<hbm>> -> memref<128xi32, #tpu.memory_space<hbm>>
      %dma_wait3A_164 = tpu.memref_slice %arg2[%add3A_77] : memref<65536xi32, #tpu.memory_space<hbm>> -> memref<128xi32, #tpu.memory_space<hbm>>
      tpu.wait_dma2 semaphore(%run_scoped3A : memref<!tpu.dma_semaphore, #tpu.memory_space<semaphore_mem>>) src(%dma_wait3A_164 : memref<128xi32, #tpu.memory_space<hbm>>) dst(%arg5 : memref<128xi32, #tpu.memory_space<vmem>>)
      tpu.yield
    }) : () -> ()
    %dma_start3A_78 = arith.constant 0 : i32
    %dma_start3A_79 = arith.constant 0 : i32
    %dma_start3A_80 = tpu.memref_slice %arg3[%dma_start3A_78, %dma_start3A_79] : memref<4096x128xi32, #tpu.memory_space<hbm>> -> memref<4096x128xi32, #tpu.memory_space<hbm>>
    tpu.enqueue_indirect_dma source(%dma_start3A_80 : memref<4096x128xi32, #tpu.memory_space<hbm>>) target(%arg7 : memref<128x128xi32, #tpu.memory_space<vmem>>) offsets(%arg5 : memref<128xi32, #tpu.memory_space<vmem>>) semaphore(%arg9 : memref<!tpu.dma_semaphore, #tpu.memory_space<semaphore_mem>>)
    %dma_wait3A_81 = arith.constant 0 : i32
    %dma_wait3A_82 = arith.constant 0 : i32
    %dma_wait3A_83 = tpu.memref_slice %arg3[%dma_wait3A_81, %dma_wait3A_82] : memref<4096x128xi32, #tpu.memory_space<hbm>> -> memref<4096x128xi32, #tpu.memory_space<hbm>>
    tpu.wait_indirect_dma semaphore(%arg10 : memref<!tpu.dma_semaphore, #tpu.memory_space<semaphore_mem>>) src(%dma_wait3A_83 : memref<4096x128xi32, #tpu.memory_space<hbm>>) dst(%arg8 : memref<128x128xi32, #tpu.memory_space<vmem>>)
    %add3A_84 = arith.constant 896 : i32
    %add3A_85 = arith.addi %mul3A_2, %add3A_84 : i32
    "tpu.region"() ({
      %run_scoped3A = tpu.sem_alloc : memref<!tpu.dma_semaphore, #tpu.memory_space<semaphore_mem>>
      %dma_start3A_161 = arith.constant 0 : i32
      %dma_start3A_162 = tpu.memref_slice %arg4[%add3A_85, %dma_start3A_161] : memref<65536x128xi32, #tpu.memory_space<hbm>> -> memref<128x128xi32, #tpu.memory_space<hbm>>
      %dma_start3A_163 = arith.constant 0 : i32
      %dma_start3A_164 = tpu.memref_slice %arg4[%add3A_85, %dma_start3A_163] : memref<65536x128xi32, #tpu.memory_space<hbm>> -> memref<128x128xi32, #tpu.memory_space<hbm>>
      tpu.enqueue_dma source(%arg8 : memref<128x128xi32, #tpu.memory_space<vmem>>) target(%dma_start3A_164 : memref<128x128xi32, #tpu.memory_space<hbm>>) target_semaphore(%run_scoped3A : memref<!tpu.dma_semaphore, #tpu.memory_space<semaphore_mem>>)
      %dma_wait3A_165 = arith.constant 0 : i32
      %dma_wait3A_166 = tpu.memref_slice %arg4[%add3A_85, %dma_wait3A_165] : memref<65536x128xi32, #tpu.memory_space<hbm>> -> memref<128x128xi32, #tpu.memory_space<hbm>>
      %dma_wait3A_167 = arith.constant 0 : i32
      %dma_wait3A_168 = tpu.memref_slice %arg4[%add3A_85, %dma_wait3A_167] : memref<65536x128xi32, #tpu.memory_space<hbm>> -> memref<128x128xi32, #tpu.memory_space<hbm>>
      tpu.wait_dma2 semaphore(%run_scoped3A : memref<!tpu.dma_semaphore, #tpu.memory_space<semaphore_mem>>) src(%arg8 : memref<128x128xi32, #tpu.memory_space<vmem>>) dst(%dma_wait3A_168 : memref<128x128xi32, #tpu.memory_space<hbm>>)
      tpu.yield
    }) : () -> ()
    %add3A_86 = arith.constant 1152 : i32
    %add3A_87 = arith.addi %mul3A_2, %add3A_86 : i32
    "tpu.region"() ({
      %run_scoped3A = tpu.sem_alloc : memref<!tpu.dma_semaphore, #tpu.memory_space<semaphore_mem>>
      %dma_start3A_161 = tpu.memref_slice %arg2[%add3A_87] : memref<65536xi32, #tpu.memory_space<hbm>> -> memref<128xi32, #tpu.memory_space<hbm>>
      %dma_start3A_162 = tpu.memref_slice %arg2[%add3A_87] : memref<65536xi32, #tpu.memory_space<hbm>> -> memref<128xi32, #tpu.memory_space<hbm>>
      tpu.enqueue_dma source(%dma_start3A_162 : memref<128xi32, #tpu.memory_space<hbm>>) target(%arg6 : memref<128xi32, #tpu.memory_space<vmem>>) target_semaphore(%run_scoped3A : memref<!tpu.dma_semaphore, #tpu.memory_space<semaphore_mem>>)
      %dma_wait3A_163 = tpu.memref_slice %arg2[%add3A_87] : memref<65536xi32, #tpu.memory_space<hbm>> -> memref<128xi32, #tpu.memory_space<hbm>>
      %dma_wait3A_164 = tpu.memref_slice %arg2[%add3A_87] : memref<65536xi32, #tpu.memory_space<hbm>> -> memref<128xi32, #tpu.memory_space<hbm>>
      tpu.wait_dma2 semaphore(%run_scoped3A : memref<!tpu.dma_semaphore, #tpu.memory_space<semaphore_mem>>) src(%dma_wait3A_164 : memref<128xi32, #tpu.memory_space<hbm>>) dst(%arg6 : memref<128xi32, #tpu.memory_space<vmem>>)
      tpu.yield
    }) : () -> ()
    %dma_start3A_88 = arith.constant 0 : i32
    %dma_start3A_89 = arith.constant 0 : i32
    %dma_start3A_90 = tpu.memref_slice %arg3[%dma_start3A_88, %dma_start3A_89] : memref<4096x128xi32, #tpu.memory_space<hbm>> -> memref<4096x128xi32, #tpu.memory_space<hbm>>
    tpu.enqueue_indirect_dma source(%dma_start3A_90 : memref<4096x128xi32, #tpu.memory_space<hbm>>) target(%arg8 : memref<128x128xi32, #tpu.memory_space<vmem>>) offsets(%arg6 : memref<128xi32, #tpu.memory_space<vmem>>) semaphore(%arg10 : memref<!tpu.dma_semaphore, #tpu.memory_space<semaphore_mem>>)
    %dma_wait3A_91 = arith.constant 0 : i32
    %dma_wait3A_92 = arith.constant 0 : i32
    %dma_wait3A_93 = tpu.memref_slice %arg3[%dma_wait3A_91, %dma_wait3A_92] : memref<4096x128xi32, #tpu.memory_space<hbm>> -> memref<4096x128xi32, #tpu.memory_space<hbm>>
    tpu.wait_indirect_dma semaphore(%arg9 : memref<!tpu.dma_semaphore, #tpu.memory_space<semaphore_mem>>) src(%dma_wait3A_93 : memref<4096x128xi32, #tpu.memory_space<hbm>>) dst(%arg7 : memref<128x128xi32, #tpu.memory_space<vmem>>)
    %add3A_94 = arith.constant 1024 : i32
    %add3A_95 = arith.addi %mul3A_2, %add3A_94 : i32
    "tpu.region"() ({
      %run_scoped3A = tpu.sem_alloc : memref<!tpu.dma_semaphore, #tpu.memory_space<semaphore_mem>>
      %dma_start3A_161 = arith.constant 0 : i32
      %dma_start3A_162 = tpu.memref_slice %arg4[%add3A_95, %dma_start3A_161] : memref<65536x128xi32, #tpu.memory_space<hbm>> -> memref<128x128xi32, #tpu.memory_space<hbm>>
      %dma_start3A_163 = arith.constant 0 : i32
      %dma_start3A_164 = tpu.memref_slice %arg4[%add3A_95, %dma_start3A_163] : memref<65536x128xi32, #tpu.memory_space<hbm>> -> memref<128x128xi32, #tpu.memory_space<hbm>>
      tpu.enqueue_dma source(%arg7 : memref<128x128xi32, #tpu.memory_space<vmem>>) target(%dma_start3A_164 : memref<128x128xi32, #tpu.memory_space<hbm>>) target_semaphore(%run_scoped3A : memref<!tpu.dma_semaphore, #tpu.memory_space<semaphore_mem>>)
      %dma_wait3A_165 = arith.constant 0 : i32
      %dma_wait3A_166 = tpu.memref_slice %arg4[%add3A_95, %dma_wait3A_165] : memref<65536x128xi32, #tpu.memory_space<hbm>> -> memref<128x128xi32, #tpu.memory_space<hbm>>
      %dma_wait3A_167 = arith.constant 0 : i32
      %dma_wait3A_168 = tpu.memref_slice %arg4[%add3A_95, %dma_wait3A_167] : memref<65536x128xi32, #tpu.memory_space<hbm>> -> memref<128x128xi32, #tpu.memory_space<hbm>>
      tpu.wait_dma2 semaphore(%run_scoped3A : memref<!tpu.dma_semaphore, #tpu.memory_space<semaphore_mem>>) src(%arg7 : memref<128x128xi32, #tpu.memory_space<vmem>>) dst(%dma_wait3A_168 : memref<128x128xi32, #tpu.memory_space<hbm>>)
      tpu.yield
    }) : () -> ()
    %add3A_96 = arith.constant 1280 : i32
    %add3A_97 = arith.addi %mul3A_2, %add3A_96 : i32
    "tpu.region"() ({
      %run_scoped3A = tpu.sem_alloc : memref<!tpu.dma_semaphore, #tpu.memory_space<semaphore_mem>>
      %dma_start3A_161 = tpu.memref_slice %arg2[%add3A_97] : memref<65536xi32, #tpu.memory_space<hbm>> -> memref<128xi32, #tpu.memory_space<hbm>>
      %dma_start3A_162 = tpu.memref_slice %arg2[%add3A_97] : memref<65536xi32, #tpu.memory_space<hbm>> -> memref<128xi32, #tpu.memory_space<hbm>>
      tpu.enqueue_dma source(%dma_start3A_162 : memref<128xi32, #tpu.memory_space<hbm>>) target(%arg5 : memref<128xi32, #tpu.memory_space<vmem>>) target_semaphore(%run_scoped3A : memref<!tpu.dma_semaphore, #tpu.memory_space<semaphore_mem>>)
      %dma_wait3A_163 = tpu.memref_slice %arg2[%add3A_97] : memref<65536xi32, #tpu.memory_space<hbm>> -> memref<128xi32, #tpu.memory_space<hbm>>
      %dma_wait3A_164 = tpu.memref_slice %arg2[%add3A_97] : memref<65536xi32, #tpu.memory_space<hbm>> -> memref<128xi32, #tpu.memory_space<hbm>>
      tpu.wait_dma2 semaphore(%run_scoped3A : memref<!tpu.dma_semaphore, #tpu.memory_space<semaphore_mem>>) src(%dma_wait3A_164 : memref<128xi32, #tpu.memory_space<hbm>>) dst(%arg5 : memref<128xi32, #tpu.memory_space<vmem>>)
      tpu.yield
    }) : () -> ()
    %dma_start3A_98 = arith.constant 0 : i32
    %dma_start3A_99 = arith.constant 0 : i32
    %dma_start3A_100 = tpu.memref_slice %arg3[%dma_start3A_98, %dma_start3A_99] : memref<4096x128xi32, #tpu.memory_space<hbm>> -> memref<4096x128xi32, #tpu.memory_space<hbm>>
    tpu.enqueue_indirect_dma source(%dma_start3A_100 : memref<4096x128xi32, #tpu.memory_space<hbm>>) target(%arg7 : memref<128x128xi32, #tpu.memory_space<vmem>>) offsets(%arg5 : memref<128xi32, #tpu.memory_space<vmem>>) semaphore(%arg9 : memref<!tpu.dma_semaphore, #tpu.memory_space<semaphore_mem>>)
    %dma_wait3A_101 = arith.constant 0 : i32
    %dma_wait3A_102 = arith.constant 0 : i32
    %dma_wait3A_103 = tpu.memref_slice %arg3[%dma_wait3A_101, %dma_wait3A_102] : memref<4096x128xi32, #tpu.memory_space<hbm>> -> memref<4096x128xi32, #tpu.memory_space<hbm>>
    tpu.wait_indirect_dma semaphore(%arg10 : memref<!tpu.dma_semaphore, #tpu.memory_space<semaphore_mem>>) src(%dma_wait3A_103 : memref<4096x128xi32, #tpu.memory_space<hbm>>) dst(%arg8 : memref<128x128xi32, #tpu.memory_space<vmem>>)
    %add3A_104 = arith.constant 1152 : i32
    %add3A_105 = arith.addi %mul3A_2, %add3A_104 : i32
    "tpu.region"() ({
      %run_scoped3A = tpu.sem_alloc : memref<!tpu.dma_semaphore, #tpu.memory_space<semaphore_mem>>
      %dma_start3A_161 = arith.constant 0 : i32
      %dma_start3A_162 = tpu.memref_slice %arg4[%add3A_105, %dma_start3A_161] : memref<65536x128xi32, #tpu.memory_space<hbm>> -> memref<128x128xi32, #tpu.memory_space<hbm>>
      %dma_start3A_163 = arith.constant 0 : i32
      %dma_start3A_164 = tpu.memref_slice %arg4[%add3A_105, %dma_start3A_163] : memref<65536x128xi32, #tpu.memory_space<hbm>> -> memref<128x128xi32, #tpu.memory_space<hbm>>
      tpu.enqueue_dma source(%arg8 : memref<128x128xi32, #tpu.memory_space<vmem>>) target(%dma_start3A_164 : memref<128x128xi32, #tpu.memory_space<hbm>>) target_semaphore(%run_scoped3A : memref<!tpu.dma_semaphore, #tpu.memory_space<semaphore_mem>>)
      %dma_wait3A_165 = arith.constant 0 : i32
      %dma_wait3A_166 = tpu.memref_slice %arg4[%add3A_105, %dma_wait3A_165] : memref<65536x128xi32, #tpu.memory_space<hbm>> -> memref<128x128xi32, #tpu.memory_space<hbm>>
      %dma_wait3A_167 = arith.constant 0 : i32
      %dma_wait3A_168 = tpu.memref_slice %arg4[%add3A_105, %dma_wait3A_167] : memref<65536x128xi32, #tpu.memory_space<hbm>> -> memref<128x128xi32, #tpu.memory_space<hbm>>
      tpu.wait_dma2 semaphore(%run_scoped3A : memref<!tpu.dma_semaphore, #tpu.memory_space<semaphore_mem>>) src(%arg8 : memref<128x128xi32, #tpu.memory_space<vmem>>) dst(%dma_wait3A_168 : memref<128x128xi32, #tpu.memory_space<hbm>>)
      tpu.yield
    }) : () -> ()
    %add3A_106 = arith.constant 1408 : i32
    %add3A_107 = arith.addi %mul3A_2, %add3A_106 : i32
    "tpu.region"() ({
      %run_scoped3A = tpu.sem_alloc : memref<!tpu.dma_semaphore, #tpu.memory_space<semaphore_mem>>
      %dma_start3A_161 = tpu.memref_slice %arg2[%add3A_107] : memref<65536xi32, #tpu.memory_space<hbm>> -> memref<128xi32, #tpu.memory_space<hbm>>
      %dma_start3A_162 = tpu.memref_slice %arg2[%add3A_107] : memref<65536xi32, #tpu.memory_space<hbm>> -> memref<128xi32, #tpu.memory_space<hbm>>
      tpu.enqueue_dma source(%dma_start3A_162 : memref<128xi32, #tpu.memory_space<hbm>>) target(%arg6 : memref<128xi32, #tpu.memory_space<vmem>>) target_semaphore(%run_scoped3A : memref<!tpu.dma_semaphore, #tpu.memory_space<semaphore_mem>>)
      %dma_wait3A_163 = tpu.memref_slice %arg2[%add3A_107] : memref<65536xi32, #tpu.memory_space<hbm>> -> memref<128xi32, #tpu.memory_space<hbm>>
      %dma_wait3A_164 = tpu.memref_slice %arg2[%add3A_107] : memref<65536xi32, #tpu.memory_space<hbm>> -> memref<128xi32, #tpu.memory_space<hbm>>
      tpu.wait_dma2 semaphore(%run_scoped3A : memref<!tpu.dma_semaphore, #tpu.memory_space<semaphore_mem>>) src(%dma_wait3A_164 : memref<128xi32, #tpu.memory_space<hbm>>) dst(%arg6 : memref<128xi32, #tpu.memory_space<vmem>>)
      tpu.yield
    }) : () -> ()
    %dma_start3A_108 = arith.constant 0 : i32
    %dma_start3A_109 = arith.constant 0 : i32
    %dma_start3A_110 = tpu.memref_slice %arg3[%dma_start3A_108, %dma_start3A_109] : memref<4096x128xi32, #tpu.memory_space<hbm>> -> memref<4096x128xi32, #tpu.memory_space<hbm>>
    tpu.enqueue_indirect_dma source(%dma_start3A_110 : memref<4096x128xi32, #tpu.memory_space<hbm>>) target(%arg8 : memref<128x128xi32, #tpu.memory_space<vmem>>) offsets(%arg6 : memref<128xi32, #tpu.memory_space<vmem>>) semaphore(%arg10 : memref<!tpu.dma_semaphore, #tpu.memory_space<semaphore_mem>>)
    %dma_wait3A_111 = arith.constant 0 : i32
    %dma_wait3A_112 = arith.constant 0 : i32
    %dma_wait3A_113 = tpu.memref_slice %arg3[%dma_wait3A_111, %dma_wait3A_112] : memref<4096x128xi32, #tpu.memory_space<hbm>> -> memref<4096x128xi32, #tpu.memory_space<hbm>>
    tpu.wait_indirect_dma semaphore(%arg9 : memref<!tpu.dma_semaphore, #tpu.memory_space<semaphore_mem>>) src(%dma_wait3A_113 : memref<4096x128xi32, #tpu.memory_space<hbm>>) dst(%arg7 : memref<128x128xi32, #tpu.memory_space<vmem>>)
    %add3A_114 = arith.constant 1280 : i32
    %add3A_115 = arith.addi %mul3A_2, %add3A_114 : i32
    "tpu.region"() ({
      %run_scoped3A = tpu.sem_alloc : memref<!tpu.dma_semaphore, #tpu.memory_space<semaphore_mem>>
      %dma_start3A_161 = arith.constant 0 : i32
      %dma_start3A_162 = tpu.memref_slice %arg4[%add3A_115, %dma_start3A_161] : memref<65536x128xi32, #tpu.memory_space<hbm>> -> memref<128x128xi32, #tpu.memory_space<hbm>>
      %dma_start3A_163 = arith.constant 0 : i32
      %dma_start3A_164 = tpu.memref_slice %arg4[%add3A_115, %dma_start3A_163] : memref<65536x128xi32, #tpu.memory_space<hbm>> -> memref<128x128xi32, #tpu.memory_space<hbm>>
      tpu.enqueue_dma source(%arg7 : memref<128x128xi32, #tpu.memory_space<vmem>>) target(%dma_start3A_164 : memref<128x128xi32, #tpu.memory_space<hbm>>) target_semaphore(%run_scoped3A : memref<!tpu.dma_semaphore, #tpu.memory_space<semaphore_mem>>)
      %dma_wait3A_165 = arith.constant 0 : i32
      %dma_wait3A_166 = tpu.memref_slice %arg4[%add3A_115, %dma_wait3A_165] : memref<65536x128xi32, #tpu.memory_space<hbm>> -> memref<128x128xi32, #tpu.memory_space<hbm>>
      %dma_wait3A_167 = arith.constant 0 : i32
      %dma_wait3A_168 = tpu.memref_slice %arg4[%add3A_115, %dma_wait3A_167] : memref<65536x128xi32, #tpu.memory_space<hbm>> -> memref<128x128xi32, #tpu.memory_space<hbm>>
      tpu.wait_dma2 semaphore(%run_scoped3A : memref<!tpu.dma_semaphore, #tpu.memory_space<semaphore_mem>>) src(%arg7 : memref<128x128xi32, #tpu.memory_space<vmem>>) dst(%dma_wait3A_168 : memref<128x128xi32, #tpu.memory_space<hbm>>)
      tpu.yield
    }) : () -> ()
    %add3A_116 = arith.constant 1536 : i32
    %add3A_117 = arith.addi %mul3A_2, %add3A_116 : i32
    "tpu.region"() ({
      %run_scoped3A = tpu.sem_alloc : memref<!tpu.dma_semaphore, #tpu.memory_space<semaphore_mem>>
      %dma_start3A_161 = tpu.memref_slice %arg2[%add3A_117] : memref<65536xi32, #tpu.memory_space<hbm>> -> memref<128xi32, #tpu.memory_space<hbm>>
      %dma_start3A_162 = tpu.memref_slice %arg2[%add3A_117] : memref<65536xi32, #tpu.memory_space<hbm>> -> memref<128xi32, #tpu.memory_space<hbm>>
      tpu.enqueue_dma source(%dma_start3A_162 : memref<128xi32, #tpu.memory_space<hbm>>) target(%arg5 : memref<128xi32, #tpu.memory_space<vmem>>) target_semaphore(%run_scoped3A : memref<!tpu.dma_semaphore, #tpu.memory_space<semaphore_mem>>)
      %dma_wait3A_163 = tpu.memref_slice %arg2[%add3A_117] : memref<65536xi32, #tpu.memory_space<hbm>> -> memref<128xi32, #tpu.memory_space<hbm>>
      %dma_wait3A_164 = tpu.memref_slice %arg2[%add3A_117] : memref<65536xi32, #tpu.memory_space<hbm>> -> memref<128xi32, #tpu.memory_space<hbm>>
      tpu.wait_dma2 semaphore(%run_scoped3A : memref<!tpu.dma_semaphore, #tpu.memory_space<semaphore_mem>>) src(%dma_wait3A_164 : memref<128xi32, #tpu.memory_space<hbm>>) dst(%arg5 : memref<128xi32, #tpu.memory_space<vmem>>)
      tpu.yield
    }) : () -> ()
    %dma_start3A_118 = arith.constant 0 : i32
    %dma_start3A_119 = arith.constant 0 : i32
    %dma_start3A_120 = tpu.memref_slice %arg3[%dma_start3A_118, %dma_start3A_119] : memref<4096x128xi32, #tpu.memory_space<hbm>> -> memref<4096x128xi32, #tpu.memory_space<hbm>>
    tpu.enqueue_indirect_dma source(%dma_start3A_120 : memref<4096x128xi32, #tpu.memory_space<hbm>>) target(%arg7 : memref<128x128xi32, #tpu.memory_space<vmem>>) offsets(%arg5 : memref<128xi32, #tpu.memory_space<vmem>>) semaphore(%arg9 : memref<!tpu.dma_semaphore, #tpu.memory_space<semaphore_mem>>)
    %dma_wait3A_121 = arith.constant 0 : i32
    %dma_wait3A_122 = arith.constant 0 : i32
    %dma_wait3A_123 = tpu.memref_slice %arg3[%dma_wait3A_121, %dma_wait3A_122] : memref<4096x128xi32, #tpu.memory_space<hbm>> -> memref<4096x128xi32, #tpu.memory_space<hbm>>
    tpu.wait_indirect_dma semaphore(%arg10 : memref<!tpu.dma_semaphore, #tpu.memory_space<semaphore_mem>>) src(%dma_wait3A_123 : memref<4096x128xi32, #tpu.memory_space<hbm>>) dst(%arg8 : memref<128x128xi32, #tpu.memory_space<vmem>>)
    %add3A_124 = arith.constant 1408 : i32
    %add3A_125 = arith.addi %mul3A_2, %add3A_124 : i32
    "tpu.region"() ({
      %run_scoped3A = tpu.sem_alloc : memref<!tpu.dma_semaphore, #tpu.memory_space<semaphore_mem>>
      %dma_start3A_161 = arith.constant 0 : i32
      %dma_start3A_162 = tpu.memref_slice %arg4[%add3A_125, %dma_start3A_161] : memref<65536x128xi32, #tpu.memory_space<hbm>> -> memref<128x128xi32, #tpu.memory_space<hbm>>
      %dma_start3A_163 = arith.constant 0 : i32
      %dma_start3A_164 = tpu.memref_slice %arg4[%add3A_125, %dma_start3A_163] : memref<65536x128xi32, #tpu.memory_space<hbm>> -> memref<128x128xi32, #tpu.memory_space<hbm>>
      tpu.enqueue_dma source(%arg8 : memref<128x128xi32, #tpu.memory_space<vmem>>) target(%dma_start3A_164 : memref<128x128xi32, #tpu.memory_space<hbm>>) target_semaphore(%run_scoped3A : memref<!tpu.dma_semaphore, #tpu.memory_space<semaphore_mem>>)
      %dma_wait3A_165 = arith.constant 0 : i32
      %dma_wait3A_166 = tpu.memref_slice %arg4[%add3A_125, %dma_wait3A_165] : memref<65536x128xi32, #tpu.memory_space<hbm>> -> memref<128x128xi32, #tpu.memory_space<hbm>>
      %dma_wait3A_167 = arith.constant 0 : i32
      %dma_wait3A_168 = tpu.memref_slice %arg4[%add3A_125, %dma_wait3A_167] : memref<65536x128xi32, #tpu.memory_space<hbm>> -> memref<128x128xi32, #tpu.memory_space<hbm>>
      tpu.wait_dma2 semaphore(%run_scoped3A : memref<!tpu.dma_semaphore, #tpu.memory_space<semaphore_mem>>) src(%arg8 : memref<128x128xi32, #tpu.memory_space<vmem>>) dst(%dma_wait3A_168 : memref<128x128xi32, #tpu.memory_space<hbm>>)
      tpu.yield
    }) : () -> ()
    %add3A_126 = arith.constant 1664 : i32
    %add3A_127 = arith.addi %mul3A_2, %add3A_126 : i32
    "tpu.region"() ({
      %run_scoped3A = tpu.sem_alloc : memref<!tpu.dma_semaphore, #tpu.memory_space<semaphore_mem>>
      %dma_start3A_161 = tpu.memref_slice %arg2[%add3A_127] : memref<65536xi32, #tpu.memory_space<hbm>> -> memref<128xi32, #tpu.memory_space<hbm>>
      %dma_start3A_162 = tpu.memref_slice %arg2[%add3A_127] : memref<65536xi32, #tpu.memory_space<hbm>> -> memref<128xi32, #tpu.memory_space<hbm>>
      tpu.enqueue_dma source(%dma_start3A_162 : memref<128xi32, #tpu.memory_space<hbm>>) target(%arg6 : memref<128xi32, #tpu.memory_space<vmem>>) target_semaphore(%run_scoped3A : memref<!tpu.dma_semaphore, #tpu.memory_space<semaphore_mem>>)
      %dma_wait3A_163 = tpu.memref_slice %arg2[%add3A_127] : memref<65536xi32, #tpu.memory_space<hbm>> -> memref<128xi32, #tpu.memory_space<hbm>>
      %dma_wait3A_164 = tpu.memref_slice %arg2[%add3A_127] : memref<65536xi32, #tpu.memory_space<hbm>> -> memref<128xi32, #tpu.memory_space<hbm>>
      tpu.wait_dma2 semaphore(%run_scoped3A : memref<!tpu.dma_semaphore, #tpu.memory_space<semaphore_mem>>) src(%dma_wait3A_164 : memref<128xi32, #tpu.memory_space<hbm>>) dst(%arg6 : memref<128xi32, #tpu.memory_space<vmem>>)
      tpu.yield
    }) : () -> ()
    %dma_start3A_128 = arith.constant 0 : i32
    %dma_start3A_129 = arith.constant 0 : i32
    %dma_start3A_130 = tpu.memref_slice %arg3[%dma_start3A_128, %dma_start3A_129] : memref<4096x128xi32, #tpu.memory_space<hbm>> -> memref<4096x128xi32, #tpu.memory_space<hbm>>
    tpu.enqueue_indirect_dma source(%dma_start3A_130 : memref<4096x128xi32, #tpu.memory_space<hbm>>) target(%arg8 : memref<128x128xi32, #tpu.memory_space<vmem>>) offsets(%arg6 : memref<128xi32, #tpu.memory_space<vmem>>) semaphore(%arg10 : memref<!tpu.dma_semaphore, #tpu.memory_space<semaphore_mem>>)
    %dma_wait3A_131 = arith.constant 0 : i32
    %dma_wait3A_132 = arith.constant 0 : i32
    %dma_wait3A_133 = tpu.memref_slice %arg3[%dma_wait3A_131, %dma_wait3A_132] : memref<4096x128xi32, #tpu.memory_space<hbm>> -> memref<4096x128xi32, #tpu.memory_space<hbm>>
    tpu.wait_indirect_dma semaphore(%arg9 : memref<!tpu.dma_semaphore, #tpu.memory_space<semaphore_mem>>) src(%dma_wait3A_133 : memref<4096x128xi32, #tpu.memory_space<hbm>>) dst(%arg7 : memref<128x128xi32, #tpu.memory_space<vmem>>)
    %add3A_134 = arith.constant 1536 : i32
    %add3A_135 = arith.addi %mul3A_2, %add3A_134 : i32
    "tpu.region"() ({
      %run_scoped3A = tpu.sem_alloc : memref<!tpu.dma_semaphore, #tpu.memory_space<semaphore_mem>>
      %dma_start3A_161 = arith.constant 0 : i32
      %dma_start3A_162 = tpu.memref_slice %arg4[%add3A_135, %dma_start3A_161] : memref<65536x128xi32, #tpu.memory_space<hbm>> -> memref<128x128xi32, #tpu.memory_space<hbm>>
      %dma_start3A_163 = arith.constant 0 : i32
      %dma_start3A_164 = tpu.memref_slice %arg4[%add3A_135, %dma_start3A_163] : memref<65536x128xi32, #tpu.memory_space<hbm>> -> memref<128x128xi32, #tpu.memory_space<hbm>>
      tpu.enqueue_dma source(%arg7 : memref<128x128xi32, #tpu.memory_space<vmem>>) target(%dma_start3A_164 : memref<128x128xi32, #tpu.memory_space<hbm>>) target_semaphore(%run_scoped3A : memref<!tpu.dma_semaphore, #tpu.memory_space<semaphore_mem>>)
      %dma_wait3A_165 = arith.constant 0 : i32
      %dma_wait3A_166 = tpu.memref_slice %arg4[%add3A_135, %dma_wait3A_165] : memref<65536x128xi32, #tpu.memory_space<hbm>> -> memref<128x128xi32, #tpu.memory_space<hbm>>
      %dma_wait3A_167 = arith.constant 0 : i32
      %dma_wait3A_168 = tpu.memref_slice %arg4[%add3A_135, %dma_wait3A_167] : memref<65536x128xi32, #tpu.memory_space<hbm>> -> memref<128x128xi32, #tpu.memory_space<hbm>>
      tpu.wait_dma2 semaphore(%run_scoped3A : memref<!tpu.dma_semaphore, #tpu.memory_space<semaphore_mem>>) src(%arg7 : memref<128x128xi32, #tpu.memory_space<vmem>>) dst(%dma_wait3A_168 : memref<128x128xi32, #tpu.memory_space<hbm>>)
      tpu.yield
    }) : () -> ()
    %add3A_136 = arith.constant 1792 : i32
    %add3A_137 = arith.addi %mul3A_2, %add3A_136 : i32
    "tpu.region"() ({
      %run_scoped3A = tpu.sem_alloc : memref<!tpu.dma_semaphore, #tpu.memory_space<semaphore_mem>>
      %dma_start3A_161 = tpu.memref_slice %arg2[%add3A_137] : memref<65536xi32, #tpu.memory_space<hbm>> -> memref<128xi32, #tpu.memory_space<hbm>>
      %dma_start3A_162 = tpu.memref_slice %arg2[%add3A_137] : memref<65536xi32, #tpu.memory_space<hbm>> -> memref<128xi32, #tpu.memory_space<hbm>>
      tpu.enqueue_dma source(%dma_start3A_162 : memref<128xi32, #tpu.memory_space<hbm>>) target(%arg5 : memref<128xi32, #tpu.memory_space<vmem>>) target_semaphore(%run_scoped3A : memref<!tpu.dma_semaphore, #tpu.memory_space<semaphore_mem>>)
      %dma_wait3A_163 = tpu.memref_slice %arg2[%add3A_137] : memref<65536xi32, #tpu.memory_space<hbm>> -> memref<128xi32, #tpu.memory_space<hbm>>
      %dma_wait3A_164 = tpu.memref_slice %arg2[%add3A_137] : memref<65536xi32, #tpu.memory_space<hbm>> -> memref<128xi32, #tpu.memory_space<hbm>>
      tpu.wait_dma2 semaphore(%run_scoped3A : memref<!tpu.dma_semaphore, #tpu.memory_space<semaphore_mem>>) src(%dma_wait3A_164 : memref<128xi32, #tpu.memory_space<hbm>>) dst(%arg5 : memref<128xi32, #tpu.memory_space<vmem>>)
      tpu.yield
    }) : () -> ()
    %dma_start3A_138 = arith.constant 0 : i32
    %dma_start3A_139 = arith.constant 0 : i32
    %dma_start3A_140 = tpu.memref_slice %arg3[%dma_start3A_138, %dma_start3A_139] : memref<4096x128xi32, #tpu.memory_space<hbm>> -> memref<4096x128xi32, #tpu.memory_space<hbm>>
    tpu.enqueue_indirect_dma source(%dma_start3A_140 : memref<4096x128xi32, #tpu.memory_space<hbm>>) target(%arg7 : memref<128x128xi32, #tpu.memory_space<vmem>>) offsets(%arg5 : memref<128xi32, #tpu.memory_space<vmem>>) semaphore(%arg9 : memref<!tpu.dma_semaphore, #tpu.memory_space<semaphore_mem>>)
    %dma_wait3A_141 = arith.constant 0 : i32
    %dma_wait3A_142 = arith.constant 0 : i32
    %dma_wait3A_143 = tpu.memref_slice %arg3[%dma_wait3A_141, %dma_wait3A_142] : memref<4096x128xi32, #tpu.memory_space<hbm>> -> memref<4096x128xi32, #tpu.memory_space<hbm>>
    tpu.wait_indirect_dma semaphore(%arg10 : memref<!tpu.dma_semaphore, #tpu.memory_space<semaphore_mem>>) src(%dma_wait3A_143 : memref<4096x128xi32, #tpu.memory_space<hbm>>) dst(%arg8 : memref<128x128xi32, #tpu.memory_space<vmem>>)
    %add3A_144 = arith.constant 1664 : i32
    %add3A_145 = arith.addi %mul3A_2, %add3A_144 : i32
    "tpu.region"() ({
      %run_scoped3A = tpu.sem_alloc : memref<!tpu.dma_semaphore, #tpu.memory_space<semaphore_mem>>
      %dma_start3A_161 = arith.constant 0 : i32
      %dma_start3A_162 = tpu.memref_slice %arg4[%add3A_145, %dma_start3A_161] : memref<65536x128xi32, #tpu.memory_space<hbm>> -> memref<128x128xi32, #tpu.memory_space<hbm>>
      %dma_start3A_163 = arith.constant 0 : i32
      %dma_start3A_164 = tpu.memref_slice %arg4[%add3A_145, %dma_start3A_163] : memref<65536x128xi32, #tpu.memory_space<hbm>> -> memref<128x128xi32, #tpu.memory_space<hbm>>
      tpu.enqueue_dma source(%arg8 : memref<128x128xi32, #tpu.memory_space<vmem>>) target(%dma_start3A_164 : memref<128x128xi32, #tpu.memory_space<hbm>>) target_semaphore(%run_scoped3A : memref<!tpu.dma_semaphore, #tpu.memory_space<semaphore_mem>>)
      %dma_wait3A_165 = arith.constant 0 : i32
      %dma_wait3A_166 = tpu.memref_slice %arg4[%add3A_145, %dma_wait3A_165] : memref<65536x128xi32, #tpu.memory_space<hbm>> -> memref<128x128xi32, #tpu.memory_space<hbm>>
      %dma_wait3A_167 = arith.constant 0 : i32
      %dma_wait3A_168 = tpu.memref_slice %arg4[%add3A_145, %dma_wait3A_167] : memref<65536x128xi32, #tpu.memory_space<hbm>> -> memref<128x128xi32, #tpu.memory_space<hbm>>
      tpu.wait_dma2 semaphore(%run_scoped3A : memref<!tpu.dma_semaphore, #tpu.memory_space<semaphore_mem>>) src(%arg8 : memref<128x128xi32, #tpu.memory_space<vmem>>) dst(%dma_wait3A_168 : memref<128x128xi32, #tpu.memory_space<hbm>>)
      tpu.yield
    }) : () -> ()
    %add3A_146 = arith.constant 1920 : i32
    %add3A_147 = arith.addi %mul3A_2, %add3A_146 : i32
    "tpu.region"() ({
      %run_scoped3A = tpu.sem_alloc : memref<!tpu.dma_semaphore, #tpu.memory_space<semaphore_mem>>
      %dma_start3A_161 = tpu.memref_slice %arg2[%add3A_147] : memref<65536xi32, #tpu.memory_space<hbm>> -> memref<128xi32, #tpu.memory_space<hbm>>
      %dma_start3A_162 = tpu.memref_slice %arg2[%add3A_147] : memref<65536xi32, #tpu.memory_space<hbm>> -> memref<128xi32, #tpu.memory_space<hbm>>
      tpu.enqueue_dma source(%dma_start3A_162 : memref<128xi32, #tpu.memory_space<hbm>>) target(%arg6 : memref<128xi32, #tpu.memory_space<vmem>>) target_semaphore(%run_scoped3A : memref<!tpu.dma_semaphore, #tpu.memory_space<semaphore_mem>>)
      %dma_wait3A_163 = tpu.memref_slice %arg2[%add3A_147] : memref<65536xi32, #tpu.memory_space<hbm>> -> memref<128xi32, #tpu.memory_space<hbm>>
      %dma_wait3A_164 = tpu.memref_slice %arg2[%add3A_147] : memref<65536xi32, #tpu.memory_space<hbm>> -> memref<128xi32, #tpu.memory_space<hbm>>
      tpu.wait_dma2 semaphore(%run_scoped3A : memref<!tpu.dma_semaphore, #tpu.memory_space<semaphore_mem>>) src(%dma_wait3A_164 : memref<128xi32, #tpu.memory_space<hbm>>) dst(%arg6 : memref<128xi32, #tpu.memory_space<vmem>>)
      tpu.yield
    }) : () -> ()
    %dma_start3A_148 = arith.constant 0 : i32
    %dma_start3A_149 = arith.constant 0 : i32
    %dma_start3A_150 = tpu.memref_slice %arg3[%dma_start3A_148, %dma_start3A_149] : memref<4096x128xi32, #tpu.memory_space<hbm>> -> memref<4096x128xi32, #tpu.memory_space<hbm>>
    tpu.enqueue_indirect_dma source(%dma_start3A_150 : memref<4096x128xi32, #tpu.memory_space<hbm>>) target(%arg8 : memref<128x128xi32, #tpu.memory_space<vmem>>) offsets(%arg6 : memref<128xi32, #tpu.memory_space<vmem>>) semaphore(%arg10 : memref<!tpu.dma_semaphore, #tpu.memory_space<semaphore_mem>>)
    %dma_wait3A_151 = arith.constant 0 : i32
    %dma_wait3A_152 = arith.constant 0 : i32
    %dma_wait3A_153 = tpu.memref_slice %arg3[%dma_wait3A_151, %dma_wait3A_152] : memref<4096x128xi32, #tpu.memory_space<hbm>> -> memref<4096x128xi32, #tpu.memory_space<hbm>>
    tpu.wait_indirect_dma semaphore(%arg9 : memref<!tpu.dma_semaphore, #tpu.memory_space<semaphore_mem>>) src(%dma_wait3A_153 : memref<4096x128xi32, #tpu.memory_space<hbm>>) dst(%arg7 : memref<128x128xi32, #tpu.memory_space<vmem>>)
    %add3A_154 = arith.constant 1792 : i32
    %add3A_155 = arith.addi %mul3A_2, %add3A_154 : i32
    "tpu.region"() ({
      %run_scoped3A = tpu.sem_alloc : memref<!tpu.dma_semaphore, #tpu.memory_space<semaphore_mem>>
      %dma_start3A_161 = arith.constant 0 : i32
      %dma_start3A_162 = tpu.memref_slice %arg4[%add3A_155, %dma_start3A_161] : memref<65536x128xi32, #tpu.memory_space<hbm>> -> memref<128x128xi32, #tpu.memory_space<hbm>>
      %dma_start3A_163 = arith.constant 0 : i32
      %dma_start3A_164 = tpu.memref_slice %arg4[%add3A_155, %dma_start3A_163] : memref<65536x128xi32, #tpu.memory_space<hbm>> -> memref<128x128xi32, #tpu.memory_space<hbm>>
      tpu.enqueue_dma source(%arg7 : memref<128x128xi32, #tpu.memory_space<vmem>>) target(%dma_start3A_164 : memref<128x128xi32, #tpu.memory_space<hbm>>) target_semaphore(%run_scoped3A : memref<!tpu.dma_semaphore, #tpu.memory_space<semaphore_mem>>)
      %dma_wait3A_165 = arith.constant 0 : i32
      %dma_wait3A_166 = tpu.memref_slice %arg4[%add3A_155, %dma_wait3A_165] : memref<65536x128xi32, #tpu.memory_space<hbm>> -> memref<128x128xi32, #tpu.memory_space<hbm>>
      %dma_wait3A_167 = arith.constant 0 : i32
      %dma_wait3A_168 = tpu.memref_slice %arg4[%add3A_155, %dma_wait3A_167] : memref<65536x128xi32, #tpu.memory_space<hbm>> -> memref<128x128xi32, #tpu.memory_space<hbm>>
      tpu.wait_dma2 semaphore(%run_scoped3A : memref<!tpu.dma_semaphore, #tpu.memory_space<semaphore_mem>>) src(%arg7 : memref<128x128xi32, #tpu.memory_space<vmem>>) dst(%dma_wait3A_168 : memref<128x128xi32, #tpu.memory_space<hbm>>)
      tpu.yield
    }) : () -> ()
    %dma_wait3A_156 = arith.constant 0 : i32
    %dma_wait3A_157 = arith.constant 0 : i32
    %dma_wait3A_158 = tpu.memref_slice %arg3[%dma_wait3A_156, %dma_wait3A_157] : memref<4096x128xi32, #tpu.memory_space<hbm>> -> memref<4096x128xi32, #tpu.memory_space<hbm>>
    tpu.wait_indirect_dma semaphore(%arg10 : memref<!tpu.dma_semaphore, #tpu.memory_space<semaphore_mem>>) src(%dma_wait3A_158 : memref<4096x128xi32, #tpu.memory_space<hbm>>) dst(%arg8 : memref<128x128xi32, #tpu.memory_space<vmem>>)
    %add3A_159 = arith.constant 1920 : i32
    %add3A_160 = arith.addi %mul3A_2, %add3A_159 : i32
    "tpu.region"() ({
      %run_scoped3A = tpu.sem_alloc : memref<!tpu.dma_semaphore, #tpu.memory_space<semaphore_mem>>
      %dma_start3A_161 = arith.constant 0 : i32
      %dma_start3A_162 = tpu.memref_slice %arg4[%add3A_160, %dma_start3A_161] : memref<65536x128xi32, #tpu.memory_space<hbm>> -> memref<128x128xi32, #tpu.memory_space<hbm>>
      %dma_start3A_163 = arith.constant 0 : i32
      %dma_start3A_164 = tpu.memref_slice %arg4[%add3A_160, %dma_start3A_163] : memref<65536x128xi32, #tpu.memory_space<hbm>> -> memref<128x128xi32, #tpu.memory_space<hbm>>
      tpu.enqueue_dma source(%arg8 : memref<128x128xi32, #tpu.memory_space<vmem>>) target(%dma_start3A_164 : memref<128x128xi32, #tpu.memory_space<hbm>>) target_semaphore(%run_scoped3A : memref<!tpu.dma_semaphore, #tpu.memory_space<semaphore_mem>>)
      %dma_wait3A_165 = arith.constant 0 : i32
      %dma_wait3A_166 = tpu.memref_slice %arg4[%add3A_160, %dma_wait3A_165] : memref<65536x128xi32, #tpu.memory_space<hbm>> -> memref<128x128xi32, #tpu.memory_space<hbm>>
      %dma_wait3A_167 = arith.constant 0 : i32
      %dma_wait3A_168 = tpu.memref_slice %arg4[%add3A_160, %dma_wait3A_167] : memref<65536x128xi32, #tpu.memory_space<hbm>> -> memref<128x128xi32, #tpu.memory_space<hbm>>
      tpu.wait_dma2 semaphore(%run_scoped3A : memref<!tpu.dma_semaphore, #tpu.memory_space<semaphore_mem>>) src(%arg8 : memref<128x128xi32, #tpu.memory_space<vmem>>) dst(%dma_wait3A_168 : memref<128x128xi32, #tpu.memory_space<hbm>>)
      tpu.yield
    }) : () -> ()
    return
  }
}

module attributes {stable_mosaic.version = 14 : i64} {
  func.func @_stage_ak_body(%arg0: i32, %arg1: memref<1x64x2048xf32, #tpu.memory_space<vmem>>, %arg2: memref<1x16x2048xf32, #tpu.memory_space<vmem>>, %arg3: memref<1x2048x16xf32, #tpu.memory_space<vmem>>, %arg4: memref<64x64xf32, #tpu.memory_space<vmem>>, %arg5: memref<64x1xf32, #tpu.memory_space<vmem>>, %arg6: memref<64x1xf32, #tpu.memory_space<vmem>>, %arg7: memref<64x1xf32, #tpu.memory_space<vmem>>, %arg8: memref<64x64xf32, #tpu.memory_space<vmem>>, %arg9: memref<64x64xf32, #tpu.memory_space<vmem>>, %arg10: memref<64x64xf32, #tpu.memory_space<vmem>>, %arg11: memref<64x16xf32, #tpu.memory_space<vmem>>, %arg12: memref<1x2048x64xf32, #tpu.memory_space<vmem>>, %arg13: memref<1x2048x128xi32, #tpu.memory_space<vmem>>, %arg14: memref<1x16x2048xi32, #tpu.memory_space<vmem>>) attributes {dimension_semantics = [#tpu.dimension_semantics<arbitrary>], iteration_bounds = array<i64: 2>, scalar_prefetch = 0 : i64, scratch_operands = 0 : i64, tpu.core_type = #tpu.core_type<tc>, window_params = [{transform_indices = @transform_0, window_bounds = array<i64: 1, 64, 2048>}, {transform_indices = @transform_1, window_bounds = array<i64: 1, 16, 2048>}, {transform_indices = @transform_2, window_bounds = array<i64: 1, 2048, 16>}, {pipeline_mode = #tpu.pipeline_mode<synchronous>, transform_indices = @transform_3, window_bounds = array<i64: 64, 64>}, {pipeline_mode = #tpu.pipeline_mode<synchronous>, transform_indices = @transform_4, window_bounds = array<i64: 64, 1>}, {pipeline_mode = #tpu.pipeline_mode<synchronous>, transform_indices = @transform_5, window_bounds = array<i64: 64, 1>}, {pipeline_mode = #tpu.pipeline_mode<synchronous>, transform_indices = @transform_6, window_bounds = array<i64: 64, 1>}, {pipeline_mode = #tpu.pipeline_mode<synchronous>, transform_indices = @transform_7, window_bounds = array<i64: 64, 64>}, {pipeline_mode = #tpu.pipeline_mode<synchronous>, transform_indices = @transform_8, window_bounds = array<i64: 64, 64>}, {pipeline_mode = #tpu.pipeline_mode<synchronous>, transform_indices = @transform_9, window_bounds = array<i64: 64, 64>}, {pipeline_mode = #tpu.pipeline_mode<synchronous>, transform_indices = @transform_10, window_bounds = array<i64: 64, 16>}, {transform_indices = @transform_11, window_bounds = array<i64: 1, 2048, 64>}, {transform_indices = @transform_12, window_bounds = array<i64: 1, 2048, 128>}, {transform_indices = @transform_13, window_bounds = array<i64: 1, 16, 2048>}]} {
    %get3A = arith.constant 0 : index
    %get3A_0 = arith.constant 0 : index
    %get3A_1 = arith.constant 0 : index
    %get3A_2 = vector.load %arg1[%get3A, %get3A_0, %get3A_1] : memref<1x64x2048xf32, #tpu.memory_space<vmem>>, vector<1x64x2048xf32>
    %get3A_3 = vector.shape_cast %get3A_2 : vector<1x64x2048xf32> to vector<64x2048xf32>
    %get3A_4 = arith.constant 0 : index
    %get3A_5 = arith.constant 0 : index
    %get3A_6 = vector.load %arg4[%get3A_4, %get3A_5] : memref<64x64xf32, #tpu.memory_space<vmem>>, vector<64x64xf32>
    %dot_general3A = arith.constant dense<0.000000e+00> : vector<64x2048xf32>
    %dot_general3A_7 = tpu.matmul %get3A_6, %get3A_3, %dot_general3A {dimension_numbers = #tpu.dot_dimension_numbers<[1], [0], [0], [1], [0, 0, 1, 1], [], []>, transpose_lhs_hint = false} : vector<64x64xf32>, vector<64x2048xf32>, vector<64x2048xf32> -> vector<64x2048xf32>
    %get3A_8 = arith.constant 0 : index
    %get3A_9 = arith.constant 0 : index
    %get3A_10 = vector.load %arg5[%get3A_8, %get3A_9] : memref<64x1xf32, #tpu.memory_space<vmem>>, vector<64x1xf32>
    %add3A = vector.broadcast %get3A_10 : vector<64x1xf32> to vector<64x2048xf32>
    %add3A_11 = arith.addf %dot_general3A_7, %add3A : vector<64x2048xf32>
    %reduce_sum3A = arith.constant dense<0.000000e+00> : vector<2048xf32>
    %reduce_sum3A_12 = vector.multi_reduction <add>, %add3A_11, %reduce_sum3A [0] : vector<64x2048xf32> to vector<2048xf32>
    %broadcast_in_dim3A = vector.shape_cast %reduce_sum3A_12 : vector<2048xf32> to vector<1x2048xf32>
    %div3A = arith.constant 6.400000e+01 : f32
    %div3A_13 = vector.broadcast %div3A : f32 to vector<1x2048xf32>
    %div3A_14 = arith.divf %broadcast_in_dim3A, %div3A_13 : vector<1x2048xf32>
    %sub3A = vector.broadcast %div3A_14 : vector<1x2048xf32> to vector<64x2048xf32>
    %sub3A_15 = arith.subf %add3A_11, %sub3A : vector<64x2048xf32>
    %integer_pow3A = arith.mulf %sub3A_15, %sub3A_15 : vector<64x2048xf32>
    %reduce_sum3A_16 = arith.constant dense<0.000000e+00> : vector<2048xf32>
    %reduce_sum3A_17 = vector.multi_reduction <add>, %integer_pow3A, %reduce_sum3A_16 [0] : vector<64x2048xf32> to vector<2048xf32>
    %broadcast_in_dim3A_18 = vector.shape_cast %reduce_sum3A_17 : vector<2048xf32> to vector<1x2048xf32>
    %div3A_19 = arith.constant 6.400000e+01 : f32
    %div3A_20 = vector.broadcast %div3A_19 : f32 to vector<1x2048xf32>
    %div3A_21 = arith.divf %broadcast_in_dim3A_18, %div3A_20 : vector<1x2048xf32>
    %sub3A_22 = vector.broadcast %div3A_14 : vector<1x2048xf32> to vector<64x2048xf32>
    %sub3A_23 = arith.subf %add3A_11, %sub3A_22 : vector<64x2048xf32>
    %add3A_24 = arith.constant 9.99999974E-6 : f32
    %add3A_25 = vector.broadcast %add3A_24 : f32 to vector<1x2048xf32>
    %add3A_26 = arith.addf %div3A_21, %add3A_25 : vector<1x2048xf32>
    %sqrt3A = math.sqrt %add3A_26 : vector<1x2048xf32>
    %div3A_27 = vector.broadcast %sqrt3A : vector<1x2048xf32> to vector<64x2048xf32>
    %div3A_28 = arith.divf %sub3A_23, %div3A_27 : vector<64x2048xf32>
    %get3A_29 = arith.constant 0 : index
    %get3A_30 = arith.constant 0 : index
    %get3A_31 = vector.load %arg6[%get3A_29, %get3A_30] : memref<64x1xf32, #tpu.memory_space<vmem>>, vector<64x1xf32>
    %mul3A = vector.broadcast %get3A_31 : vector<64x1xf32> to vector<64x2048xf32>
    %mul3A_32 = arith.mulf %div3A_28, %mul3A : vector<64x2048xf32>
    %get3A_33 = arith.constant 0 : index
    %get3A_34 = arith.constant 0 : index
    %get3A_35 = vector.load %arg7[%get3A_33, %get3A_34] : memref<64x1xf32, #tpu.memory_space<vmem>>, vector<64x1xf32>
    %add3A_36 = vector.broadcast %get3A_35 : vector<64x1xf32> to vector<64x2048xf32>
    %add3A_37 = arith.addf %mul3A_32, %add3A_36 : vector<64x2048xf32>
    %get3A_38 = arith.constant 0 : index
    %get3A_39 = arith.constant 0 : index
    %get3A_40 = vector.load %arg9[%get3A_38, %get3A_39] : memref<64x64xf32, #tpu.memory_space<vmem>>, vector<64x64xf32>
    %dot_general3A_41 = arith.constant dense<0.000000e+00> : vector<64x2048xf32>
    %dot_general3A_42 = tpu.matmul %get3A_40, %add3A_37, %dot_general3A_41 {dimension_numbers = #tpu.dot_dimension_numbers<[1], [0], [0], [1], [0, 0, 1, 1], [], []>, transpose_lhs_hint = false} : vector<64x64xf32>, vector<64x2048xf32>, vector<64x2048xf32> -> vector<64x2048xf32>
    %get3A_43 = arith.constant 0 : index
    %get3A_44 = arith.constant 0 : index
    %get3A_45 = vector.load %arg10[%get3A_43, %get3A_44] : memref<64x64xf32, #tpu.memory_space<vmem>>, vector<64x64xf32>
    %dot_general3A_46 = arith.constant dense<0.000000e+00> : vector<64x2048xf32>
    %dot_general3A_47 = tpu.matmul %get3A_45, %add3A_37, %dot_general3A_46 {dimension_numbers = #tpu.dot_dimension_numbers<[1], [0], [0], [1], [0, 0, 1, 1], [], []>, transpose_lhs_hint = false} : vector<64x64xf32>, vector<64x2048xf32>, vector<64x2048xf32> -> vector<64x2048xf32>
    %get3A_48 = arith.constant 0 : index
    %get3A_49 = arith.constant 0 : index
    %get3A_50 = vector.load %arg11[%get3A_48, %get3A_49] : memref<64x16xf32, #tpu.memory_space<vmem>>, vector<64x16xf32>
    %get3A_51 = arith.constant 0 : index
    %get3A_52 = arith.constant 0 : index
    %get3A_53 = arith.constant 0 : index
    %get3A_54 = vector.load %arg2[%get3A_51, %get3A_52, %get3A_53] : memref<1x16x2048xf32, #tpu.memory_space<vmem>>, vector<1x16x2048xf32>
    %get3A_55 = vector.shape_cast %get3A_54 : vector<1x16x2048xf32> to vector<16x2048xf32>
    %dot_general3A_56 = arith.constant dense<0.000000e+00> : vector<64x2048xf32>
    %dot_general3A_57 = tpu.matmul %get3A_50, %get3A_55, %dot_general3A_56 {dimension_numbers = #tpu.dot_dimension_numbers<[1], [0], [0], [1], [0, 0, 1, 1], [], []>, transpose_lhs_hint = false} : vector<64x16xf32>, vector<16x2048xf32>, vector<64x2048xf32> -> vector<64x2048xf32>
    %get3A_58 = arith.constant 0 : index
    %get3A_59 = arith.constant 0 : index
    %get3A_60 = vector.load %arg8[%get3A_58, %get3A_59] : memref<64x64xf32, #tpu.memory_space<vmem>>, vector<64x64xf32>
    %dot_general3A_61 = arith.constant dense<0.000000e+00> : vector<64x2048xf32>
    %dot_general3A_62 = tpu.matmul %get3A_60, %add3A_37, %dot_general3A_61 {dimension_numbers = #tpu.dot_dimension_numbers<[1], [0], [0], [1], [0, 0, 1, 1], [], []>, transpose_lhs_hint = false} : vector<64x64xf32>, vector<64x2048xf32>, vector<64x2048xf32> -> vector<64x2048xf32>
    %iota3A = tpu.iota {dimensions = array<i32: 0>} : vector<64x64xi32>
    %iota3A_63 = tpu.iota {dimensions = array<i32: 1>} : vector<64x64xi32>
    %eq3A = arith.cmpi eq, %iota3A, %iota3A_63 : vector<64x64xi32>
    %convert_element_type3A = arith.extui %eq3A : vector<64x64xi1> to vector<64x64xi32>
    %convert_element_type3A_64 = arith.sitofp %convert_element_type3A : vector<64x64xi32> to vector<64x64xf32>
    %dot_general3A_65 = arith.constant dense<0.000000e+00> : vector<2048x64xf32>
    %dot_general3A_66 = tpu.matmul %add3A_11, %convert_element_type3A_64, %dot_general3A_65 {dimension_numbers = #tpu.dot_dimension_numbers<[0], [0], [1], [1], [0, 1, 1, 1], [], []>, transpose_lhs_hint = false} : vector<64x2048xf32>, vector<64x64xf32>, vector<2048x64xf32> -> vector<2048x64xf32>
    %swap3A = arith.constant 0 : index
    %swap3A_67 = arith.constant 0 : index
    %swap3A_68 = arith.constant 0 : index
    %swap3A_69 = vector.load %arg12[%swap3A, %swap3A_67, %swap3A_68] : memref<1x2048x64xf32, #tpu.memory_space<vmem>>, vector<1x2048x64xf32>
    %swap3A_70 = vector.shape_cast %swap3A_69 : vector<1x2048x64xf32> to vector<2048x64xf32>
    %swap3A_71 = vector.shape_cast %dot_general3A_66 : vector<2048x64xf32> to vector<1x2048x64xf32>
    tpu.vector_store %arg12[%swap3A, %swap3A_67, %swap3A_68], %swap3A_71 {strides = array<i32>} : memref<1x2048x64xf32, #tpu.memory_space<vmem>>, vector<1x2048x64xf32>,
    %iota3A_72 = tpu.iota {dimensions = array<i32: 0>} : vector<64x64xi32>
    %iota3A_73 = tpu.iota {dimensions = array<i32: 1>} : vector<64x64xi32>
    %eq3A_74 = arith.cmpi eq, %iota3A_72, %iota3A_73 : vector<64x64xi32>
    %convert_element_type3A_75 = arith.extui %eq3A_74 : vector<64x64xi1> to vector<64x64xi32>
    %convert_element_type3A_76 = arith.sitofp %convert_element_type3A_75 : vector<64x64xi32> to vector<64x64xf32>
    %dot_general3A_77 = arith.constant dense<0.000000e+00> : vector<2048x64xf32>
    %dot_general3A_78 = tpu.matmul %dot_general3A_42, %convert_element_type3A_76, %dot_general3A_77 {dimension_numbers = #tpu.dot_dimension_numbers<[0], [0], [1], [1], [0, 1, 1, 1], [], []>, transpose_lhs_hint = false} : vector<64x2048xf32>, vector<64x64xf32>, vector<2048x64xf32> -> vector<2048x64xf32>
    %bitcast_convert_type3A = tpu.bitcast %dot_general3A_78 : vector<2048x64xf32> -> vector<2048x64xi32>
    %add3A_79 = arith.constant 32767 : i32
    %add3A_80 = vector.broadcast %add3A_79 : i32 to vector<2048x64xi32>
    %add3A_81 = arith.addi %bitcast_convert_type3A, %add3A_80 : vector<2048x64xi32>
    %shift_right_arithmetic3A = arith.constant 16 : i32
    %shift_right_arithmetic3A_82 = vector.broadcast %shift_right_arithmetic3A : i32 to vector<2048x64xi32>
    %shift_right_arithmetic3A_83 = arith.shrsi %bitcast_convert_type3A, %shift_right_arithmetic3A_82 : vector<2048x64xi32>
    %and3A = arith.constant 1 : i32
    %and3A_84 = vector.broadcast %and3A : i32 to vector<2048x64xi32>
    %and3A_85 = arith.andi %shift_right_arithmetic3A_83, %and3A_84 : vector<2048x64xi32>
    %add3A_86 = arith.addi %add3A_81, %and3A_85 : vector<2048x64xi32>
    %and3A_87 = arith.constant -65536 : i32
    %and3A_88 = vector.broadcast %and3A_87 : i32 to vector<2048x64xi32>
    %and3A_89 = arith.andi %add3A_86, %and3A_88 : vector<2048x64xi32>
    %slice3A = vector.extract_strided_slice %and3A_89 {offsets = [0, 0], sizes = [2048, 32], strides = [1, 1]} : vector<2048x64xi32> to vector<2048x32xi32>
    %shift_right_arithmetic3A_90 = arith.constant 16 : i32
    %shift_right_arithmetic3A_91 = vector.broadcast %shift_right_arithmetic3A_90 : i32 to vector<2048x32xi32>
    %shift_right_arithmetic3A_92 = arith.shrsi %slice3A, %shift_right_arithmetic3A_91 : vector<2048x32xi32>
    %and3A_93 = arith.constant 65535 : i32
    %and3A_94 = vector.broadcast %and3A_93 : i32 to vector<2048x32xi32>
    %and3A_95 = arith.andi %shift_right_arithmetic3A_92, %and3A_94 : vector<2048x32xi32>
    %slice3A_96 = vector.extract_strided_slice %and3A_89 {offsets = [0, 32], sizes = [2048, 32], strides = [1, 1]} : vector<2048x64xi32> to vector<2048x32xi32>
    %or3A = arith.ori %and3A_95, %slice3A_96 : vector<2048x32xi32>
    %swap3A_97 = arith.constant 0 : index
    %swap3A_98 = arith.constant 0 : index
    %swap3A_99 = arith.constant 0 : index
    %swap3A_100 = vector.load %arg13[%swap3A_97, %swap3A_98, %swap3A_99] : memref<1x2048x128xi32, #tpu.memory_space<vmem>>, vector<1x2048x32xi32>
    %swap3A_101 = vector.shape_cast %swap3A_100 : vector<1x2048x32xi32> to vector<2048x32xi32>
    %swap3A_102 = vector.shape_cast %or3A : vector<2048x32xi32> to vector<1x2048x32xi32>
    tpu.vector_store %arg13[%swap3A_97, %swap3A_98, %swap3A_99], %swap3A_102 {strides = array<i32>} : memref<1x2048x128xi32, #tpu.memory_space<vmem>>, vector<1x2048x32xi32>,
    %iota3A_103 = tpu.iota {dimensions = array<i32: 0>} : vector<64x64xi32>
    %iota3A_104 = tpu.iota {dimensions = array<i32: 1>} : vector<64x64xi32>
    %eq3A_105 = arith.cmpi eq, %iota3A_103, %iota3A_104 : vector<64x64xi32>
    %convert_element_type3A_106 = arith.extui %eq3A_105 : vector<64x64xi1> to vector<64x64xi32>
    %convert_element_type3A_107 = arith.sitofp %convert_element_type3A_106 : vector<64x64xi32> to vector<64x64xf32>
    %dot_general3A_108 = arith.constant dense<0.000000e+00> : vector<2048x64xf32>
    %dot_general3A_109 = tpu.matmul %dot_general3A_47, %convert_element_type3A_107, %dot_general3A_108 {dimension_numbers = #tpu.dot_dimension_numbers<[0], [0], [1], [1], [0, 1, 1, 1], [], []>, transpose_lhs_hint = false} : vector<64x2048xf32>, vector<64x64xf32>, vector<2048x64xf32> -> vector<2048x64xf32>
    %bitcast_convert_type3A_110 = tpu.bitcast %dot_general3A_109 : vector<2048x64xf32> -> vector<2048x64xi32>
    %add3A_111 = arith.constant 32767 : i32
    %add3A_112 = vector.broadcast %add3A_111 : i32 to vector<2048x64xi32>
    %add3A_113 = arith.addi %bitcast_convert_type3A_110, %add3A_112 : vector<2048x64xi32>
    %shift_right_arithmetic3A_114 = arith.constant 16 : i32
    %shift_right_arithmetic3A_115 = vector.broadcast %shift_right_arithmetic3A_114 : i32 to vector<2048x64xi32>
    %shift_right_arithmetic3A_116 = arith.shrsi %bitcast_convert_type3A_110, %shift_right_arithmetic3A_115 : vector<2048x64xi32>
    %and3A_117 = arith.constant 1 : i32
    %and3A_118 = vector.broadcast %and3A_117 : i32 to vector<2048x64xi32>
    %and3A_119 = arith.andi %shift_right_arithmetic3A_116, %and3A_118 : vector<2048x64xi32>
    %add3A_120 = arith.addi %add3A_113, %and3A_119 : vector<2048x64xi32>
    %and3A_121 = arith.constant -65536 : i32
    %and3A_122 = vector.broadcast %and3A_121 : i32 to vector<2048x64xi32>
    %and3A_123 = arith.andi %add3A_120, %and3A_122 : vector<2048x64xi32>
    %slice3A_124 = vector.extract_strided_slice %and3A_123 {offsets = [0, 0], sizes = [2048, 32], strides = [1, 1]} : vector<2048x64xi32> to vector<2048x32xi32>
    %shift_right_arithmetic3A_125 = arith.constant 16 : i32
    %shift_right_arithmetic3A_126 = vector.broadcast %shift_right_arithmetic3A_125 : i32 to vector<2048x32xi32>
    %shift_right_arithmetic3A_127 = arith.shrsi %slice3A_124, %shift_right_arithmetic3A_126 : vector<2048x32xi32>
    %and3A_128 = arith.constant 65535 : i32
    %and3A_129 = vector.broadcast %and3A_128 : i32 to vector<2048x32xi32>
    %and3A_130 = arith.andi %shift_right_arithmetic3A_127, %and3A_129 : vector<2048x32xi32>
    %slice3A_131 = vector.extract_strided_slice %and3A_123 {offsets = [0, 32], sizes = [2048, 32], strides = [1, 1]} : vector<2048x64xi32> to vector<2048x32xi32>
    %or3A_132 = arith.ori %and3A_130, %slice3A_131 : vector<2048x32xi32>
    %swap3A_133 = arith.constant 0 : index
    %swap3A_134 = arith.constant 0 : index
    %swap3A_135 = arith.constant 32 : index
    %swap3A_136 = vector.load %arg13[%swap3A_133, %swap3A_134, %swap3A_135] : memref<1x2048x128xi32, #tpu.memory_space<vmem>>, vector<1x2048x32xi32>
    %swap3A_137 = vector.shape_cast %swap3A_136 : vector<1x2048x32xi32> to vector<2048x32xi32>
    %swap3A_138 = vector.shape_cast %or3A_132 : vector<2048x32xi32> to vector<1x2048x32xi32>
    tpu.vector_store %arg13[%swap3A_133, %swap3A_134, %swap3A_135], %swap3A_138 {strides = array<i32>} : memref<1x2048x128xi32, #tpu.memory_space<vmem>>, vector<1x2048x32xi32>,
    %iota3A_139 = tpu.iota {dimensions = array<i32: 0>} : vector<64x64xi32>
    %iota3A_140 = tpu.iota {dimensions = array<i32: 1>} : vector<64x64xi32>
    %eq3A_141 = arith.cmpi eq, %iota3A_139, %iota3A_140 : vector<64x64xi32>
    %convert_element_type3A_142 = arith.extui %eq3A_141 : vector<64x64xi1> to vector<64x64xi32>
    %convert_element_type3A_143 = arith.sitofp %convert_element_type3A_142 : vector<64x64xi32> to vector<64x64xf32>
    %dot_general3A_144 = arith.constant dense<0.000000e+00> : vector<2048x64xf32>
    %dot_general3A_145 = tpu.matmul %dot_general3A_57, %convert_element_type3A_143, %dot_general3A_144 {dimension_numbers = #tpu.dot_dimension_numbers<[0], [0], [1], [1], [0, 1, 1, 1], [], []>, transpose_lhs_hint = false} : vector<64x2048xf32>, vector<64x64xf32>, vector<2048x64xf32> -> vector<2048x64xf32>
    %bitcast_convert_type3A_146 = tpu.bitcast %dot_general3A_145 : vector<2048x64xf32> -> vector<2048x64xi32>
    %add3A_147 = arith.constant 32767 : i32
    %add3A_148 = vector.broadcast %add3A_147 : i32 to vector<2048x64xi32>
    %add3A_149 = arith.addi %bitcast_convert_type3A_146, %add3A_148 : vector<2048x64xi32>
    %shift_right_arithmetic3A_150 = arith.constant 16 : i32
    %shift_right_arithmetic3A_151 = vector.broadcast %shift_right_arithmetic3A_150 : i32 to vector<2048x64xi32>
    %shift_right_arithmetic3A_152 = arith.shrsi %bitcast_convert_type3A_146, %shift_right_arithmetic3A_151 : vector<2048x64xi32>
    %and3A_153 = arith.constant 1 : i32
    %and3A_154 = vector.broadcast %and3A_153 : i32 to vector<2048x64xi32>
    %and3A_155 = arith.andi %shift_right_arithmetic3A_152, %and3A_154 : vector<2048x64xi32>
    %add3A_156 = arith.addi %add3A_149, %and3A_155 : vector<2048x64xi32>
    %and3A_157 = arith.constant -65536 : i32
    %and3A_158 = vector.broadcast %and3A_157 : i32 to vector<2048x64xi32>
    %and3A_159 = arith.andi %add3A_156, %and3A_158 : vector<2048x64xi32>
    %slice3A_160 = vector.extract_strided_slice %and3A_159 {offsets = [0, 0], sizes = [2048, 32], strides = [1, 1]} : vector<2048x64xi32> to vector<2048x32xi32>
    %shift_right_arithmetic3A_161 = arith.constant 16 : i32
    %shift_right_arithmetic3A_162 = vector.broadcast %shift_right_arithmetic3A_161 : i32 to vector<2048x32xi32>
    %shift_right_arithmetic3A_163 = arith.shrsi %slice3A_160, %shift_right_arithmetic3A_162 : vector<2048x32xi32>
    %and3A_164 = arith.constant 65535 : i32
    %and3A_165 = vector.broadcast %and3A_164 : i32 to vector<2048x32xi32>
    %and3A_166 = arith.andi %shift_right_arithmetic3A_163, %and3A_165 : vector<2048x32xi32>
    %slice3A_167 = vector.extract_strided_slice %and3A_159 {offsets = [0, 32], sizes = [2048, 32], strides = [1, 1]} : vector<2048x64xi32> to vector<2048x32xi32>
    %or3A_168 = arith.ori %and3A_166, %slice3A_167 : vector<2048x32xi32>
    %swap3A_169 = arith.constant 0 : index
    %swap3A_170 = arith.constant 0 : index
    %swap3A_171 = arith.constant 64 : index
    %swap3A_172 = vector.load %arg13[%swap3A_169, %swap3A_170, %swap3A_171] : memref<1x2048x128xi32, #tpu.memory_space<vmem>>, vector<1x2048x32xi32>
    %swap3A_173 = vector.shape_cast %swap3A_172 : vector<1x2048x32xi32> to vector<2048x32xi32>
    %swap3A_174 = vector.shape_cast %or3A_168 : vector<2048x32xi32> to vector<1x2048x32xi32>
    tpu.vector_store %arg13[%swap3A_169, %swap3A_170, %swap3A_171], %swap3A_174 {strides = array<i32>} : memref<1x2048x128xi32, #tpu.memory_space<vmem>>, vector<1x2048x32xi32>,
    %iota3A_175 = tpu.iota {dimensions = array<i32: 0>} : vector<64x64xi32>
    %iota3A_176 = tpu.iota {dimensions = array<i32: 1>} : vector<64x64xi32>
    %eq3A_177 = arith.cmpi eq, %iota3A_175, %iota3A_176 : vector<64x64xi32>
    %convert_element_type3A_178 = arith.extui %eq3A_177 : vector<64x64xi1> to vector<64x64xi32>
    %convert_element_type3A_179 = arith.sitofp %convert_element_type3A_178 : vector<64x64xi32> to vector<64x64xf32>
    %dot_general3A_180 = arith.constant dense<0.000000e+00> : vector<2048x64xf32>
    %dot_general3A_181 = tpu.matmul %dot_general3A_62, %convert_element_type3A_179, %dot_general3A_180 {dimension_numbers = #tpu.dot_dimension_numbers<[0], [0], [1], [1], [0, 1, 1, 1], [], []>, transpose_lhs_hint = false} : vector<64x2048xf32>, vector<64x64xf32>, vector<2048x64xf32> -> vector<2048x64xf32>
    %bitcast_convert_type3A_182 = tpu.bitcast %dot_general3A_181 : vector<2048x64xf32> -> vector<2048x64xi32>
    %add3A_183 = arith.constant 32767 : i32
    %add3A_184 = vector.broadcast %add3A_183 : i32 to vector<2048x64xi32>
    %add3A_185 = arith.addi %bitcast_convert_type3A_182, %add3A_184 : vector<2048x64xi32>
    %shift_right_arithmetic3A_186 = arith.constant 16 : i32
    %shift_right_arithmetic3A_187 = vector.broadcast %shift_right_arithmetic3A_186 : i32 to vector<2048x64xi32>
    %shift_right_arithmetic3A_188 = arith.shrsi %bitcast_convert_type3A_182, %shift_right_arithmetic3A_187 : vector<2048x64xi32>
    %and3A_189 = arith.constant 1 : i32
    %and3A_190 = vector.broadcast %and3A_189 : i32 to vector<2048x64xi32>
    %and3A_191 = arith.andi %shift_right_arithmetic3A_188, %and3A_190 : vector<2048x64xi32>
    %add3A_192 = arith.addi %add3A_185, %and3A_191 : vector<2048x64xi32>
    %and3A_193 = arith.constant -65536 : i32
    %and3A_194 = vector.broadcast %and3A_193 : i32 to vector<2048x64xi32>
    %and3A_195 = arith.andi %add3A_192, %and3A_194 : vector<2048x64xi32>
    %slice3A_196 = vector.extract_strided_slice %and3A_195 {offsets = [0, 0], sizes = [2048, 32], strides = [1, 1]} : vector<2048x64xi32> to vector<2048x32xi32>
    %shift_right_arithmetic3A_197 = arith.constant 16 : i32
    %shift_right_arithmetic3A_198 = vector.broadcast %shift_right_arithmetic3A_197 : i32 to vector<2048x32xi32>
    %shift_right_arithmetic3A_199 = arith.shrsi %slice3A_196, %shift_right_arithmetic3A_198 : vector<2048x32xi32>
    %and3A_200 = arith.constant 65535 : i32
    %and3A_201 = vector.broadcast %and3A_200 : i32 to vector<2048x32xi32>
    %and3A_202 = arith.andi %shift_right_arithmetic3A_199, %and3A_201 : vector<2048x32xi32>
    %slice3A_203 = vector.extract_strided_slice %and3A_195 {offsets = [0, 32], sizes = [2048, 32], strides = [1, 1]} : vector<2048x64xi32> to vector<2048x32xi32>
    %or3A_204 = arith.ori %and3A_202, %slice3A_203 : vector<2048x32xi32>
    %swap3A_205 = arith.constant 0 : index
    %swap3A_206 = arith.constant 0 : index
    %swap3A_207 = arith.constant 96 : index
    %swap3A_208 = vector.load %arg13[%swap3A_205, %swap3A_206, %swap3A_207] : memref<1x2048x128xi32, #tpu.memory_space<vmem>>, vector<1x2048x32xi32>
    %swap3A_209 = vector.shape_cast %swap3A_208 : vector<1x2048x32xi32> to vector<2048x32xi32>
    %swap3A_210 = vector.shape_cast %or3A_204 : vector<2048x32xi32> to vector<1x2048x32xi32>
    tpu.vector_store %arg13[%swap3A_205, %swap3A_206, %swap3A_207], %swap3A_210 {strides = array<i32>} : memref<1x2048x128xi32, #tpu.memory_space<vmem>>, vector<1x2048x32xi32>,
    %get3A_211 = arith.constant 0 : index
    %get3A_212 = arith.constant 0 : index
    %get3A_213 = arith.constant 0 : index
    %get3A_214 = vector.load %arg3[%get3A_211, %get3A_212, %get3A_213] : memref<1x2048x16xf32, #tpu.memory_space<vmem>>, vector<1x2048x16xf32>
    %get3A_215 = vector.shape_cast %get3A_214 : vector<1x2048x16xf32> to vector<2048x16xf32>
    %mul3A_216 = arith.mulf %get3A_215, %get3A_215 : vector<2048x16xf32>
    %reduce_sum3A_217 = arith.constant dense<0.000000e+00> : vector<2048xf32>
    %reduce_sum3A_218 = vector.multi_reduction <add>, %mul3A_216, %reduce_sum3A_217 [1] : vector<2048x16xf32> to vector<2048xf32>
    %broadcast_in_dim3A_219 = vector.shape_cast %reduce_sum3A_218 : vector<2048xf32> to vector<2048x1xf32>
    %scan3A = arith.constant 0 : i32
    %scan3A_220 = arith.constant 8 : i32
    %scan3A_221 = arith.addi %scan3A, %scan3A_220 : i32
    %scan3A_222 = arith.constant 1 : i32
    scf.for %scan3A_224 = %scan3A to %scan3A_221 step %scan3A_222  : i32 {
      %mul3A_225 = arith.constant 256 : i32
      %mul3A_226 = arith.muli %scan3A_224, %mul3A_225 : i32
      %get3A_227 = arith.constant 0 : index
      %get3A_228 = arith.constant 0 : index
      %get3A_229 = arith.index_cast %mul3A_226 : i32 to index
      %get3A_230 = vector.load %arg2[%get3A_227, %get3A_228, %get3A_229] : memref<1x16x2048xf32, #tpu.memory_space<vmem>>, vector<1x16x256xf32>
      %get3A_231 = vector.shape_cast %get3A_230 : vector<1x16x256xf32> to vector<16x256xf32>
      %mul3A_232 = arith.mulf %get3A_231, %get3A_231 : vector<16x256xf32>
      %reduce_sum3A_233 = arith.constant dense<0.000000e+00> : vector<256xf32>
      %reduce_sum3A_234 = vector.multi_reduction <add>, %mul3A_232, %reduce_sum3A_233 [0] : vector<16x256xf32> to vector<256xf32>
      %broadcast_in_dim3A_235 = vector.shape_cast %reduce_sum3A_234 : vector<256xf32> to vector<1x256xf32>
      %dot_general3A_236 = arith.constant dense<0.000000e+00> : vector<2048x256xf32>
      %dot_general3A_237 = tpu.matmul %get3A_215, %get3A_231, %dot_general3A_236 {dimension_numbers = #tpu.dot_dimension_numbers<[1], [0], [0], [1], [0, 0, 1, 1], [], []>, transpose_lhs_hint = false} : vector<2048x16xf32>, vector<16x256xf32>, vector<2048x256xf32> -> vector<2048x256xf32>
      %mul3A_238 = arith.constant 2.000000e+00 : f32
      %mul3A_239 = vector.broadcast %mul3A_238 : f32 to vector<2048x256xf32>
      %mul3A_240 = arith.mulf %mul3A_239, %dot_general3A_237 : vector<2048x256xf32>
      %sub3A_241 = vector.broadcast %broadcast_in_dim3A_219 : vector<2048x1xf32> to vector<2048x256xf32>
      %sub3A_242 = arith.subf %mul3A_240, %sub3A_241 : vector<2048x256xf32>
      %sub3A_243 = vector.broadcast %broadcast_in_dim3A_235 : vector<1x256xf32> to vector<2048x256xf32>
      %sub3A_244 = arith.subf %sub3A_242, %sub3A_243 : vector<2048x256xf32>
      %iota3A_245 = tpu.iota {dimensions = array<i32: 0>} : vector<2048x256xi32>
      %mul3A_246 = arith.constant 256 : i32
      %mul3A_247 = arith.muli %scan3A_224, %mul3A_246 : i32
      %iota3A_248 = tpu.iota {dimensions = array<i32: 1>} : vector<2048x256xi32>
      %add3A_249 = vector.broadcast %mul3A_247 : i32 to vector<2048x256xi32>
      %add3A_250 = arith.addi %add3A_249, %iota3A_248 : vector<2048x256xi32>
      %eq3A_251 = arith.cmpi eq, %iota3A_245, %add3A_250 : vector<2048x256xi32>
      %jit3A = arith.constant -1.000000e+09 : f32
      %broadcast_in_dim3A_252 = vector.broadcast %jit3A : f32 to vector<2048x256xf32>
      %select_n3A = arith.select %eq3A_251, %broadcast_in_dim3A_252, %sub3A_244 : vector<2048x256xi1>, vector<2048x256xf32>
      %min3A = arith.constant -1.000000e-30 : f32
      %min3A_253 = vector.broadcast %min3A : f32 to vector<2048x256xf32>
      %min3A_254 = arith.minimumf %select_n3A, %min3A_253 : vector<2048x256xf32>
      %bitcast_convert_type3A_255 = tpu.bitcast %min3A_254 : vector<2048x256xf32> -> vector<2048x256xi32>
      %not3A = arith.constant dense<-1> : vector<2048x256xi32>
      %not3A_256 = arith.xori %bitcast_convert_type3A_255, %not3A : vector<2048x256xi32>
      %and3A_257 = arith.constant -2048 : i32
      %and3A_258 = vector.broadcast %and3A_257 : i32 to vector<2048x256xi32>
      %and3A_259 = arith.andi %not3A_256, %and3A_258 : vector<2048x256xi32>
      %sub3A_260 = arith.constant 2047 : i32
      %sub3A_261 = vector.broadcast %sub3A_260 : i32 to vector<2048x256xi32>
      %sub3A_262 = arith.subi %sub3A_261, %iota3A_245 : vector<2048x256xi32>
      %or3A_263 = arith.ori %and3A_259, %sub3A_262 : vector<2048x256xi32>
      %reduce_max3A = arith.constant dense<-2147483648> : vector<256xi32>
      %reduce_max3A_264 = vector.multi_reduction <maxsi>, %or3A_263, %reduce_max3A [0] : vector<2048x256xi32> to vector<256xi32>
      %broadcast_in_dim3A_265 = vector.shape_cast %reduce_max3A_264 : vector<256xi32> to vector<1x256xi32>
      %and3A_266 = arith.constant 2047 : i32
      %and3A_267 = vector.broadcast %and3A_266 : i32 to vector<1x256xi32>
      %and3A_268 = arith.andi %broadcast_in_dim3A_265, %and3A_267 : vector<1x256xi32>
      %sub3A_269 = arith.constant 2047 : i32
      %sub3A_270 = vector.broadcast %sub3A_269 : i32 to vector<1x256xi32>
      %sub3A_271 = arith.subi %sub3A_270, %and3A_268 : vector<1x256xi32>
      %eq3A_272 = vector.broadcast %broadcast_in_dim3A_265 : vector<1x256xi32> to vector<2048x256xi32>
      %eq3A_273 = arith.cmpi eq, %or3A_263, %eq3A_272 : vector<2048x256xi32>
      %jit3A_274 = arith.constant 0 : i32
      %broadcast_in_dim3A_275 = vector.broadcast %jit3A_274 : i32 to vector<2048x256xi32>
      %select_n3A_276 = arith.select %eq3A_273, %broadcast_in_dim3A_275, %or3A_263 : vector<2048x256xi1>, vector<2048x256xi32>
      %reduce_max3A_277 = arith.constant dense<-2147483648> : vector<256xi32>
      %reduce_max3A_278 = vector.multi_reduction <maxsi>, %select_n3A_276, %reduce_max3A_277 [0] : vector<2048x256xi32> to vector<256xi32>
      %broadcast_in_dim3A_279 = vector.shape_cast %reduce_max3A_278 : vector<256xi32> to vector<1x256xi32>
      %and3A_280 = arith.constant 2047 : i32
      %and3A_281 = vector.broadcast %and3A_280 : i32 to vector<1x256xi32>
      %and3A_282 = arith.andi %broadcast_in_dim3A_279, %and3A_281 : vector<1x256xi32>
      %sub3A_283 = arith.constant 2047 : i32
      %sub3A_284 = vector.broadcast %sub3A_283 : i32 to vector<1x256xi32>
      %sub3A_285 = arith.subi %sub3A_284, %and3A_282 : vector<1x256xi32>
      %eq3A_286 = vector.broadcast %broadcast_in_dim3A_279 : vector<1x256xi32> to vector<2048x256xi32>
      %eq3A_287 = arith.cmpi eq, %select_n3A_276, %eq3A_286 : vector<2048x256xi32>
      %jit3A_288 = arith.constant 0 : i32
      %broadcast_in_dim3A_289 = vector.broadcast %jit3A_288 : i32 to vector<2048x256xi32>
      %select_n3A_290 = arith.select %eq3A_287, %broadcast_in_dim3A_289, %select_n3A_276 : vector<2048x256xi1>, vector<2048x256xi32>
      %reduce_max3A_291 = arith.constant dense<-2147483648> : vector<256xi32>
      %reduce_max3A_292 = vector.multi_reduction <maxsi>, %select_n3A_290, %reduce_max3A_291 [0] : vector<2048x256xi32> to vector<256xi32>
      %broadcast_in_dim3A_293 = vector.shape_cast %reduce_max3A_292 : vector<256xi32> to vector<1x256xi32>
      %and3A_294 = arith.constant 2047 : i32
      %and3A_295 = vector.broadcast %and3A_294 : i32 to vector<1x256xi32>
      %and3A_296 = arith.andi %broadcast_in_dim3A_293, %and3A_295 : vector<1x256xi32>
      %sub3A_297 = arith.constant 2047 : i32
      %sub3A_298 = vector.broadcast %sub3A_297 : i32 to vector<1x256xi32>
      %sub3A_299 = arith.subi %sub3A_298, %and3A_296 : vector<1x256xi32>
      %eq3A_300 = vector.broadcast %broadcast_in_dim3A_293 : vector<1x256xi32> to vector<2048x256xi32>
      %eq3A_301 = arith.cmpi eq, %select_n3A_290, %eq3A_300 : vector<2048x256xi32>
      %jit3A_302 = arith.constant 0 : i32
      %broadcast_in_dim3A_303 = vector.broadcast %jit3A_302 : i32 to vector<2048x256xi32>
      %select_n3A_304 = arith.select %eq3A_301, %broadcast_in_dim3A_303, %select_n3A_290 : vector<2048x256xi1>, vector<2048x256xi32>
      %reduce_max3A_305 = arith.constant dense<-2147483648> : vector<256xi32>
      %reduce_max3A_306 = vector.multi_reduction <maxsi>, %select_n3A_304, %reduce_max3A_305 [0] : vector<2048x256xi32> to vector<256xi32>
      %broadcast_in_dim3A_307 = vector.shape_cast %reduce_max3A_306 : vector<256xi32> to vector<1x256xi32>
      %and3A_308 = arith.constant 2047 : i32
      %and3A_309 = vector.broadcast %and3A_308 : i32 to vector<1x256xi32>
      %and3A_310 = arith.andi %broadcast_in_dim3A_307, %and3A_309 : vector<1x256xi32>
      %sub3A_311 = arith.constant 2047 : i32
      %sub3A_312 = vector.broadcast %sub3A_311 : i32 to vector<1x256xi32>
      %sub3A_313 = arith.subi %sub3A_312, %and3A_310 : vector<1x256xi32>
      %eq3A_314 = vector.broadcast %broadcast_in_dim3A_307 : vector<1x256xi32> to vector<2048x256xi32>
      %eq3A_315 = arith.cmpi eq, %select_n3A_304, %eq3A_314 : vector<2048x256xi32>
      %jit3A_316 = arith.constant 0 : i32
      %broadcast_in_dim3A_317 = vector.broadcast %jit3A_316 : i32 to vector<2048x256xi32>
      %select_n3A_318 = arith.select %eq3A_315, %broadcast_in_dim3A_317, %select_n3A_304 : vector<2048x256xi1>, vector<2048x256xi32>
      %reduce_max3A_319 = arith.constant dense<-2147483648> : vector<256xi32>
      %reduce_max3A_320 = vector.multi_reduction <maxsi>, %select_n3A_318, %reduce_max3A_319 [0] : vector<2048x256xi32> to vector<256xi32>
      %broadcast_in_dim3A_321 = vector.shape_cast %reduce_max3A_320 : vector<256xi32> to vector<1x256xi32>
      %and3A_322 = arith.constant 2047 : i32
      %and3A_323 = vector.broadcast %and3A_322 : i32 to vector<1x256xi32>
      %and3A_324 = arith.andi %broadcast_in_dim3A_321, %and3A_323 : vector<1x256xi32>
      %sub3A_325 = arith.constant 2047 : i32
      %sub3A_326 = vector.broadcast %sub3A_325 : i32 to vector<1x256xi32>
      %sub3A_327 = arith.subi %sub3A_326, %and3A_324 : vector<1x256xi32>
      %eq3A_328 = vector.broadcast %broadcast_in_dim3A_321 : vector<1x256xi32> to vector<2048x256xi32>
      %eq3A_329 = arith.cmpi eq, %select_n3A_318, %eq3A_328 : vector<2048x256xi32>
      %jit3A_330 = arith.constant 0 : i32
      %broadcast_in_dim3A_331 = vector.broadcast %jit3A_330 : i32 to vector<2048x256xi32>
      %select_n3A_332 = arith.select %eq3A_329, %broadcast_in_dim3A_331, %select_n3A_318 : vector<2048x256xi1>, vector<2048x256xi32>
      %reduce_max3A_333 = arith.constant dense<-2147483648> : vector<256xi32>
      %reduce_max3A_334 = vector.multi_reduction <maxsi>, %select_n3A_332, %reduce_max3A_333 [0] : vector<2048x256xi32> to vector<256xi32>
      %broadcast_in_dim3A_335 = vector.shape_cast %reduce_max3A_334 : vector<256xi32> to vector<1x256xi32>
      %and3A_336 = arith.constant 2047 : i32
      %and3A_337 = vector.broadcast %and3A_336 : i32 to vector<1x256xi32>
      %and3A_338 = arith.andi %broadcast_in_dim3A_335, %and3A_337 : vector<1x256xi32>
      %sub3A_339 = arith.constant 2047 : i32
      %sub3A_340 = vector.broadcast %sub3A_339 : i32 to vector<1x256xi32>
      %sub3A_341 = arith.subi %sub3A_340, %and3A_338 : vector<1x256xi32>
      %eq3A_342 = vector.broadcast %broadcast_in_dim3A_335 : vector<1x256xi32> to vector<2048x256xi32>
      %eq3A_343 = arith.cmpi eq, %select_n3A_332, %eq3A_342 : vector<2048x256xi32>
      %jit3A_344 = arith.constant 0 : i32
      %broadcast_in_dim3A_345 = vector.broadcast %jit3A_344 : i32 to vector<2048x256xi32>
      %select_n3A_346 = arith.select %eq3A_343, %broadcast_in_dim3A_345, %select_n3A_332 : vector<2048x256xi1>, vector<2048x256xi32>
      %reduce_max3A_347 = arith.constant dense<-2147483648> : vector<256xi32>
      %reduce_max3A_348 = vector.multi_reduction <maxsi>, %select_n3A_346, %reduce_max3A_347 [0] : vector<2048x256xi32> to vector<256xi32>
      %broadcast_in_dim3A_349 = vector.shape_cast %reduce_max3A_348 : vector<256xi32> to vector<1x256xi32>
      %and3A_350 = arith.constant 2047 : i32
      %and3A_351 = vector.broadcast %and3A_350 : i32 to vector<1x256xi32>
      %and3A_352 = arith.andi %broadcast_in_dim3A_349, %and3A_351 : vector<1x256xi32>
      %sub3A_353 = arith.constant 2047 : i32
      %sub3A_354 = vector.broadcast %sub3A_353 : i32 to vector<1x256xi32>
      %sub3A_355 = arith.subi %sub3A_354, %and3A_352 : vector<1x256xi32>
      %eq3A_356 = vector.broadcast %broadcast_in_dim3A_349 : vector<1x256xi32> to vector<2048x256xi32>
      %eq3A_357 = arith.cmpi eq, %select_n3A_346, %eq3A_356 : vector<2048x256xi32>
      %jit3A_358 = arith.constant 0 : i32
      %broadcast_in_dim3A_359 = vector.broadcast %jit3A_358 : i32 to vector<2048x256xi32>
      %select_n3A_360 = arith.select %eq3A_357, %broadcast_in_dim3A_359, %select_n3A_346 : vector<2048x256xi1>, vector<2048x256xi32>
      %reduce_max3A_361 = arith.constant dense<-2147483648> : vector<256xi32>
      %reduce_max3A_362 = vector.multi_reduction <maxsi>, %select_n3A_360, %reduce_max3A_361 [0] : vector<2048x256xi32> to vector<256xi32>
      %broadcast_in_dim3A_363 = vector.shape_cast %reduce_max3A_362 : vector<256xi32> to vector<1x256xi32>
      %and3A_364 = arith.constant 2047 : i32
      %and3A_365 = vector.broadcast %and3A_364 : i32 to vector<1x256xi32>
      %and3A_366 = arith.andi %broadcast_in_dim3A_363, %and3A_365 : vector<1x256xi32>
      %sub3A_367 = arith.constant 2047 : i32
      %sub3A_368 = vector.broadcast %sub3A_367 : i32 to vector<1x256xi32>
      %sub3A_369 = arith.subi %sub3A_368, %and3A_366 : vector<1x256xi32>
      %eq3A_370 = vector.broadcast %broadcast_in_dim3A_363 : vector<1x256xi32> to vector<2048x256xi32>
      %eq3A_371 = arith.cmpi eq, %select_n3A_360, %eq3A_370 : vector<2048x256xi32>
      %jit3A_372 = arith.constant 0 : i32
      %broadcast_in_dim3A_373 = vector.broadcast %jit3A_372 : i32 to vector<2048x256xi32>
      %select_n3A_374 = arith.select %eq3A_371, %broadcast_in_dim3A_373, %select_n3A_360 : vector<2048x256xi1>, vector<2048x256xi32>
      %reduce_max3A_375 = arith.constant dense<-2147483648> : vector<256xi32>
      %reduce_max3A_376 = vector.multi_reduction <maxsi>, %select_n3A_374, %reduce_max3A_375 [0] : vector<2048x256xi32> to vector<256xi32>
      %broadcast_in_dim3A_377 = vector.shape_cast %reduce_max3A_376 : vector<256xi32> to vector<1x256xi32>
      %and3A_378 = arith.constant 2047 : i32
      %and3A_379 = vector.broadcast %and3A_378 : i32 to vector<1x256xi32>
      %and3A_380 = arith.andi %broadcast_in_dim3A_377, %and3A_379 : vector<1x256xi32>
      %sub3A_381 = arith.constant 2047 : i32
      %sub3A_382 = vector.broadcast %sub3A_381 : i32 to vector<1x256xi32>
      %sub3A_383 = arith.subi %sub3A_382, %and3A_380 : vector<1x256xi32>
      %eq3A_384 = vector.broadcast %broadcast_in_dim3A_377 : vector<1x256xi32> to vector<2048x256xi32>
      %eq3A_385 = arith.cmpi eq, %select_n3A_374, %eq3A_384 : vector<2048x256xi32>
      %jit3A_386 = arith.constant 0 : i32
      %broadcast_in_dim3A_387 = vector.broadcast %jit3A_386 : i32 to vector<2048x256xi32>
      %select_n3A_388 = arith.select %eq3A_385, %broadcast_in_dim3A_387, %select_n3A_374 : vector<2048x256xi1>, vector<2048x256xi32>
      %reduce_max3A_389 = arith.constant dense<-2147483648> : vector<256xi32>
      %reduce_max3A_390 = vector.multi_reduction <maxsi>, %select_n3A_388, %reduce_max3A_389 [0] : vector<2048x256xi32> to vector<256xi32>
      %broadcast_in_dim3A_391 = vector.shape_cast %reduce_max3A_390 : vector<256xi32> to vector<1x256xi32>
      %and3A_392 = arith.constant 2047 : i32
      %and3A_393 = vector.broadcast %and3A_392 : i32 to vector<1x256xi32>
      %and3A_394 = arith.andi %broadcast_in_dim3A_391, %and3A_393 : vector<1x256xi32>
      %sub3A_395 = arith.constant 2047 : i32
      %sub3A_396 = vector.broadcast %sub3A_395 : i32 to vector<1x256xi32>
      %sub3A_397 = arith.subi %sub3A_396, %and3A_394 : vector<1x256xi32>
      %eq3A_398 = vector.broadcast %broadcast_in_dim3A_391 : vector<1x256xi32> to vector<2048x256xi32>
      %eq3A_399 = arith.cmpi eq, %select_n3A_388, %eq3A_398 : vector<2048x256xi32>
      %jit3A_400 = arith.constant 0 : i32
      %broadcast_in_dim3A_401 = vector.broadcast %jit3A_400 : i32 to vector<2048x256xi32>
      %select_n3A_402 = arith.select %eq3A_399, %broadcast_in_dim3A_401, %select_n3A_388 : vector<2048x256xi1>, vector<2048x256xi32>
      %reduce_max3A_403 = arith.constant dense<-2147483648> : vector<256xi32>
      %reduce_max3A_404 = vector.multi_reduction <maxsi>, %select_n3A_402, %reduce_max3A_403 [0] : vector<2048x256xi32> to vector<256xi32>
      %broadcast_in_dim3A_405 = vector.shape_cast %reduce_max3A_404 : vector<256xi32> to vector<1x256xi32>
      %and3A_406 = arith.constant 2047 : i32
      %and3A_407 = vector.broadcast %and3A_406 : i32 to vector<1x256xi32>
      %and3A_408 = arith.andi %broadcast_in_dim3A_405, %and3A_407 : vector<1x256xi32>
      %sub3A_409 = arith.constant 2047 : i32
      %sub3A_410 = vector.broadcast %sub3A_409 : i32 to vector<1x256xi32>
      %sub3A_411 = arith.subi %sub3A_410, %and3A_408 : vector<1x256xi32>
      %eq3A_412 = vector.broadcast %broadcast_in_dim3A_405 : vector<1x256xi32> to vector<2048x256xi32>
      %eq3A_413 = arith.cmpi eq, %select_n3A_402, %eq3A_412 : vector<2048x256xi32>
      %jit3A_414 = arith.constant 0 : i32
      %broadcast_in_dim3A_415 = vector.broadcast %jit3A_414 : i32 to vector<2048x256xi32>
      %select_n3A_416 = arith.select %eq3A_413, %broadcast_in_dim3A_415, %select_n3A_402 : vector<2048x256xi1>, vector<2048x256xi32>
      %reduce_max3A_417 = arith.constant dense<-2147483648> : vector<256xi32>
      %reduce_max3A_418 = vector.multi_reduction <maxsi>, %select_n3A_416, %reduce_max3A_417 [0] : vector<2048x256xi32> to vector<256xi32>
      %broadcast_in_dim3A_419 = vector.shape_cast %reduce_max3A_418 : vector<256xi32> to vector<1x256xi32>
      %and3A_420 = arith.constant 2047 : i32
      %and3A_421 = vector.broadcast %and3A_420 : i32 to vector<1x256xi32>
      %and3A_422 = arith.andi %broadcast_in_dim3A_419, %and3A_421 : vector<1x256xi32>
      %sub3A_423 = arith.constant 2047 : i32
      %sub3A_424 = vector.broadcast %sub3A_423 : i32 to vector<1x256xi32>
      %sub3A_425 = arith.subi %sub3A_424, %and3A_422 : vector<1x256xi32>
      %eq3A_426 = vector.broadcast %broadcast_in_dim3A_419 : vector<1x256xi32> to vector<2048x256xi32>
      %eq3A_427 = arith.cmpi eq, %select_n3A_416, %eq3A_426 : vector<2048x256xi32>
      %jit3A_428 = arith.constant 0 : i32
      %broadcast_in_dim3A_429 = vector.broadcast %jit3A_428 : i32 to vector<2048x256xi32>
      %select_n3A_430 = arith.select %eq3A_427, %broadcast_in_dim3A_429, %select_n3A_416 : vector<2048x256xi1>, vector<2048x256xi32>
      %reduce_max3A_431 = arith.constant dense<-2147483648> : vector<256xi32>
      %reduce_max3A_432 = vector.multi_reduction <maxsi>, %select_n3A_430, %reduce_max3A_431 [0] : vector<2048x256xi32> to vector<256xi32>
      %broadcast_in_dim3A_433 = vector.shape_cast %reduce_max3A_432 : vector<256xi32> to vector<1x256xi32>
      %and3A_434 = arith.constant 2047 : i32
      %and3A_435 = vector.broadcast %and3A_434 : i32 to vector<1x256xi32>
      %and3A_436 = arith.andi %broadcast_in_dim3A_433, %and3A_435 : vector<1x256xi32>
      %sub3A_437 = arith.constant 2047 : i32
      %sub3A_438 = vector.broadcast %sub3A_437 : i32 to vector<1x256xi32>
      %sub3A_439 = arith.subi %sub3A_438, %and3A_436 : vector<1x256xi32>
      %eq3A_440 = vector.broadcast %broadcast_in_dim3A_433 : vector<1x256xi32> to vector<2048x256xi32>
      %eq3A_441 = arith.cmpi eq, %select_n3A_430, %eq3A_440 : vector<2048x256xi32>
      %jit3A_442 = arith.constant 0 : i32
      %broadcast_in_dim3A_443 = vector.broadcast %jit3A_442 : i32 to vector<2048x256xi32>
      %select_n3A_444 = arith.select %eq3A_441, %broadcast_in_dim3A_443, %select_n3A_430 : vector<2048x256xi1>, vector<2048x256xi32>
      %reduce_max3A_445 = arith.constant dense<-2147483648> : vector<256xi32>
      %reduce_max3A_446 = vector.multi_reduction <maxsi>, %select_n3A_444, %reduce_max3A_445 [0] : vector<2048x256xi32> to vector<256xi32>
      %broadcast_in_dim3A_447 = vector.shape_cast %reduce_max3A_446 : vector<256xi32> to vector<1x256xi32>
      %and3A_448 = arith.constant 2047 : i32
      %and3A_449 = vector.broadcast %and3A_448 : i32 to vector<1x256xi32>
      %and3A_450 = arith.andi %broadcast_in_dim3A_447, %and3A_449 : vector<1x256xi32>
      %sub3A_451 = arith.constant 2047 : i32
      %sub3A_452 = vector.broadcast %sub3A_451 : i32 to vector<1x256xi32>
      %sub3A_453 = arith.subi %sub3A_452, %and3A_450 : vector<1x256xi32>
      %eq3A_454 = vector.broadcast %broadcast_in_dim3A_447 : vector<1x256xi32> to vector<2048x256xi32>
      %eq3A_455 = arith.cmpi eq, %select_n3A_444, %eq3A_454 : vector<2048x256xi32>
      %jit3A_456 = arith.constant 0 : i32
      %broadcast_in_dim3A_457 = vector.broadcast %jit3A_456 : i32 to vector<2048x256xi32>
      %select_n3A_458 = arith.select %eq3A_455, %broadcast_in_dim3A_457, %select_n3A_444 : vector<2048x256xi1>, vector<2048x256xi32>
      %reduce_max3A_459 = arith.constant dense<-2147483648> : vector<256xi32>
      %reduce_max3A_460 = vector.multi_reduction <maxsi>, %select_n3A_458, %reduce_max3A_459 [0] : vector<2048x256xi32> to vector<256xi32>
      %broadcast_in_dim3A_461 = vector.shape_cast %reduce_max3A_460 : vector<256xi32> to vector<1x256xi32>
      %and3A_462 = arith.constant 2047 : i32
      %and3A_463 = vector.broadcast %and3A_462 : i32 to vector<1x256xi32>
      %and3A_464 = arith.andi %broadcast_in_dim3A_461, %and3A_463 : vector<1x256xi32>
      %sub3A_465 = arith.constant 2047 : i32
      %sub3A_466 = vector.broadcast %sub3A_465 : i32 to vector<1x256xi32>
      %sub3A_467 = arith.subi %sub3A_466, %and3A_464 : vector<1x256xi32>
      %eq3A_468 = vector.broadcast %broadcast_in_dim3A_461 : vector<1x256xi32> to vector<2048x256xi32>
      %eq3A_469 = arith.cmpi eq, %select_n3A_458, %eq3A_468 : vector<2048x256xi32>
      %jit3A_470 = arith.constant 0 : i32
      %broadcast_in_dim3A_471 = vector.broadcast %jit3A_470 : i32 to vector<2048x256xi32>
      %select_n3A_472 = arith.select %eq3A_469, %broadcast_in_dim3A_471, %select_n3A_458 : vector<2048x256xi1>, vector<2048x256xi32>
      %reduce_max3A_473 = arith.constant dense<-2147483648> : vector<256xi32>
      %reduce_max3A_474 = vector.multi_reduction <maxsi>, %select_n3A_472, %reduce_max3A_473 [0] : vector<2048x256xi32> to vector<256xi32>
      %broadcast_in_dim3A_475 = vector.shape_cast %reduce_max3A_474 : vector<256xi32> to vector<1x256xi32>
      %and3A_476 = arith.constant 2047 : i32
      %and3A_477 = vector.broadcast %and3A_476 : i32 to vector<1x256xi32>
      %and3A_478 = arith.andi %broadcast_in_dim3A_475, %and3A_477 : vector<1x256xi32>
      %sub3A_479 = arith.constant 2047 : i32
      %sub3A_480 = vector.broadcast %sub3A_479 : i32 to vector<1x256xi32>
      %sub3A_481 = arith.subi %sub3A_480, %and3A_478 : vector<1x256xi32>
      %concatenate3A = tpu.concatenate %sub3A_271, %sub3A_285, %sub3A_299, %sub3A_313, %sub3A_327, %sub3A_341, %sub3A_355, %sub3A_369, %sub3A_383, %sub3A_397, %sub3A_411, %sub3A_425, %sub3A_439, %sub3A_453, %sub3A_467, %sub3A_481 in 0 : vector<1x256xi32>, vector<1x256xi32>, vector<1x256xi32>, vector<1x256xi32>, vector<1x256xi32>, vector<1x256xi32>, vector<1x256xi32>, vector<1x256xi32>, vector<1x256xi32>, vector<1x256xi32>, vector<1x256xi32>, vector<1x256xi32>, vector<1x256xi32>, vector<1x256xi32>, vector<1x256xi32>, vector<1x256xi32> -> vector<16x256xi32>
      %mul3A_482 = arith.constant 2048 : i32
      %mul3A_483 = arith.muli %arg0, %mul3A_482 : i32
      %add3A_484 = vector.broadcast %mul3A_483 : i32 to vector<16x256xi32>
      %add3A_485 = arith.addi %concatenate3A, %add3A_484 : vector<16x256xi32>
      %mul3A_486 = arith.constant 256 : i32
      %mul3A_487 = arith.muli %scan3A_224, %mul3A_486 : i32
      %swap3A_488 = arith.constant 0 : index
      %swap3A_489 = arith.constant 0 : index
      %swap3A_490 = arith.index_cast %mul3A_487 : i32 to index
      %swap3A_491 = vector.load %arg14[%swap3A_488, %swap3A_489, %swap3A_490] : memref<1x16x2048xi32, #tpu.memory_space<vmem>>, vector<1x16x256xi32>
      %swap3A_492 = vector.shape_cast %swap3A_491 : vector<1x16x256xi32> to vector<16x256xi32>
      %swap3A_493 = vector.shape_cast %add3A_485 : vector<16x256xi32> to vector<1x16x256xi32>
      tpu.vector_store %arg14[%swap3A_488, %swap3A_489, %swap3A_490], %swap3A_493 {strides = array<i32>} : memref<1x16x2048xi32, #tpu.memory_space<vmem>>, vector<1x16x256xi32>,
    }
    %scan3A_223 = arith.constant 8 : i32
    return
  }
  func.func @transform_0(%arg0: i32) -> (i32, i32, i32) {
    %c0_i32 = arith.constant 0 : i32
    %c0_i32_0 = arith.constant 0 : i32
    %c0_i32_1 = arith.constant 0 : i32
    return %arg0, %c0_i32, %c0_i32_0 : i32, i32, i32
  }
  func.func @transform_1(%arg0: i32) -> (i32, i32, i32) {
    %c0_i32 = arith.constant 0 : i32
    %c0_i32_0 = arith.constant 0 : i32
    %c0_i32_1 = arith.constant 0 : i32
    return %arg0, %c0_i32, %c0_i32_0 : i32, i32, i32
  }
  func.func @transform_2(%arg0: i32) -> (i32, i32, i32) {
    %c0_i32 = arith.constant 0 : i32
    %c0_i32_0 = arith.constant 0 : i32
    %c0_i32_1 = arith.constant 0 : i32
    return %arg0, %c0_i32, %c0_i32_0 : i32, i32, i32
  }
  func.func @transform_3(%arg0: i32) -> (i32, i32) {
    %c0_i32 = arith.constant 0 : i32
    %c0_i32_0 = arith.constant 0 : i32
    %c0_i32_1 = arith.constant 0 : i32
    return %c0_i32, %c0_i32_0 : i32, i32
  }
  func.func @transform_4(%arg0: i32) -> (i32, i32) {
    %c0_i32 = arith.constant 0 : i32
    %c0_i32_0 = arith.constant 0 : i32
    %c0_i32_1 = arith.constant 0 : i32
    return %c0_i32, %c0_i32_0 : i32, i32
  }
  func.func @transform_5(%arg0: i32) -> (i32, i32) {
    %c0_i32 = arith.constant 0 : i32
    %c0_i32_0 = arith.constant 0 : i32
    %c0_i32_1 = arith.constant 0 : i32
    return %c0_i32, %c0_i32_0 : i32, i32
  }
  func.func @transform_6(%arg0: i32) -> (i32, i32) {
    %c0_i32 = arith.constant 0 : i32
    %c0_i32_0 = arith.constant 0 : i32
    %c0_i32_1 = arith.constant 0 : i32
    return %c0_i32, %c0_i32_0 : i32, i32
  }
  func.func @transform_7(%arg0: i32) -> (i32, i32) {
    %c0_i32 = arith.constant 0 : i32
    %c0_i32_0 = arith.constant 0 : i32
    %c0_i32_1 = arith.constant 0 : i32
    return %c0_i32, %c0_i32_0 : i32, i32
  }
  func.func @transform_8(%arg0: i32) -> (i32, i32) {
    %c0_i32 = arith.constant 0 : i32
    %c0_i32_0 = arith.constant 0 : i32
    %c0_i32_1 = arith.constant 0 : i32
    return %c0_i32, %c0_i32_0 : i32, i32
  }
  func.func @transform_9(%arg0: i32) -> (i32, i32) {
    %c0_i32 = arith.constant 0 : i32
    %c0_i32_0 = arith.constant 0 : i32
    %c0_i32_1 = arith.constant 0 : i32
    return %c0_i32, %c0_i32_0 : i32, i32
  }
  func.func @transform_10(%arg0: i32) -> (i32, i32) {
    %c0_i32 = arith.constant 0 : i32
    %c0_i32_0 = arith.constant 0 : i32
    %c0_i32_1 = arith.constant 0 : i32
    return %c0_i32, %c0_i32_0 : i32, i32
  }
  func.func @transform_11(%arg0: i32) -> (i32, i32, i32) {
    %c0_i32 = arith.constant 0 : i32
    %c0_i32_0 = arith.constant 0 : i32
    %c0_i32_1 = arith.constant 0 : i32
    return %arg0, %c0_i32, %c0_i32_0 : i32, i32, i32
  }
  func.func @transform_12(%arg0: i32) -> (i32, i32, i32) {
    %c0_i32 = arith.constant 0 : i32
    %c0_i32_0 = arith.constant 0 : i32
    %c0_i32_1 = arith.constant 0 : i32
    return %arg0, %c0_i32, %c0_i32_0 : i32, i32, i32
  }
  func.func @transform_13(%arg0: i32) -> (i32, i32, i32) {
    %c0_i32 = arith.constant 0 : i32
    %c0_i32_0 = arith.constant 0 : i32
    %c0_i32_1 = arith.constant 0 : i32
    return %arg0, %c0_i32, %c0_i32_0 : i32, i32, i32
  }
}

module attributes {stable_mosaic.version = 14 : i64} {
  func.func @_stage_c_body(%arg0: i32, %arg1: i32, %arg2: memref<1x512x64xf32, #tpu.memory_space<vmem>>, %arg3: memref<1x512x128xi32, #tpu.memory_space<vmem>>, %arg4: memref<1x16x512x128xi32, #tpu.memory_space<vmem>>, %arg5: memref<1x64xf32, #tpu.memory_space<vmem>>, %arg6: memref<64x64xf32, #tpu.memory_space<vmem>>, %arg7: memref<1x64xf32, #tpu.memory_space<vmem>>, %arg8: memref<64x64xf32, #tpu.memory_space<vmem>>, %arg9: memref<1x64xf32, #tpu.memory_space<vmem>>, %arg10: memref<1x64xf32, #tpu.memory_space<vmem>>, %arg11: memref<1x64xf32, #tpu.memory_space<vmem>>, %arg12: memref<256x64xf32, #tpu.memory_space<vmem>>, %arg13: memref<1x256xf32, #tpu.memory_space<vmem>>, %arg14: memref<64x256xf32, #tpu.memory_space<vmem>>, %arg15: memref<1x64xf32, #tpu.memory_space<vmem>>, %arg16: memref<1x64x512xf32, #tpu.memory_space<vmem>>) attributes {dimension_semantics = [#tpu.dimension_semantics<arbitrary>, #tpu.dimension_semantics<arbitrary>], iteration_bounds = array<i64: 2, 4>, scalar_prefetch = 0 : i64, scratch_operands = 0 : i64, tpu.core_type = #tpu.core_type<tc>, window_params = [{transform_indices = @transform_0, window_bounds = array<i64: 1, 512, 64>}, {transform_indices = @transform_1, window_bounds = array<i64: 1, 512, 128>}, {transform_indices = @transform_2, window_bounds = array<i64: 1, 16, 512, 128>}, {pipeline_mode = #tpu.pipeline_mode<synchronous>, transform_indices = @transform_3, window_bounds = array<i64: 1, 64>}, {pipeline_mode = #tpu.pipeline_mode<synchronous>, transform_indices = @transform_4, window_bounds = array<i64: 64, 64>}, {pipeline_mode = #tpu.pipeline_mode<synchronous>, transform_indices = @transform_5, window_bounds = array<i64: 1, 64>}, {pipeline_mode = #tpu.pipeline_mode<synchronous>, transform_indices = @transform_6, window_bounds = array<i64: 64, 64>}, {pipeline_mode = #tpu.pipeline_mode<synchronous>, transform_indices = @transform_7, window_bounds = array<i64: 1, 64>}, {pipeline_mode = #tpu.pipeline_mode<synchronous>, transform_indices = @transform_8, window_bounds = array<i64: 1, 64>}, {pipeline_mode = #tpu.pipeline_mode<synchronous>, transform_indices = @transform_9, window_bounds = array<i64: 1, 64>}, {pipeline_mode = #tpu.pipeline_mode<synchronous>, transform_indices = @transform_10, window_bounds = array<i64: 256, 64>}, {pipeline_mode = #tpu.pipeline_mode<synchronous>, transform_indices = @transform_11, window_bounds = array<i64: 1, 256>}, {pipeline_mode = #tpu.pipeline_mode<synchronous>, transform_indices = @transform_12, window_bounds = array<i64: 64, 256>}, {pipeline_mode = #tpu.pipeline_mode<synchronous>, transform_indices = @transform_13, window_bounds = array<i64: 1, 64>}, {transform_indices = @transform_14, window_bounds = array<i64: 1, 64, 512>}]} {
    %get3A = arith.constant 0 : index
    %get3A_0 = arith.constant 0 : index
    %get3A_1 = arith.constant 0 : index
    %get3A_2 = vector.load %arg3[%get3A, %get3A_0, %get3A_1] : memref<1x512x128xi32, #tpu.memory_space<vmem>>, vector<1x512x128xi32>
    %get3A_3 = vector.shape_cast %get3A_2 : vector<1x512x128xi32> to vector<512x128xi32>
    %get3A_4 = arith.constant 0 : index
    %get3A_5 = arith.constant 0 : index
    %get3A_6 = arith.constant 0 : index
    %get3A_7 = arith.constant 0 : index
    %get3A_8 = vector.load %arg4[%get3A_4, %get3A_5, %get3A_6, %get3A_7] : memref<1x16x512x128xi32, #tpu.memory_space<vmem>>, vector<1x16x512x128xi32>
    %get3A_9 = vector.shape_cast %get3A_8 : vector<1x16x512x128xi32> to vector<16x512x128xi32>
    %reshape3A = vector.shape_cast %get3A_9 : vector<16x512x128xi32> to vector<8192x128xi32>
    %slice3A = vector.extract_strided_slice %get3A_3 {offsets = [0, 64], sizes = [512, 32], strides = [1, 1]} : vector<512x128xi32> to vector<512x32xi32>
    %shift_left3A = arith.constant 16 : i32
    %shift_left3A_10 = vector.broadcast %shift_left3A : i32 to vector<512x32xi32>
    %shift_left3A_11 = arith.shli %slice3A, %shift_left3A_10 : vector<512x32xi32>
    %bitcast_convert_type3A = tpu.bitcast %shift_left3A_11 : vector<512x32xi32> -> vector<512x32xf32>
    %and3A = arith.constant -65536 : i32
    %and3A_12 = vector.broadcast %and3A : i32 to vector<512x32xi32>
    %and3A_13 = arith.andi %slice3A, %and3A_12 : vector<512x32xi32>
    %bitcast_convert_type3A_14 = tpu.bitcast %and3A_13 : vector<512x32xi32> -> vector<512x32xf32>
    %concatenate3A = tpu.concatenate %bitcast_convert_type3A, %bitcast_convert_type3A_14 in 1 : vector<512x32xf32>, vector<512x32xf32> -> vector<512x64xf32>
    %slice3A_15 = vector.extract_strided_slice %get3A_3 {offsets = [0, 96], sizes = [512, 32], strides = [1, 1]} : vector<512x128xi32> to vector<512x32xi32>
    %shift_left3A_16 = arith.constant 16 : i32
    %shift_left3A_17 = vector.broadcast %shift_left3A_16 : i32 to vector<512x32xi32>
    %shift_left3A_18 = arith.shli %slice3A_15, %shift_left3A_17 : vector<512x32xi32>
    %bitcast_convert_type3A_19 = tpu.bitcast %shift_left3A_18 : vector<512x32xi32> -> vector<512x32xf32>
    %and3A_20 = arith.constant -65536 : i32
    %and3A_21 = vector.broadcast %and3A_20 : i32 to vector<512x32xi32>
    %and3A_22 = arith.andi %slice3A_15, %and3A_21 : vector<512x32xi32>
    %bitcast_convert_type3A_23 = tpu.bitcast %and3A_22 : vector<512x32xi32> -> vector<512x32xf32>
    %concatenate3A_24 = tpu.concatenate %bitcast_convert_type3A_19, %bitcast_convert_type3A_23 in 1 : vector<512x32xf32>, vector<512x32xf32> -> vector<512x64xf32>
    %broadcast_in_dim3A = vector.shape_cast %concatenate3A : vector<512x64xf32> to vector<1x512x64xf32>
    %broadcast_in_dim3A_25 = vector.shape_cast %broadcast_in_dim3A : vector<1x512x64xf32> to vector<1x512x64xf32>
    %broadcast_in_dim3A_26 = vector.broadcast %broadcast_in_dim3A_25 : vector<1x512x64xf32> to vector<16x512x64xf32>
    %reshape3A_27 = vector.shape_cast %broadcast_in_dim3A_26 : vector<16x512x64xf32> to vector<8192x64xf32>
    %broadcast_in_dim3A_28 = vector.shape_cast %concatenate3A_24 : vector<512x64xf32> to vector<1x512x64xf32>
    %broadcast_in_dim3A_29 = vector.shape_cast %broadcast_in_dim3A_28 : vector<1x512x64xf32> to vector<1x512x64xf32>
    %broadcast_in_dim3A_30 = vector.broadcast %broadcast_in_dim3A_29 : vector<1x512x64xf32> to vector<16x512x64xf32>
    %reshape3A_31 = vector.shape_cast %broadcast_in_dim3A_30 : vector<16x512x64xf32> to vector<8192x64xf32>
    %slice3A_32 = vector.extract_strided_slice %reshape3A {offsets = [0, 0], sizes = [8192, 32], strides = [1, 1]} : vector<8192x128xi32> to vector<8192x32xi32>
    %shift_left3A_33 = arith.constant 16 : i32
    %shift_left3A_34 = vector.broadcast %shift_left3A_33 : i32 to vector<8192x32xi32>
    %shift_left3A_35 = arith.shli %slice3A_32, %shift_left3A_34 : vector<8192x32xi32>
    %bitcast_convert_type3A_36 = tpu.bitcast %shift_left3A_35 : vector<8192x32xi32> -> vector<8192x32xf32>
    %and3A_37 = arith.constant -65536 : i32
    %and3A_38 = vector.broadcast %and3A_37 : i32 to vector<8192x32xi32>
    %and3A_39 = arith.andi %slice3A_32, %and3A_38 : vector<8192x32xi32>
    %bitcast_convert_type3A_40 = tpu.bitcast %and3A_39 : vector<8192x32xi32> -> vector<8192x32xf32>
    %concatenate3A_41 = tpu.concatenate %bitcast_convert_type3A_36, %bitcast_convert_type3A_40 in 1 : vector<8192x32xf32>, vector<8192x32xf32> -> vector<8192x64xf32>
    %slice3A_42 = vector.extract_strided_slice %reshape3A {offsets = [0, 32], sizes = [8192, 32], strides = [1, 1]} : vector<8192x128xi32> to vector<8192x32xi32>
    %shift_left3A_43 = arith.constant 16 : i32
    %shift_left3A_44 = vector.broadcast %shift_left3A_43 : i32 to vector<8192x32xi32>
    %shift_left3A_45 = arith.shli %slice3A_42, %shift_left3A_44 : vector<8192x32xi32>
    %bitcast_convert_type3A_46 = tpu.bitcast %shift_left3A_45 : vector<8192x32xi32> -> vector<8192x32xf32>
    %and3A_47 = arith.constant -65536 : i32
    %and3A_48 = vector.broadcast %and3A_47 : i32 to vector<8192x32xi32>
    %and3A_49 = arith.andi %slice3A_42, %and3A_48 : vector<8192x32xi32>
    %bitcast_convert_type3A_50 = tpu.bitcast %and3A_49 : vector<8192x32xi32> -> vector<8192x32xf32>
    %concatenate3A_51 = tpu.concatenate %bitcast_convert_type3A_46, %bitcast_convert_type3A_50 in 1 : vector<8192x32xf32>, vector<8192x32xf32> -> vector<8192x64xf32>
    %slice3A_52 = vector.extract_strided_slice %reshape3A {offsets = [0, 64], sizes = [8192, 32], strides = [1, 1]} : vector<8192x128xi32> to vector<8192x32xi32>
    %shift_left3A_53 = arith.constant 16 : i32
    %shift_left3A_54 = vector.broadcast %shift_left3A_53 : i32 to vector<8192x32xi32>
    %shift_left3A_55 = arith.shli %slice3A_52, %shift_left3A_54 : vector<8192x32xi32>
    %bitcast_convert_type3A_56 = tpu.bitcast %shift_left3A_55 : vector<8192x32xi32> -> vector<8192x32xf32>
    %and3A_57 = arith.constant -65536 : i32
    %and3A_58 = vector.broadcast %and3A_57 : i32 to vector<8192x32xi32>
    %and3A_59 = arith.andi %slice3A_52, %and3A_58 : vector<8192x32xi32>
    %bitcast_convert_type3A_60 = tpu.bitcast %and3A_59 : vector<8192x32xi32> -> vector<8192x32xf32>
    %concatenate3A_61 = tpu.concatenate %bitcast_convert_type3A_56, %bitcast_convert_type3A_60 in 1 : vector<8192x32xf32>, vector<8192x32xf32> -> vector<8192x64xf32>
    %sub3A = arith.subf %reshape3A_27, %concatenate3A_61 : vector<8192x64xf32>
    %get3A_62 = arith.constant 0 : index
    %get3A_63 = arith.constant 0 : index
    %get3A_64 = vector.load %arg5[%get3A_62, %get3A_63] : memref<1x64xf32, #tpu.memory_space<vmem>>, vector<1x64xf32>
    %add3A = vector.broadcast %get3A_64 : vector<1x64xf32> to vector<8192x64xf32>
    %add3A_65 = arith.addf %sub3A, %add3A : vector<8192x64xf32>
    %max3A = arith.constant 0.000000e+00 : f32
    %max3A_66 = vector.broadcast %max3A : f32 to vector<8192x64xf32>
    %max3A_67 = arith.maximumf %add3A_65, %max3A_66 : vector<8192x64xf32>
    %get3A_68 = arith.constant 0 : index
    %get3A_69 = arith.constant 0 : index
    %get3A_70 = vector.load %arg6[%get3A_68, %get3A_69] : memref<64x64xf32, #tpu.memory_space<vmem>>, vector<64x64xf32>
    %transpose3A = tpu.transpose %get3A_70, [1, 0] : vector<64x64xf32> -> vector<64x64xf32>
    %dot_general3A = arith.constant dense<0.000000e+00> : vector<8192x64xf32>
    %dot_general3A_71 = tpu.matmul %max3A_67, %transpose3A, %dot_general3A {dimension_numbers = #tpu.dot_dimension_numbers<[1], [0], [0], [1], [0, 0, 1, 1], [], []>, transpose_lhs_hint = false} : vector<8192x64xf32>, vector<64x64xf32>, vector<8192x64xf32> -> vector<8192x64xf32>
    %get3A_72 = arith.constant 0 : index
    %get3A_73 = arith.constant 0 : index
    %get3A_74 = vector.load %arg7[%get3A_72, %get3A_73] : memref<1x64xf32, #tpu.memory_space<vmem>>, vector<1x64xf32>
    %add3A_75 = vector.broadcast %get3A_74 : vector<1x64xf32> to vector<8192x64xf32>
    %add3A_76 = arith.addf %dot_general3A_71, %add3A_75 : vector<8192x64xf32>
    %sub3A_77 = arith.subf %reshape3A_31, %concatenate3A_41 : vector<8192x64xf32>
    %add3A_78 = arith.addf %sub3A_77, %add3A_76 : vector<8192x64xf32>
    %get3A_79 = arith.constant 0 : index
    %get3A_80 = arith.constant 0 : index
    %get3A_81 = vector.load %arg8[%get3A_79, %get3A_80] : memref<64x64xf32, #tpu.memory_space<vmem>>, vector<64x64xf32>
    %transpose3A_82 = tpu.transpose %get3A_81, [1, 0] : vector<64x64xf32> -> vector<64x64xf32>
    %dot_general3A_83 = arith.constant dense<0.000000e+00> : vector<8192x64xf32>
    %dot_general3A_84 = tpu.matmul %add3A_78, %transpose3A_82, %dot_general3A_83 {dimension_numbers = #tpu.dot_dimension_numbers<[1], [0], [0], [1], [0, 0, 1, 1], [], []>, transpose_lhs_hint = false} : vector<8192x64xf32>, vector<64x64xf32>, vector<8192x64xf32> -> vector<8192x64xf32>
    %get3A_85 = arith.constant 0 : index
    %get3A_86 = arith.constant 0 : index
    %get3A_87 = vector.load %arg9[%get3A_85, %get3A_86] : memref<1x64xf32, #tpu.memory_space<vmem>>, vector<1x64xf32>
    %add3A_88 = vector.broadcast %get3A_87 : vector<1x64xf32> to vector<8192x64xf32>
    %add3A_89 = arith.addf %dot_general3A_84, %add3A_88 : vector<8192x64xf32>
    %reshape3A_90 = vector.shape_cast %add3A_89 : vector<8192x64xf32> to vector<16x512x64xf32>
    %reduce_max3A = arith.constant dense<0xFF800000> : vector<512x64xf32>
    %reduce_max3A_91 = vector.multi_reduction <maximumf>, %reshape3A_90, %reduce_max3A [0] : vector<16x512x64xf32> to vector<512x64xf32>
    %broadcast_in_dim3A_92 = vector.shape_cast %reduce_max3A_91 : vector<512x64xf32> to vector<1x512x64xf32>
    %sub3A_93 = vector.broadcast %broadcast_in_dim3A_92 : vector<1x512x64xf32> to vector<16x512x64xf32>
    %sub3A_94 = arith.subf %reshape3A_90, %sub3A_93 : vector<16x512x64xf32>
    %exp3A = math.exp %sub3A_94 : vector<16x512x64xf32>
    %reduce_sum3A = arith.constant dense<0.000000e+00> : vector<512x64xf32>
    %reduce_sum3A_95 = vector.multi_reduction <add>, %exp3A, %reduce_sum3A [0] : vector<16x512x64xf32> to vector<512x64xf32>
    %broadcast_in_dim3A_96 = vector.shape_cast %reduce_sum3A_95 : vector<512x64xf32> to vector<1x512x64xf32>
    %div3A = vector.broadcast %broadcast_in_dim3A_96 : vector<1x512x64xf32> to vector<16x512x64xf32>
    %div3A_97 = arith.divf %exp3A, %div3A : vector<16x512x64xf32>
    %add3A_98 = arith.addf %concatenate3A_51, %add3A_76 : vector<8192x64xf32>
    %reshape3A_99 = vector.shape_cast %add3A_98 : vector<8192x64xf32> to vector<16x512x64xf32>
    %mul3A = arith.mulf %div3A_97, %reshape3A_99 : vector<16x512x64xf32>
    %reduce_sum3A_100 = arith.constant dense<0.000000e+00> : vector<512x64xf32>
    %reduce_sum3A_101 = vector.multi_reduction <add>, %mul3A, %reduce_sum3A_100 [0] : vector<16x512x64xf32> to vector<512x64xf32>
    %get3A_102 = arith.constant 0 : index
    %get3A_103 = arith.constant 0 : index
    %get3A_104 = arith.constant 0 : index
    %get3A_105 = vector.load %arg2[%get3A_102, %get3A_103, %get3A_104] : memref<1x512x64xf32, #tpu.memory_space<vmem>>, vector<1x512x64xf32>
    %get3A_106 = vector.shape_cast %get3A_105 : vector<1x512x64xf32> to vector<512x64xf32>
    %add3A_107 = arith.addf %get3A_106, %reduce_sum3A_101 : vector<512x64xf32>
    %reduce_sum3A_108 = arith.constant dense<0.000000e+00> : vector<512xf32>
    %reduce_sum3A_109 = vector.multi_reduction <add>, %add3A_107, %reduce_sum3A_108 [1] : vector<512x64xf32> to vector<512xf32>
    %broadcast_in_dim3A_110 = vector.shape_cast %reduce_sum3A_109 : vector<512xf32> to vector<512x1xf32>
    %div3A_111 = arith.constant 6.400000e+01 : f32
    %div3A_112 = vector.broadcast %div3A_111 : f32 to vector<512x1xf32>
    %div3A_113 = arith.divf %broadcast_in_dim3A_110, %div3A_112 : vector<512x1xf32>
    %sub3A_114 = vector.broadcast %div3A_113 : vector<512x1xf32> to vector<512x64xf32>
    %sub3A_115 = arith.subf %add3A_107, %sub3A_114 : vector<512x64xf32>
    %integer_pow3A = arith.mulf %sub3A_115, %sub3A_115 : vector<512x64xf32>
    %reduce_sum3A_116 = arith.constant dense<0.000000e+00> : vector<512xf32>
    %reduce_sum3A_117 = vector.multi_reduction <add>, %integer_pow3A, %reduce_sum3A_116 [1] : vector<512x64xf32> to vector<512xf32>
    %broadcast_in_dim3A_118 = vector.shape_cast %reduce_sum3A_117 : vector<512xf32> to vector<512x1xf32>
    %div3A_119 = arith.constant 6.400000e+01 : f32
    %div3A_120 = vector.broadcast %div3A_119 : f32 to vector<512x1xf32>
    %div3A_121 = arith.divf %broadcast_in_dim3A_118, %div3A_120 : vector<512x1xf32>
    %sub3A_122 = vector.broadcast %div3A_113 : vector<512x1xf32> to vector<512x64xf32>
    %sub3A_123 = arith.subf %add3A_107, %sub3A_122 : vector<512x64xf32>
    %add3A_124 = arith.constant 9.99999974E-6 : f32
    %add3A_125 = vector.broadcast %add3A_124 : f32 to vector<512x1xf32>
    %add3A_126 = arith.addf %div3A_121, %add3A_125 : vector<512x1xf32>
    %sqrt3A = math.sqrt %add3A_126 : vector<512x1xf32>
    %div3A_127 = vector.broadcast %sqrt3A : vector<512x1xf32> to vector<512x64xf32>
    %div3A_128 = arith.divf %sub3A_123, %div3A_127 : vector<512x64xf32>
    %get3A_129 = arith.constant 0 : index
    %get3A_130 = arith.constant 0 : index
    %get3A_131 = vector.load %arg10[%get3A_129, %get3A_130] : memref<1x64xf32, #tpu.memory_space<vmem>>, vector<1x64xf32>
    %mul3A_132 = vector.broadcast %get3A_131 : vector<1x64xf32> to vector<512x64xf32>
    %mul3A_133 = arith.mulf %div3A_128, %mul3A_132 : vector<512x64xf32>
    %get3A_134 = arith.constant 0 : index
    %get3A_135 = arith.constant 0 : index
    %get3A_136 = vector.load %arg11[%get3A_134, %get3A_135] : memref<1x64xf32, #tpu.memory_space<vmem>>, vector<1x64xf32>
    %add3A_137 = vector.broadcast %get3A_136 : vector<1x64xf32> to vector<512x64xf32>
    %add3A_138 = arith.addf %mul3A_133, %add3A_137 : vector<512x64xf32>
    %get3A_139 = arith.constant 0 : index
    %get3A_140 = arith.constant 0 : index
    %get3A_141 = vector.load %arg12[%get3A_139, %get3A_140] : memref<256x64xf32, #tpu.memory_space<vmem>>, vector<256x64xf32>
    %transpose3A_142 = tpu.transpose %get3A_141, [1, 0] : vector<256x64xf32> -> vector<64x256xf32>
    %dot_general3A_143 = arith.constant dense<0.000000e+00> : vector<512x256xf32>
    %dot_general3A_144 = tpu.matmul %add3A_138, %transpose3A_142, %dot_general3A_143 {dimension_numbers = #tpu.dot_dimension_numbers<[1], [0], [0], [1], [0, 0, 1, 1], [], []>, transpose_lhs_hint = false} : vector<512x64xf32>, vector<64x256xf32>, vector<512x256xf32> -> vector<512x256xf32>
    %get3A_145 = arith.constant 0 : index
    %get3A_146 = arith.constant 0 : index
    %get3A_147 = vector.load %arg13[%get3A_145, %get3A_146] : memref<1x256xf32, #tpu.memory_space<vmem>>, vector<1x256xf32>
    %add3A_148 = vector.broadcast %get3A_147 : vector<1x256xf32> to vector<512x256xf32>
    %add3A_149 = arith.addf %dot_general3A_144, %add3A_148 : vector<512x256xf32>
    %max3A_150 = arith.constant 0.000000e+00 : f32
    %max3A_151 = vector.broadcast %max3A_150 : f32 to vector<512x256xf32>
    %max3A_152 = arith.maximumf %add3A_149, %max3A_151 : vector<512x256xf32>
    %get3A_153 = arith.constant 0 : index
    %get3A_154 = arith.constant 0 : index
    %get3A_155 = vector.load %arg14[%get3A_153, %get3A_154] : memref<64x256xf32, #tpu.memory_space<vmem>>, vector<64x256xf32>
    %transpose3A_156 = tpu.transpose %get3A_155, [1, 0] : vector<64x256xf32> -> vector<256x64xf32>
    %dot_general3A_157 = arith.constant dense<0.000000e+00> : vector<512x64xf32>
    %dot_general3A_158 = tpu.matmul %max3A_152, %transpose3A_156, %dot_general3A_157 {dimension_numbers = #tpu.dot_dimension_numbers<[1], [0], [0], [1], [0, 0, 1, 1], [], []>, transpose_lhs_hint = false} : vector<512x256xf32>, vector<256x64xf32>, vector<512x64xf32> -> vector<512x64xf32>
    %add3A_159 = arith.addf %add3A_107, %dot_general3A_158 : vector<512x64xf32>
    %get3A_160 = arith.constant 0 : index
    %get3A_161 = arith.constant 0 : index
    %get3A_162 = vector.load %arg15[%get3A_160, %get3A_161] : memref<1x64xf32, #tpu.memory_space<vmem>>, vector<1x64xf32>
    %add3A_163 = vector.broadcast %get3A_162 : vector<1x64xf32> to vector<512x64xf32>
    %add3A_164 = arith.addf %add3A_159, %add3A_163 : vector<512x64xf32>
    %iota3A = tpu.iota {dimensions = array<i32: 0>} : vector<512x512xi32>
    %iota3A_165 = tpu.iota {dimensions = array<i32: 1>} : vector<512x512xi32>
    %eq3A = arith.cmpi eq, %iota3A, %iota3A_165 : vector<512x512xi32>
    %convert_element_type3A = arith.extui %eq3A : vector<512x512xi1> to vector<512x512xi32>
    %convert_element_type3A_166 = arith.sitofp %convert_element_type3A : vector<512x512xi32> to vector<512x512xf32>
    %dot_general3A_167 = arith.constant dense<0.000000e+00> : vector<64x512xf32>
    %dot_general3A_168 = tpu.matmul %add3A_164, %convert_element_type3A_166, %dot_general3A_167 {dimension_numbers = #tpu.dot_dimension_numbers<[0], [0], [1], [1], [0, 1, 1, 1], [], []>, transpose_lhs_hint = false} : vector<512x64xf32>, vector<512x512xf32>, vector<64x512xf32> -> vector<64x512xf32>
    %swap3A = arith.constant 0 : index
    %swap3A_169 = arith.constant 0 : index
    %swap3A_170 = arith.constant 0 : index
    %swap3A_171 = vector.load %arg16[%swap3A, %swap3A_169, %swap3A_170] : memref<1x64x512xf32, #tpu.memory_space<vmem>>, vector<1x64x512xf32>
    %swap3A_172 = vector.shape_cast %swap3A_171 : vector<1x64x512xf32> to vector<64x512xf32>
    %swap3A_173 = vector.shape_cast %dot_general3A_168 : vector<64x512xf32> to vector<1x64x512xf32>
    tpu.vector_store %arg16[%swap3A, %swap3A_169, %swap3A_170], %swap3A_173 {strides = array<i32>} : memref<1x64x512xf32, #tpu.memory_space<vmem>>, vector<1x64x512xf32>,
    return
  }
  func.func @transform_0(%arg0: i32, %arg1: i32) -> (i32, i32, i32) {
    %c0_i32 = arith.constant 0 : i32
    %c0_i32_0 = arith.constant 0 : i32
    return %arg0, %arg1, %c0_i32 : i32, i32, i32
  }
  func.func @transform_1(%arg0: i32, %arg1: i32) -> (i32, i32, i32) {
    %c0_i32 = arith.constant 0 : i32
    %c0_i32_0 = arith.constant 0 : i32
    return %arg0, %arg1, %c0_i32 : i32, i32, i32
  }
  func.func @transform_2(%arg0: i32, %arg1: i32) -> (i32, i32, i32, i32) {
    %c0_i32 = arith.constant 0 : i32
    %c0_i32_0 = arith.constant 0 : i32
    %c0_i32_1 = arith.constant 0 : i32
    return %arg0, %c0_i32, %arg1, %c0_i32_0 : i32, i32, i32, i32
  }
  func.func @transform_3(%arg0: i32, %arg1: i32) -> (i32, i32) {
    %c0_i32 = arith.constant 0 : i32
    %c0_i32_0 = arith.constant 0 : i32
    %c0_i32_1 = arith.constant 0 : i32
    return %c0_i32, %c0_i32_0 : i32, i32
  }
  func.func @transform_4(%arg0: i32, %arg1: i32) -> (i32, i32) {
    %c0_i32 = arith.constant 0 : i32
    %c0_i32_0 = arith.constant 0 : i32
    %c0_i32_1 = arith.constant 0 : i32
    return %c0_i32, %c0_i32_0 : i32, i32
  }
  func.func @transform_5(%arg0: i32, %arg1: i32) -> (i32, i32) {
    %c0_i32 = arith.constant 0 : i32
    %c0_i32_0 = arith.constant 0 : i32
    %c0_i32_1 = arith.constant 0 : i32
    return %c0_i32, %c0_i32_0 : i32, i32
  }
  func.func @transform_6(%arg0: i32, %arg1: i32) -> (i32, i32) {
    %c0_i32 = arith.constant 0 : i32
    %c0_i32_0 = arith.constant 0 : i32
    %c0_i32_1 = arith.constant 0 : i32
    return %c0_i32, %c0_i32_0 : i32, i32
  }
  func.func @transform_7(%arg0: i32, %arg1: i32) -> (i32, i32) {
    %c0_i32 = arith.constant 0 : i32
    %c0_i32_0 = arith.constant 0 : i32
    %c0_i32_1 = arith.constant 0 : i32
    return %c0_i32, %c0_i32_0 : i32, i32
  }
  func.func @transform_8(%arg0: i32, %arg1: i32) -> (i32, i32) {
    %c0_i32 = arith.constant 0 : i32
    %c0_i32_0 = arith.constant 0 : i32
    %c0_i32_1 = arith.constant 0 : i32
    return %c0_i32, %c0_i32_0 : i32, i32
  }
  func.func @transform_9(%arg0: i32, %arg1: i32) -> (i32, i32) {
    %c0_i32 = arith.constant 0 : i32
    %c0_i32_0 = arith.constant 0 : i32
    %c0_i32_1 = arith.constant 0 : i32
    return %c0_i32, %c0_i32_0 : i32, i32
  }
  func.func @transform_10(%arg0: i32, %arg1: i32) -> (i32, i32) {
    %c0_i32 = arith.constant 0 : i32
    %c0_i32_0 = arith.constant 0 : i32
    %c0_i32_1 = arith.constant 0 : i32
    return %c0_i32, %c0_i32_0 : i32, i32
  }
  func.func @transform_11(%arg0: i32, %arg1: i32) -> (i32, i32) {
    %c0_i32 = arith.constant 0 : i32
    %c0_i32_0 = arith.constant 0 : i32
    %c0_i32_1 = arith.constant 0 : i32
    return %c0_i32, %c0_i32_0 : i32, i32
  }
  func.func @transform_12(%arg0: i32, %arg1: i32) -> (i32, i32) {
    %c0_i32 = arith.constant 0 : i32
    %c0_i32_0 = arith.constant 0 : i32
    %c0_i32_1 = arith.constant 0 : i32
    return %c0_i32, %c0_i32_0 : i32, i32
  }
  func.func @transform_13(%arg0: i32, %arg1: i32) -> (i32, i32) {
    %c0_i32 = arith.constant 0 : i32
    %c0_i32_0 = arith.constant 0 : i32
    %c0_i32_1 = arith.constant 0 : i32
    return %c0_i32, %c0_i32_0 : i32, i32
  }
  func.func @transform_14(%arg0: i32, %arg1: i32) -> (i32, i32, i32) {
    %c0_i32 = arith.constant 0 : i32
    %c0_i32_0 = arith.constant 0 : i32
    return %arg0, %c0_i32, %arg1 : i32, i32, i32
  }
}

</mosaic_0001>

<sc_bundles>
// kernel: kernel.11.cloned.1.call-start
scs
__scs_entry_jumppad:
0x0: {  	(pc) =	sbr.rel $0x88, $3  }
0x1: {  	(tag) =	ssettag $0x0;
	lr =	simm.s32 $0x1  }
0x2: {  	[smem:$0x3F8C] =	sst lr;
	_ =	strace $0xD0000000  }
0x3: {  	_ = 	snop  }
0x4: {  	_ = 	snop  }
0x5: {  	_ = 	snop  }
0x6: {  	_ = 	snop  }
0x7: {  	_ = 	snop  }
__scs_overlays_trampoline_lowered:
0x8: {  	[smem:$0x3F9B] =	sst s0  }
0x9: {  	[smem:$0x3F9C] =	sst s1  }
0xa: {  	[smem:$0x3F9D] =	sst s2  }
0xb: {  	[smem:$0x3F9E] =	sst s3  }
0xc: {  	[smem:$0x3F9F] =	sst s4  }
0xd: {  	[smem:$0x3FA0] =	sst s5  }
0xe: {  	[smem:$0x3FA1] =	sst s6  }
0xf: {  	[smem:$0x3FA2] =	sst s7  }
0x10: {  	[smem:$0x3FA3] =	sst s8  }
0x11: {  	[smem:$0x3FA4] =	sst s9;
	s0 =	simm.s32 @!p0 $0x0  }
0x12: {  	s1 =	sld [smem:$0x3F8A];
	s0 =	simm.s32 @p0 $0x1  }
0x13: {  	[smem:$0x3FA5] =	sst s0;
	s0 =	simm.s32 @!p1 $0x0  }
0x14: {  	s2 =	sld [smem:$0x3F89];
	s0 =	simm.s32 @p1 $0x1  }
0x15: {  	[smem:$0x3FA6] =	sst s0;
	s0 =	simm.s32 @!p2 $0x0  }
0x16: {  	s3 =	sld [smem:$0x3FDB];
	s0 =	simm.s32 @p2 $0x1  }
0x17: {  	s4 =	simm.s32 $0x1BF5;
	[smem:$0x3FA8] =	sst s0  }
0x18: {  	s0 =	sld [smem:$0x3F8B];
	_ =	swait.ge [sflag:s4], $0x0  }
0x19: {  	s7 =	sld [smem:$0x3F8C]  }
0x1a: {  	s8 =	sadd.s32 $0xFFFFE003, lr  }
0x1b: {  	s9 =	sadd.s32 $0xFFFFFEF7, lr;
	s5 =	simm.s32 $0xFFFFFFFF;
	p2 =	slt.u32 s8, $0xFFFFF086  }
0x1c: {  	p1 =	slt.u32 s9, $0xF7A;
	s5 =	simm.s32 @!p2 $0x0  }
0x1d: {  	s5 =	simm.s32 @p1 $0x1;
	p0 =	seq.s32 s7, s2  }
0x1e: {  	s7 =	smul.u32 @!p0 $0xF7A, s2;
	p2 =	seq.s32 @!p0 s5, $0x0  }
0x1f: {  	s9 =	smul.u32 $0xF7A, s1;
	s8 =	simm.s32 @!p0 $0x1BF5;
	p2 =	por !p2, p0  }
0x20: {  	[sflag:s8] =	ssyncset.s32 @!p0 $0xFFFFF086;
	s6 =	sadd.s32 @!p0 s3, s7;
	s7 =	simm.s32 @!p0 $0x108  }
0x21: {  	s3 =	sadd.s32 s3, s9;
	s6 =	sadd.s32 @!p0 $0x88, s6;
	s7 =	simm.s32 @p2 $0x1082  }
0x22: {  	[simem:s7], [sflag:s8] =	dma.local @!p0 [hbm:s6], $0xF7A  }
0x23: {  	s9 =	sor.u32 $0xD0000000, s2;
	s6 =	simm.s32 $0x108;
	_ =	swait.ge @!p0 [sflag:s8], $0x0  }
0x24: {  	s3 =	sadd.s32 $0x88, s3;
	s6 =	simm.s32 @!p1 $0x1082;
	[sflag:s4] =	ssyncset.s32 $0xFFFFF086  }
0x25: {  	[simem:s6], [sflag:s4] =	dma.local [hbm:s3], $0xF7A  }
0x26: {  	[smem:$0x3F8C] =	sst s1;
	(tag) =	ssettag s2;
	_ =	strace s9  }
0x27: {  	s1 =	sld [smem:$0x3F9C]  }
0x28: {  	s2 =	sld [smem:$0x3F9D]  }
0x29: {  	s4 =	sld [smem:$0x3F9F]  }
0x2a: {  	p0 =	seq.s32 s5, $0x0;
	s5 =	sld [smem:$0x3FA0]  }
0x2b: {  	s6 =	sld [smem:$0x3FA1]  }
0x2c: {  	s7 =	sld [smem:$0x3FA2]  }
0x2d: {  	s3 =	simm.s32 $0x108;
	s8 =	sld [smem:$0x3FA3]  }
0x2e: {  	s3 =	simm.s32 @!p0 $0x1082;
	s9 =	sld [smem:$0x3FA4]  }
0x2f: {  	lr =	sadd.s32 s0, s3;
	s0 =	sld [smem:$0x3F9B]  }
0x30: {  	s3 =	sld [smem:$0x3F9E]  }
0x31: {  	[smem:$0x3FA7] =	sst s10  }
0x32: {  	s10 =	sld [smem:$0x3FA5];
	_ =	sdelay $0x3  }
0x33: {  	p0 =	seq.s32 s10, $0x1;
	s10 =	sld [smem:$0x3FA7];
	_ =	sdelay $0x3  }
0x34: {  	[smem:$0x3FA7] =	sst s10  }
0x35: {  	s10 =	sld [smem:$0x3FA6];
	_ =	sdelay $0x3  }
0x36: {  	p1 =	seq.s32 s10, $0x1;
	s10 =	sld [smem:$0x3FA7];
	_ =	sdelay $0x3  }
0x37: {  	[smem:$0x3FA7] =	sst s10  }
0x38: {  	s10 =	sld [smem:$0x3FA8]  }
0x39: {  	_ = 	snop;
	(pc) =	sbr.ind lr, $3  }
0x3a: {  	_ = 	snop  }
0x3b: {  	_ = 	snop  }
0x3c: {  	p2 =	seq.s32 s10, $0x1;
	s10 =	sld [smem:$0x3FA7]  }
0x3d: {  	_ =	shalt  }
0x3e: {  	_ =	shalt  }
0x3f: {  	_ =	shalt  }
0x40: {  	_ =	shalt  }
0x41: {  	_ =	shalt  }
0x42: {  	_ =	shalt  }
0x43: {  	_ =	shalt  }
0x44: {  	_ =	shalt  }
0x45: {  	_ =	shalt  }
0x46: {  	_ =	shalt  }
0x47: {  	_ =	shalt  }
0x48: {  	_ =	shalt  }
0x49: {  	_ =	shalt  }
0x4a: {  	_ =	shalt  }
0x4b: {  	_ =	shalt  }
0x4c: {  	_ =	shalt  }
0x4d: {  	_ =	shalt  }
0x4e: {  	_ =	shalt  }
0x4f: {  	_ =	shalt  }
0x50: {  	_ =	shalt  }
0x51: {  	_ =	shalt  }
0x52: {  	_ =	shalt  }
0x53: {  	_ =	shalt  }
0x54: {  	_ =	shalt  }
0x55: {  	_ =	shalt  }
0x56: {  	_ =	shalt  }
0x57: {  	_ =	shalt  }
0x58: {  	_ =	shalt  }
0x59: {  	_ =	shalt  }
0x5a: {  	_ =	shalt  }
0x5b: {  	_ =	shalt  }
0x5c: {  	_ =	shalt  }
0x5d: {  	_ =	shalt  }
0x5e: {  	_ =	shalt  }
0x5f: {  	_ =	shalt  }
0x60: {  	_ =	shalt  }
0x61: {  	_ =	shalt  }
0x62: {  	_ =	shalt  }
0x63: {  	_ =	shalt  }
0x64: {  	_ =	shalt  }
0x65: {  	_ =	shalt  }
0x66: {  	_ =	shalt  }
0x67: {  	_ =	shalt  }
0x68: {  	_ =	shalt  }
0x69: {  	_ =	shalt  }
0x6a: {  	_ =	shalt  }
0x6b: {  	_ =	shalt  }
0x6c: {  	_ =	shalt  }
0x6d: {  	_ =	shalt  }
0x6e: {  	_ =	shalt  }
0x6f: {  	_ =	shalt  }
0x70: {  	_ =	shalt  }
0x71: {  	_ =	shalt  }
0x72: {  	_ =	shalt  }
0x73: {  	_ =	shalt  }
0x74: {  	_ =	shalt  }
0x75: {  	_ =	shalt  }
0x76: {  	_ =	shalt  }
0x77: {  	_ =	shalt  }
0x78: {  	_ =	shalt  }
0x79: {  	_ =	shalt  }
0x7a: {  	_ =	shalt  }
0x7b: {  	_ =	shalt  }
0x7c: {  	_ =	shalt  }
0x7d: {  	_ =	shalt  }
0x7e: {  	_ =	shalt  }
0x7f: {  	_ =	shalt  }
0x80: {  	_ =	shalt  }
0x81: {  	_ =	shalt  }
0x82: {  	_ =	shalt  }
0x83: {  	_ =	shalt  }
0x84: {  	_ =	shalt  }
0x85: {  	_ =	shalt  }
0x86: {  	_ =	shalt  }
0x87: {  	_ =	shalt  }
.Lfunc_end0:
.L_simem_size_0:
called_computation.1_lowered:
.L_overlay_start_0:
0x88: {  	s2 =	sld [smem:$0x3FD9]  }
0x89: {  	s3 =	sld [smem:$0x3FFE];
	_ =	sdelay $0x1  }
0x8a: {  	s1 =	srdreg.scid  }
0x8b: {  	s0 =	sand.u32 $0x1, s1  }
0x8c: {  	s17 =	sshll.u32 s0, $0xA;
	s2 =	sadd.s32 s3, s2  }
0x8d: {  	s2 =	sadd.s32 s2, s17  }
0x8e: {  	[smem:$0x3FB3] =	sst s2  }
0x8f: {  	_ = 	snop  }
0x90: {  	s18 =	sld [smem:$0x3FD0];
	(tm) =	ssettm $0x1  }
0x91: {  	s19 =	sld [smem:$0x3FFB];
	_ =	sdelay $0x3  }
0x92: {  	_ =	strace s19  }
0x93: {  	s2 =	sld [smem:$0x3FFC];
	_ =	sdelay $0x3  }
0x94: {  	_ =	strace s2  }
0x95: {  	s2 =	sld [smem:$0x3FFD];
	_ =	sdelay $0x3  }
0x96: {  	_ =	strace s2  }
0x97: {  	_ =	strace $0x8FFFFFFF  }
0x98: {  	s20 =	sld [smem:$0x3FDB];
	_ =	sdelay $0x1  }
0x99: {  	s4 =	simm.s32 $_scs_section_size  }
0x9a: {  	s5 =	simm.s32 $_size__tile_overlayer_lowered;
	s6 =	simm.s32 $_tile_overlayer_lowered  }
0x9b: {  	s7 =	simm.s32 $0x1BFF;
	s21 =	sshll.u32 s6, $0x1;
	s4 =	sadd.s32 s4, s20  }
0x9c: {  	s22 =	simm.s32 $0x0;
	s5 =	sshll.u32 s5, $0x1;
	s6 =	sadd.s32 s21, s4  }
0x9d: {  	[timem:s22], [sflag:s7] =	dma.local [hbm:s6], s5  }
0x9e: {  	_ =	swait.ge [sflag:s7], s5  }
0x9f: {  	s5 =	ssub.s32 $0x0, s5;
	[sflag:s7] =	ssyncset.done $0x0  }
0xa0: {  	[sflag:s7] =	ssyncadd.s32 s5;
	_ =	sdelay $0x1  }
0xa1: {  	s23 =	simm.s32 $0x1B8B  }
0xa2: {  	_ =	swait.ge [sflag:s23], $0x1  }
0xa3: {  	[sflag:s23] =	ssyncset.done $0x0  }
0xa4: {  	[sflag:s23] =	ssyncadd.s32 $0xFFFFFFFF  }
0xa5: {  	s5 =	sld [smem:$0x0]  }
0xa6: {  	s6 =	sand.u32 $0xFFFFFFFE, s1  }
0xa7: {  	p0 =	sne.s32 s1, s6  }
0xa8: {  	s6 =	sshll.u32 @p0 s6, $0xE  }
0xa9: {  	s6 =	sadd.s32 @p0 $0x11B8D, s6;
	s7 =	sshll.u32 @p0 s5, $0x11  }
0xaa: {  	s6 =	sor.u32 @p0 s7, s6  }
0xab: {  	[sflag:s6] =	ssyncadd.remote.s32 @p0 $0x1;
	_ =	sdelay $0x1  }
0xac: {  	s6 =	simm.s32 @p0 $0x1B8D  }
0xad: {  	_ =	swait.eq @p0 [sflag:s6], $0x1  }
0xae: {  	[sflag:s6] =	ssyncadd.s32 @p0 $0xFFFFFFFF  }
0xaf: {  	s7 =	sshll.u32 @!p0 s1, $0xE  }
0xb0: {  	s7 =	sor.u32 @!p0 $0x4000, s7;
	s6 =	simm.s32 @!p0 $0x1B8D  }
0xb1: {  	s5 =	sshll.u32 @!p0 s5, $0x11;
	s7 =	sadd.s32 @!p0 $0x11B8D, s7;
	_ =	swait.eq @!p0 [sflag:s6], $0x1  }
0xb2: {  	s5 =	sor.u32 @!p0 s5, s7;
	[sflag:s6] =	ssyncadd.s32 @!p0 $0xFFFFFFFF  }
0xb3: {  	s25 =	simm.s32 $0x1B8E;
	s24 =	sld [smem:$0x3FFE];
	[sflag:s5] =	ssyncadd.remote.s32 @!p0 $0x1  }
0xb4: {  	s26 =	simm.s32 $execute0_lowered;
	[smem:$0x3FD2] =	sst s25  }
0xb5: {  	s6 =	sshll.u32 s26, $0x1;
	_ =	strace $0x80000049;
	[dreg:$0x1] =	wrdreg $0xFFFFFFFF  }
0xb6: {  	s28 =	simm.s32 $_size_execute0_lowered;
	s4 =	sadd.s32 s4, s6;
	[dreg:$0x0] =	wrdreg $0x0  }
0xb7: {  	s6 =	sshll.u32 s28, $0x1;
	[dreg:$0x2] =	wrdreg s4  }
0xb8: {  	[dreg:$0x3] =	wrdreg s6  }
0xb9: {  	[dreg:$0x4] =	wrdreg $0xC0  }
0xba: {  	_ =	task [dreg:s22], $0x5FFFF  }
0xbb: {  	[dreg:$0x1] =	wrdreg $0xFFFFFFFF  }
0xbc: {  	[dreg:$0x0] =	wrdreg $0x60  }
0xbd: {  	[dreg:$0x2] =	wrdreg s24  }
0xbe: {  	[dreg:$0x3] =	wrdreg s18  }
0xbf: {  	[dreg:$0x4] =	wrdreg $0xA  }
0xc0: {  	_ =	task.clear_ibuf [dreg:s22], $0x5FFFF;
	_ =	strace $0x90000049  }
0xc1: {  	s29 =	simm.s32 $0xA;
	_ =	strace $0x8000004B  }
0xc2: {  	_ =	swait.ge [sflag:s29], $0x1  }
0xc3: {  	[sflag:s29] =	ssyncadd.s32 $0xFFFFFFFF  }
0xc4: {  	_ =	strace $0x9000004B  }
0xc5: {  	_ =	sfence  }
0xc6: {  	s30 =	sld [smem:$0x0];
	_ =	sdelay $0x2  }
0xc7: {  	s31 =	sshll.u32 s1, $0xD;
	s1 =	sshrl.u32 s1, $0x2  }
0xc8: {  	s4 =	sand.u32 $0x4000, s31;
	s1 =	sadd.s32 s1, s30  }
0xc9: {  	s0 =	sor.u32 s4, s0;
	s1 =	sshll.u32 s1, $0x11  }
0xca: {  	s0 =	sor.u32 s1, s0  }
0xcb: {  	s0 =	sadd.s32 $0x8F2B, s0  }
0xcc: {  	[sflag:s0] =	ssyncadd.remote.s32 $0x1  }
0xcd: {  	_ =	sfence.sel $0xFFFF  }
0xce: {  	[dreg:$0x0] =	wrdreg $0xFFFFFFFF;
	(pc) =	sbr.abs _section_cstart, $3  }
0xcf: {  	[dreg:$0x1] =	wrdreg $0xFFFFFFFF  }
0xd0: {  	_ =	task.clear_ibuf [dreg:s22], $0x2FFFF;
	_ =	strace $0x9FFFFFFF  }
0xd1: {  	(tm) =	ssettm $0x7FFFFFFF  }
tec
execute0_lowered:
.L_overlay_start_1:
0x0: {  	(tag) =	ssettag $0x1  }
0x1: {  	s1 =	srdreg.scid;
	s4 =	rddreg [dreg:$0x0]  }
0x2: {  	s0 =	stileid.u32;
	s2 =	rddreg [dreg:$0x1];
	s3 =	simm.s32 $0x0  }
0x3: {  	s1 =	sand.u32 $0x1, s1;
	s5 =	sshll.u32 s0, $0xC;
	[smem:$0x7FF] =	sst s3  }
0x4: {  	s29 =	sadd.s32 $0x116400, s4;
	[dreg:$0xe] =	wrdreg s1;
	s6 =	sshll.u32 s1, $0xB  }
0x5: {  	s31 =	sadd.s32 $0x118400, s4;
	s30 =	sor.u32 s6, s5;
	_ =	strace $0x8000004A  }
0x6: {  	s5 =	sshrl.u32 s30, $0x3;
	s6 =	sor.u32 $0x80, s30;
	s22 =	sshll.u32 s30, $0x4  }
0x7: {  	s7 =	sor.u32 $0x100, s30;
	s10 =	sor.u32 $0x200, s30;
	s5 =	sadd.s32 s29, s5  }
0x8: {  	s21 =	sshrl.u32 s6, $0x3;
	s23 =	sadd.s32 s31, s22;
	[dreg:$0x3] =	wrdreg s5  }
0x9: {  	s24 =	sshrl.u32 s7, $0x3;
	s4 =	sadd.s32 s29, s21;
	[dreg:$0x5] =	wrdreg s23  }
0xa: {  	s26 =	sshll.u32 s6, $0x4;
	s25 =	sadd.s32 s29, s24;
	[dreg:$0x4] =	wrdreg s4  }
0xb: {  	s9 =	sshll.u32 s7, $0x4;
	s0 =	sadd.s32 s31, s26;
	[dreg:$0x6] =	wrdreg s25  }
0xc: {  	s12 =	sshrl.u32 s10, $0x3;
	s11 =	sadd.s32 s31, s9;
	[dreg:$0x7] =	wrdreg s0  }
0xd: {  	s1 =	sor.u32 $0x180, s30;
	s13 =	sadd.s32 s29, s12;
	[dreg:$0x9] =	wrdreg s11  }
0xe: {  	s8 =	sshrl.u32 s1, $0x3;
	s16 =	sshll.u32 s10, $0x4;
	[dreg:$0xa] =	wrdreg s13  }
0xf: {  	s5 =	sshll.u32 s1, $0x4;
	s18 =	sadd.s32 s31, s16;
	s17 =	rddreg [dreg:$0x3]  }
0x10: {  	s4 =	sadd.s32 s29, s8;
	s11 =	sor.u32 $0x280, s30;
	[dreg:$0xd] =	wrdreg s18  }
0x11: {  	s14 =	sadd.s32 s31, s5;
	[dreg:$0x8] =	wrdreg s4;
	s15 =	sshrl.u32 s11, $0x3  }
0x12: {  	[tilespmem:s3], [sflag:$0x3] =	stream.linear.gather [hbm4b:s17+s3], $0x80, $0x38;
	[tilespmem:$0x8100] =	vst v63  }
0x13: {  	[dreg:$0xb] =	wrdreg s14;
	s4 =	sadd.s32 s29, s15  }
0x14: {  	[dreg:$0xc] =	wrdreg s4;
	s4 =	simm.s32 $0x3  }
0x15: {  	_ =	swait.ge [sflag:s4], $0x80  }
0x16: {  	[sflag:s4] =	ssyncset.done $0x0  }
0x17: {  	s6 =	simm.s32 $0x100;
	s5 =	simm.s32 $0x80;
	[sflag:s4] =	ssyncadd.s32 $0xFFFFFF80  }
0x18: {  	[tilespmem:s6], [sflag:$0x1] =	stream.indirect.gather [hbm4b:s2+s5], $0x80, s3, s5, $0xb8;
	[tilespmem:$0x8100] =	vst v63  }
0x19: {  	s19 =	rddreg [dreg:$0x4]  }
0x1a: {  	[tilespmem:s5], [sflag:$0x3] =	stream.linear.gather [hbm4b:s19+s3], $0x80, $0x38;
	[tilespmem:$0x8100] =	vst v63  }
0x1b: {  	_ =	swait.ge [sflag:s4], $0x80  }
0x1c: {  	[sflag:s4] =	ssyncset.done $0x0  }
0x1d: {  	s7 =	simm.s32 $0x4100;
	s8 =	simm.s32 $0x1;
	[sflag:s4] =	ssyncadd.s32 $0xFFFFFF80  }
0x1e: {  	[tilespmem:s7], [sflag:$0x2] =	stream.indirect.gather [hbm4b:s2+s5], $0x80, s5, s5, $0xb8;
	[tilespmem:$0x8100] =	vst v63  }
0x1f: {  	_ =	swait.ge [sflag:s8], $0x4000  }
0x20: {  	[sflag:s8] =	ssyncset.done $0x0  }
0x21: {  	s9 =	rddreg [dreg:$0x5];
	[sflag:s8] =	ssyncadd.s32 $0xFFFFC000  }
0x22: {  	[hbm4b:s9+s3] =	stream.linear.scatter [tilespmem:s6], [sflag:$0x3], $0x4000, $0x38;
	[tilespmem:$0x8100] =	vst v63  }
0x23: {  	_ =	swait.ge [sflag:s4], $0x4000  }
0x24: {  	[sflag:s4] =	ssyncset.done $0x0  }
0x25: {  	s20 =	rddreg [dreg:$0x6];
	[sflag:s4] =	ssyncadd.s32 $0xFFFFC000  }
0x26: {  	[tilespmem:s3], [sflag:$0x3] =	stream.linear.gather [hbm4b:s20+s3], $0x80, $0x38;
	[tilespmem:$0x8100] =	vst v63  }
0x27: {  	_ =	swait.ge [sflag:s4], $0x80  }
0x28: {  	[sflag:s4] =	ssyncset.done $0x0  }
0x29: {  	s9 =	simm.s32 $0x2;
	[sflag:s4] =	ssyncadd.s32 $0xFFFFFF80  }
0x2a: {  	[tilespmem:s6], [sflag:$0x1] =	stream.indirect.gather [hbm4b:s2+s5], $0x80, s3, s5, $0xb8;
	[tilespmem:$0x8100] =	vst v63  }
0x2b: {  	_ =	swait.ge [sflag:s9], $0x4000  }
0x2c: {  	[sflag:s9] =	ssyncset.done $0x0  }
0x2d: {  	s10 =	rddreg [dreg:$0x7];
	[sflag:s9] =	ssyncadd.s32 $0xFFFFC000  }
0x2e: {  	[hbm4b:s10+s3] =	stream.linear.scatter [tilespmem:s7], [sflag:$0x3], $0x4000, $0x38;
	[tilespmem:$0x8100] =	vst v63  }
0x2f: {  	_ =	swait.ge [sflag:s4], $0x4000  }
0x30: {  	[sflag:s4] =	ssyncset.done $0x0  }
0x31: {  	s21 =	rddreg [dreg:$0x8];
	[sflag:s4] =	ssyncadd.s32 $0xFFFFC000  }
0x32: {  	[tilespmem:s5], [sflag:$0x3] =	stream.linear.gather [hbm4b:s21+s3], $0x80, $0x38;
	[tilespmem:$0x8100] =	vst v63  }
0x33: {  	_ =	swait.ge [sflag:s4], $0x80  }
0x34: {  	[sflag:s4] =	ssyncset.done $0x0  }
0x35: {  	[sflag:s4] =	ssyncadd.s32 $0xFFFFFF80  }
0x36: {  	[tilespmem:s7], [sflag:$0x2] =	stream.indirect.gather [hbm4b:s2+s5], $0x80, s5, s5, $0xb8;
	[tilespmem:$0x8100] =	vst v63  }
0x37: {  	_ =	swait.ge [sflag:s8], $0x4000  }
0x38: {  	[sflag:s8] =	ssyncset.done $0x0  }
0x39: {  	s22 =	rddreg [dreg:$0x9];
	[sflag:s8] =	ssyncadd.s32 $0xFFFFC000  }
0x3a: {  	[hbm4b:s22+s3] =	stream.linear.scatter [tilespmem:s6], [sflag:$0x3], $0x4000, $0x38;
	[tilespmem:$0x8100] =	vst v63  }
0x3b: {  	_ =	swait.ge [sflag:s4], $0x4000  }
0x3c: {  	[sflag:s4] =	ssyncset.done $0x0  }
0x3d: {  	s23 =	rddreg [dreg:$0xa];
	[sflag:s4] =	ssyncadd.s32 $0xFFFFC000  }
0x3e: {  	[tilespmem:s3], [sflag:$0x3] =	stream.linear.gather [hbm4b:s23+s3], $0x80, $0x38;
	[tilespmem:$0x8100] =	vst v63  }
0x3f: {  	_ =	swait.ge [sflag:s4], $0x80  }
0x40: {  	[sflag:s4] =	ssyncset.done $0x0  }
0x41: {  	[sflag:s4] =	ssyncadd.s32 $0xFFFFFF80  }
0x42: {  	[tilespmem:s6], [sflag:$0x1] =	stream.indirect.gather [hbm4b:s2+s5], $0x80, s3, s5, $0xb8;
	[tilespmem:$0x8100] =	vst v63  }
0x43: {  	_ =	swait.ge [sflag:s9], $0x4000  }
0x44: {  	[sflag:s9] =	ssyncset.done $0x0  }
0x45: {  	s24 =	rddreg [dreg:$0xb];
	[sflag:s9] =	ssyncadd.s32 $0xFFFFC000  }
0x46: {  	[hbm4b:s24+s3] =	stream.linear.scatter [tilespmem:s7], [sflag:$0x3], $0x4000, $0x38;
	[tilespmem:$0x8100] =	vst v63  }
0x47: {  	_ =	swait.ge [sflag:s4], $0x4000  }
0x48: {  	[sflag:s4] =	ssyncset.done $0x0  }
0x49: {  	s25 =	rddreg [dreg:$0xc];
	[sflag:s4] =	ssyncadd.s32 $0xFFFFC000  }
0x4a: {  	[tilespmem:s5], [sflag:$0x3] =	stream.linear.gather [hbm4b:s25+s3], $0x80, $0x38;
	[tilespmem:$0x8100] =	vst v63  }
0x4b: {  	_ =	swait.ge [sflag:s4], $0x80  }
0x4c: {  	[sflag:s4] =	ssyncset.done $0x0  }
0x4d: {  	[sflag:s4] =	ssyncadd.s32 $0xFFFFFF80  }
0x4e: {  	[tilespmem:s7], [sflag:$0x2] =	stream.indirect.gather [hbm4b:s2+s5], $0x80, s5, s5, $0xb8;
	[tilespmem:$0x8100] =	vst v63  }
0x4f: {  	_ =	swait.ge [sflag:s8], $0x4000  }
0x50: {  	[sflag:s8] =	ssyncset.done $0x0  }
0x51: {  	s26 =	rddreg [dreg:$0xd];
	[sflag:s8] =	ssyncadd.s32 $0xFFFFC000  }
0x52: {  	[hbm4b:s26+s3] =	stream.linear.scatter [tilespmem:s6], [sflag:$0x3], $0x4000, $0x38;
	[tilespmem:$0x8100] =	vst v63  }
0x53: {  	s13 =	sor.u32 $0x300, s30;
	_ =	swait.ge [sflag:s4], $0x4000  }
0x54: {  	s0 =	sshrl.u32 s13, $0x3;
	[sflag:s4] =	ssyncset.done $0x0  }
0x55: {  	s10 =	sadd.s32 s29, s0;
	[sflag:s4] =	ssyncadd.s32 $0xFFFFC000  }
0x56: {  	[tilespmem:s3], [sflag:$0x3] =	stream.linear.gather [hbm4b:s10+s3], $0x80, $0x38;
	[tilespmem:$0x8100] =	vst v63  }
0x57: {  	_ =	swait.ge [sflag:s4], $0x80  }
0x58: {  	[sflag:s4] =	ssyncset.done $0x0  }
0x59: {  	[sflag:s4] =	ssyncadd.s32 $0xFFFFFF80  }
0x5a: {  	[tilespmem:s6], [sflag:$0x1] =	stream.indirect.gather [hbm4b:s2+s5], $0x80, s3, s5, $0xb8;
	[tilespmem:$0x8100] =	vst v63  }
0x5b: {  	_ =	swait.ge [sflag:s9], $0x4000  }
0x5c: {  	s11 =	sshll.u32 s11, $0x4;
	[sflag:s9] =	ssyncset.done $0x0  }
0x5d: {  	s11 =	sadd.s32 s31, s11;
	[sflag:s9] =	ssyncadd.s32 $0xFFFFC000  }
0x5e: {  	[hbm4b:s11+s3] =	stream.linear.scatter [tilespmem:s7], [sflag:$0x3], $0x4000, $0x38;
	[tilespmem:$0x8100] =	vst v63  }
0x5f: {  	s15 =	sor.u32 $0x380, s30;
	_ =	swait.ge [sflag:s4], $0x4000  }
0x60: {  	s12 =	sshrl.u32 s15, $0x3;
	[sflag:s4] =	ssyncset.done $0x0  }
0x61: {  	s12 =	sadd.s32 s29, s12;
	[sflag:s4] =	ssyncadd.s32 $0xFFFFC000  }
0x62: {  	[tilespmem:s5], [sflag:$0x3] =	stream.linear.gather [hbm4b:s12+s3], $0x80, $0x38;
	[tilespmem:$0x8100] =	vst v63  }
0x63: {  	_ =	swait.ge [sflag:s4], $0x80  }
0x64: {  	[sflag:s4] =	ssyncset.done $0x0  }
0x65: {  	[sflag:s4] =	ssyncadd.s32 $0xFFFFFF80  }
0x66: {  	[tilespmem:s7], [sflag:$0x2] =	stream.indirect.gather [hbm4b:s2+s5], $0x80, s5, s5, $0xb8;
	[tilespmem:$0x8100] =	vst v63  }
0x67: {  	_ =	swait.ge [sflag:s8], $0x4000  }
0x68: {  	s13 =	sshll.u32 s13, $0x4;
	[sflag:s8] =	ssyncset.done $0x0  }
0x69: {  	s13 =	sadd.s32 s31, s13;
	[sflag:s8] =	ssyncadd.s32 $0xFFFFC000  }
0x6a: {  	[hbm4b:s13+s3] =	stream.linear.scatter [tilespmem:s6], [sflag:$0x3], $0x4000, $0x38;
	[tilespmem:$0x8100] =	vst v63  }
0x6b: {  	s17 =	sor.u32 $0x400, s30;
	_ =	swait.ge [sflag:s4], $0x4000  }
0x6c: {  	s14 =	sshrl.u32 s17, $0x3;
	[sflag:s4] =	ssyncset.done $0x0  }
0x6d: {  	s14 =	sadd.s32 s29, s14;
	[sflag:s4] =	ssyncadd.s32 $0xFFFFC000  }
0x6e: {  	[tilespmem:s3], [sflag:$0x3] =	stream.linear.gather [hbm4b:s14+s3], $0x80, $0x38;
	[tilespmem:$0x8100] =	vst v63  }
0x6f: {  	_ =	swait.ge [sflag:s4], $0x80  }
0x70: {  	[sflag:s4] =	ssyncset.done $0x0  }
0x71: {  	[sflag:s4] =	ssyncadd.s32 $0xFFFFFF80  }
0x72: {  	[tilespmem:s6], [sflag:$0x1] =	stream.indirect.gather [hbm4b:s2+s5], $0x80, s3, s5, $0xb8;
	[tilespmem:$0x8100] =	vst v63  }
0x73: {  	_ =	swait.ge [sflag:s9], $0x4000  }
0x74: {  	s15 =	sshll.u32 s15, $0x4;
	[sflag:s9] =	ssyncset.done $0x0  }
0x75: {  	s15 =	sadd.s32 s31, s15;
	[sflag:s9] =	ssyncadd.s32 $0xFFFFC000  }
0x76: {  	[hbm4b:s15+s3] =	stream.linear.scatter [tilespmem:s7], [sflag:$0x3], $0x4000, $0x38;
	[tilespmem:$0x8100] =	vst v63  }
0x77: {  	s19 =	sor.u32 $0x480, s30;
	_ =	swait.ge [sflag:s4], $0x4000  }
0x78: {  	s16 =	sshrl.u32 s19, $0x3;
	[sflag:s4] =	ssyncset.done $0x0  }
0x79: {  	s16 =	sadd.s32 s29, s16;
	[sflag:s4] =	ssyncadd.s32 $0xFFFFC000  }
0x7a: {  	[tilespmem:s5], [sflag:$0x3] =	stream.linear.gather [hbm4b:s16+s3], $0x80, $0x38;
	[tilespmem:$0x8100] =	vst v63  }
0x7b: {  	_ =	swait.ge [sflag:s4], $0x80  }
0x7c: {  	[sflag:s4] =	ssyncset.done $0x0  }
0x7d: {  	[sflag:s4] =	ssyncadd.s32 $0xFFFFFF80  }
0x7e: {  	[tilespmem:s7], [sflag:$0x2] =	stream.indirect.gather [hbm4b:s2+s5], $0x80, s5, s5, $0xb8;
	[tilespmem:$0x8100] =	vst v63  }
0x7f: {  	_ =	swait.ge [sflag:s8], $0x4000  }
0x80: {  	s17 =	sshll.u32 s17, $0x4;
	[sflag:s8] =	ssyncset.done $0x0  }
0x81: {  	s17 =	sadd.s32 s31, s17;
	[sflag:s8] =	ssyncadd.s32 $0xFFFFC000  }
0x82: {  	[hbm4b:s17+s3] =	stream.linear.scatter [tilespmem:s6], [sflag:$0x3], $0x4000, $0x38;
	[tilespmem:$0x8100] =	vst v63  }
0x83: {  	s21 =	sor.u32 $0x500, s30;
	_ =	swait.ge [sflag:s4], $0x4000  }
0x84: {  	s18 =	sshrl.u32 s21, $0x3;
	[sflag:s4] =	ssyncset.done $0x0  }
0x85: {  	s18 =	sadd.s32 s29, s18;
	[sflag:s4] =	ssyncadd.s32 $0xFFFFC000  }
0x86: {  	[tilespmem:s3], [sflag:$0x3] =	stream.linear.gather [hbm4b:s18+s3], $0x80, $0x38;
	[tilespmem:$0x8100] =	vst v63  }
0x87: {  	_ =	swait.ge [sflag:s4], $0x80  }
0x88: {  	[sflag:s4] =	ssyncset.done $0x0  }
0x89: {  	[sflag:s4] =	ssyncadd.s32 $0xFFFFFF80  }
0x8a: {  	[tilespmem:s6], [sflag:$0x1] =	stream.indirect.gather [hbm4b:s2+s5], $0x80, s3, s5, $0xb8;
	[tilespmem:$0x8100] =	vst v63  }
0x8b: {  	_ =	swait.ge [sflag:s9], $0x4000  }
0x8c: {  	s19 =	sshll.u32 s19, $0x4;
	[sflag:s9] =	ssyncset.done $0x0  }
0x8d: {  	s19 =	sadd.s32 s31, s19;
	[sflag:s9] =	ssyncadd.s32 $0xFFFFC000  }
0x8e: {  	[hbm4b:s19+s3] =	stream.linear.scatter [tilespmem:s7], [sflag:$0x3], $0x4000, $0x38;
	[tilespmem:$0x8100] =	vst v63  }
0x8f: {  	s23 =	sor.u32 $0x580, s30;
	_ =	swait.ge [sflag:s4], $0x4000  }
0x90: {  	s20 =	sshrl.u32 s23, $0x3;
	[sflag:s4] =	ssyncset.done $0x0  }
0x91: {  	s20 =	sadd.s32 s29, s20;
	[sflag:s4] =	ssyncadd.s32 $0xFFFFC000  }
0x92: {  	[tilespmem:s5], [sflag:$0x3] =	stream.linear.gather [hbm4b:s20+s3], $0x80, $0x38;
	[tilespmem:$0x8100] =	vst v63  }
0x93: {  	_ =	swait.ge [sflag:s4], $0x80  }
0x94: {  	[sflag:s4] =	ssyncset.done $0x0  }
0x95: {  	[sflag:s4] =	ssyncadd.s32 $0xFFFFFF80  }
0x96: {  	[tilespmem:s7], [sflag:$0x2] =	stream.indirect.gather [hbm4b:s2+s5], $0x80, s5, s5, $0xb8;
	[tilespmem:$0x8100] =	vst v63  }
0x97: {  	_ =	swait.ge [sflag:s8], $0x4000  }
0x98: {  	s21 =	sshll.u32 s21, $0x4;
	[sflag:s8] =	ssyncset.done $0x0  }
0x99: {  	s21 =	sadd.s32 s31, s21;
	[sflag:s8] =	ssyncadd.s32 $0xFFFFC000  }
0x9a: {  	[hbm4b:s21+s3] =	stream.linear.scatter [tilespmem:s6], [sflag:$0x3], $0x4000, $0x38;
	[tilespmem:$0x8100] =	vst v63  }
0x9b: {  	s25 =	sor.u32 $0x600, s30;
	_ =	swait.ge [sflag:s4], $0x4000  }
0x9c: {  	s22 =	sshrl.u32 s25, $0x3;
	[sflag:s4] =	ssyncset.done $0x0  }
0x9d: {  	s22 =	sadd.s32 s29, s22;
	[sflag:s4] =	ssyncadd.s32 $0xFFFFC000  }
0x9e: {  	[tilespmem:s3], [sflag:$0x3] =	stream.linear.gather [hbm4b:s22+s3], $0x80, $0x38;
	[tilespmem:$0x8100] =	vst v63  }
0x9f: {  	_ =	swait.ge [sflag:s4], $0x80  }
0xa0: {  	[sflag:s4] =	ssyncset.done $0x0  }
0xa1: {  	[sflag:s4] =	ssyncadd.s32 $0xFFFFFF80  }
0xa2: {  	[tilespmem:s6], [sflag:$0x1] =	stream.indirect.gather [hbm4b:s2+s5], $0x80, s3, s5, $0xb8;
	[tilespmem:$0x8100] =	vst v63  }
0xa3: {  	_ =	swait.ge [sflag:s9], $0x4000  }
0xa4: {  	s23 =	sshll.u32 s23, $0x4;
	[sflag:s9] =	ssyncset.done $0x0  }
0xa5: {  	s23 =	sadd.s32 s31, s23;
	[sflag:s9] =	ssyncadd.s32 $0xFFFFC000  }
0xa6: {  	[hbm4b:s23+s3] =	stream.linear.scatter [tilespmem:s7], [sflag:$0x3], $0x4000, $0x38;
	[tilespmem:$0x8100] =	vst v63  }
0xa7: {  	s28 =	sor.u32 $0x680, s30;
	_ =	swait.ge [sflag:s4], $0x4000  }
0xa8: {  	s24 =	sshrl.u32 s28, $0x3;
	[sflag:s4] =	ssyncset.done $0x0  }
0xa9: {  	s24 =	sadd.s32 s29, s24;
	[sflag:s4] =	ssyncadd.s32 $0xFFFFC000  }
0xaa: {  	[tilespmem:s5], [sflag:$0x3] =	stream.linear.gather [hbm4b:s24+s3], $0x80, $0x38;
	[tilespmem:$0x8100] =	vst v63  }
0xab: {  	_ =	swait.ge [sflag:s4], $0x80  }
0xac: {  	[sflag:s4] =	ssyncset.done $0x0  }
0xad: {  	[sflag:s4] =	ssyncadd.s32 $0xFFFFFF80  }
0xae: {  	[tilespmem:s7], [sflag:$0x2] =	stream.indirect.gather [hbm4b:s2+s5], $0x80, s5, s5, $0xb8;
	[tilespmem:$0x8100] =	vst v63  }
0xaf: {  	_ =	swait.ge [sflag:s8], $0x4000  }
0xb0: {  	s25 =	sshll.u32 s25, $0x4;
	[sflag:s8] =	ssyncset.done $0x0  }
0xb1: {  	s25 =	sadd.s32 s31, s25;
	[sflag:s8] =	ssyncadd.s32 $0xFFFFC000  }
0xb2: {  	[hbm4b:s25+s3] =	stream.linear.scatter [tilespmem:s6], [sflag:$0x3], $0x4000, $0x38;
	[tilespmem:$0x8100] =	vst v63  }
0xb3: {  	s1 =	sor.u32 $0x700, s30;
	_ =	swait.ge [sflag:s4], $0x4000  }
0xb4: {  	s26 =	sshrl.u32 s1, $0x3;
	[sflag:s4] =	ssyncset.done $0x0  }
0xb5: {  	s26 =	sadd.s32 s29, s26;
	[sflag:s4] =	ssyncadd.s32 $0xFFFFC000  }
0xb6: {  	[tilespmem:s3], [sflag:$0x3] =	stream.linear.gather [hbm4b:s26+s3], $0x80, $0x38;
	[tilespmem:$0x8100] =	vst v63  }
0xb7: {  	_ =	swait.ge [sflag:s4], $0x80  }
0xb8: {  	[sflag:s4] =	ssyncset.done $0x0  }
0xb9: {  	[sflag:s4] =	ssyncadd.s32 $0xFFFFFF80  }
0xba: {  	[tilespmem:s6], [sflag:$0x1] =	stream.indirect.gather [hbm4b:s2+s5], $0x80, s3, s5, $0xb8;
	[tilespmem:$0x8100] =	vst v63  }
0xbb: {  	_ =	swait.ge [sflag:s9], $0x4000  }
0xbc: {  	s28 =	sshll.u32 s28, $0x4;
	[sflag:s9] =	ssyncset.done $0x0  }
0xbd: {  	s28 =	sadd.s32 s31, s28;
	[dreg:$0xf] =	wrdreg s31;
	[sflag:s9] =	ssyncadd.s32 $0xFFFFC000  }
0xbe: {  	[hbm4b:s28+s3] =	stream.linear.scatter [tilespmem:s7], [sflag:$0x3], $0x4000, $0x38;
	[tilespmem:$0x8100] =	vst v63  }
0xbf: {  	s0 =	sor.u32 $0x780, s30;
	_ =	swait.ge [sflag:s4], $0x4000  }
0xc0: {  	s30 =	sshrl.u32 s0, $0x3;
	[sflag:s4] =	ssyncset.done $0x0  }
0xc1: {  	s29 =	sadd.s32 s29, s30;
	[sflag:s4] =	ssyncadd.s32 $0xFFFFC000  }
0xc2: {  	[tilespmem:s5], [sflag:$0x3] =	stream.linear.gather [hbm4b:s29+s3], $0x80, $0x38;
	[tilespmem:$0x8100] =	vst v63  }
0xc3: {  	_ =	swait.ge [sflag:s4], $0x80  }
0xc4: {  	[sflag:s4] =	ssyncset.done $0x0  }
0xc5: {  	[sflag:s4] =	ssyncadd.s32 $0xFFFFFF80  }
0xc6: {  	[tilespmem:s7], [sflag:$0x2] =	stream.indirect.gather [hbm4b:s2+s5], $0x80, s5, s5, $0xb8;
	[tilespmem:$0x8100] =	vst v63  }
0xc7: {  	_ =	swait.ge [sflag:s8], $0x4000  }
0xc8: {  	s1 =	sshll.u32 s1, $0x4;
	[sflag:s8] =	ssyncset.done $0x0  }
0xc9: {  	s30 =	sadd.s32 s31, s1;
	[sflag:s8] =	ssyncadd.s32 $0xFFFFC000  }
0xca: {  	[hbm4b:s30+s3] =	stream.linear.scatter [tilespmem:s6], [sflag:$0x3], $0x4000, $0x38;
	[tilespmem:$0x8100] =	vst v63  }
0xcb: {  	_ =	swait.ge [sflag:s4], $0x4000  }
0xcc: {  	s1 =	rddreg [dreg:$0xe]  }
0xcd: {  	s1 =	ssub.s32 $0x2, s1  }
0xce: {  	s31 =	sshrl.u32 s1, $0x1  }
0xcf: {  	s1 =	ssub.s32 s1, s31  }
0xd0: {  	[sflag:s4] =	ssyncset.done $0x0;
	s1 =	smax.u32 s1, $0x1  }
0xd1: {  	[sflag:s4] =	ssyncadd.s32 $0xFFFFC000;
	p0 =	sne.s32 s1, $0x1  }
.Ltmp0:
0xd2: {  	_ =	swait.ge [sflag:s9], $0x4000;
	(pc) =	sbr.rel @!p0 .LBB2_2-.Ltmp0, $4  }
0xd3: {  	s0 =	sshll.u32 s0, $0x4;
	[sflag:s9] =	ssyncset.done $0x0;
	s31 =	rddreg [dreg:$0xf]  }
0xd4: {  	s31 =	sadd.s32 s31, s0;
	[sflag:s9] =	ssyncadd.s32 $0xFFFFC000  }
0xd5: {  	[hbm4b:s31+s3] =	stream.linear.scatter [tilespmem:s7], [sflag:$0x3], $0x4000, $0x38;
	[tilespmem:$0x8100] =	vst v63  }
0xd6: {  	s1 =	sadd.s32 $0xFFFFFFFF, s1;
	_ =	swait.ge [sflag:s4], $0x4000  }
.LBB2_1:
0xd7: {  	[sflag:s4] =	ssyncset.done $0x0  }
0xd8: {  	s0 =	rddreg [dreg:$0x3];
	[sflag:s4] =	ssyncadd.s32 $0xFFFFC000  }
0xd9: {  	[tilespmem:s3], [sflag:$0x3] =	stream.linear.gather [hbm4b:s0+s3], $0x80, $0x38;
	[tilespmem:$0x8100] =	vst v63  }
0xda: {  	_ =	swait.ge [sflag:s4], $0x80  }
0xdb: {  	[sflag:s4] =	ssyncset.done $0x0  }
0xdc: {  	[sflag:s4] =	ssyncadd.s32 $0xFFFFFF80  }
0xdd: {  	[tilespmem:s6], [sflag:$0x1] =	stream.indirect.gather [hbm4b:s2+s5], $0x80, s3, s5, $0xb8;
	[tilespmem:$0x8100] =	vst v63  }
0xde: {  	s0 =	rddreg [dreg:$0x4]  }
0xdf: {  	[tilespmem:s5], [sflag:$0x3] =	stream.linear.gather [hbm4b:s0+s3], $0x80, $0x38;
	[tilespmem:$0x8100] =	vst v63  }
0xe0: {  	_ =	swait.ge [sflag:s4], $0x80  }
0xe1: {  	[sflag:s4] =	ssyncset.done $0x0  }
0xe2: {  	[sflag:s4] =	ssyncadd.s32 $0xFFFFFF80  }
0xe3: {  	[tilespmem:s7], [sflag:$0x2] =	stream.indirect.gather [hbm4b:s2+s5], $0x80, s5, s5, $0xb8;
	[tilespmem:$0x8100] =	vst v63  }
0xe4: {  	_ =	swait.ge [sflag:s8], $0x4000  }
0xe5: {  	[sflag:s8] =	ssyncset.done $0x0  }
0xe6: {  	s0 =	rddreg [dreg:$0x5];
	[sflag:s8] =	ssyncadd.s32 $0xFFFFC000  }
0xe7: {  	[hbm4b:s0+s3] =	stream.linear.scatter [tilespmem:s6], [sflag:$0x3], $0x4000, $0x38;
	[tilespmem:$0x8100] =	vst v63  }
0xe8: {  	_ =	swait.ge [sflag:s4], $0x4000  }
0xe9: {  	[sflag:s4] =	ssyncset.done $0x0  }
0xea: {  	s0 =	rddreg [dreg:$0x6];
	[sflag:s4] =	ssyncadd.s32 $0xFFFFC000  }
0xeb: {  	[tilespmem:s3], [sflag:$0x3] =	stream.linear.gather [hbm4b:s0+s3], $0x80, $0x38;
	[tilespmem:$0x8100] =	vst v63  }
0xec: {  	_ =	swait.ge [sflag:s4], $0x80  }
0xed: {  	[sflag:s4] =	ssyncset.done $0x0  }
0xee: {  	[sflag:s4] =	ssyncadd.s32 $0xFFFFFF80  }
0xef: {  	[tilespmem:s6], [sflag:$0x1] =	stream.indirect.gather [hbm4b:s2+s5], $0x80, s3, s5, $0xb8;
	[tilespmem:$0x8100] =	vst v63  }
0xf0: {  	_ =	swait.ge [sflag:s9], $0x4000  }
0xf1: {  	[sflag:s9] =	ssyncset.done $0x0  }
0xf2: {  	s0 =	rddreg [dreg:$0x7];
	[sflag:s9] =	ssyncadd.s32 $0xFFFFC000  }
0xf3: {  	[hbm4b:s0+s3] =	stream.linear.scatter [tilespmem:s7], [sflag:$0x3], $0x4000, $0x38;
	[tilespmem:$0x8100] =	vst v63  }
0xf4: {  	_ =	swait.ge [sflag:s4], $0x4000  }
0xf5: {  	[sflag:s4] =	ssyncset.done $0x0  }
0xf6: {  	s0 =	rddreg [dreg:$0x8];
	[sflag:s4] =	ssyncadd.s32 $0xFFFFC000  }
0xf7: {  	[tilespmem:s5], [sflag:$0x3] =	stream.linear.gather [hbm4b:s0+s3], $0x80, $0x38;
	[tilespmem:$0x8100] =	vst v63  }
0xf8: {  	_ =	swait.ge [sflag:s4], $0x80  }
0xf9: {  	[sflag:s4] =	ssyncset.done $0x0  }
0xfa: {  	[sflag:s4] =	ssyncadd.s32 $0xFFFFFF80  }
0xfb: {  	[tilespmem:s7], [sflag:$0x2] =	stream.indirect.gather [hbm4b:s2+s5], $0x80, s5, s5, $0xb8;
	[tilespmem:$0x8100] =	vst v63  }
0xfc: {  	_ =	swait.ge [sflag:s8], $0x4000  }
0xfd: {  	[sflag:s8] =	ssyncset.done $0x0  }
0xfe: {  	s0 =	rddreg [dreg:$0x9];
	[sflag:s8] =	ssyncadd.s32 $0xFFFFC000  }
0xff: {  	[hbm4b:s0+s3] =	stream.linear.scatter [tilespmem:s6], [sflag:$0x3], $0x4000, $0x38;
	[tilespmem:$0x8100] =	vst v63  }
0x100: {  	_ =	swait.ge [sflag:s4], $0x4000  }
0x101: {  	[sflag:s4] =	ssyncset.done $0x0  }
0x102: {  	s0 =	rddreg [dreg:$0xa];
	[sflag:s4] =	ssyncadd.s32 $0xFFFFC000  }
0x103: {  	[tilespmem:s3], [sflag:$0x3] =	stream.linear.gather [hbm4b:s0+s3], $0x80, $0x38;
	[tilespmem:$0x8100] =	vst v63  }
0x104: {  	_ =	swait.ge [sflag:s4], $0x80  }
0x105: {  	[sflag:s4] =	ssyncset.done $0x0  }
0x106: {  	[sflag:s4] =	ssyncadd.s32 $0xFFFFFF80  }
0x107: {  	[tilespmem:s6], [sflag:$0x1] =	stream.indirect.gather [hbm4b:s2+s5], $0x80, s3, s5, $0xb8;
	[tilespmem:$0x8100] =	vst v63  }
0x108: {  	_ =	swait.ge [sflag:s9], $0x4000  }
0x109: {  	[sflag:s9] =	ssyncset.done $0x0  }
0x10a: {  	s0 =	rddreg [dreg:$0xb];
	[sflag:s9] =	ssyncadd.s32 $0xFFFFC000  }
0x10b: {  	[hbm4b:s0+s3] =	stream.linear.scatter [tilespmem:s7], [sflag:$0x3], $0x4000, $0x38;
	[tilespmem:$0x8100] =	vst v63  }
0x10c: {  	_ =	swait.ge [sflag:s4], $0x4000  }
0x10d: {  	[sflag:s4] =	ssyncset.done $0x0  }
0x10e: {  	s0 =	rddreg [dreg:$0xc];
	[sflag:s4] =	ssyncadd.s32 $0xFFFFC000  }
0x10f: {  	[tilespmem:s5], [sflag:$0x3] =	stream.linear.gather [hbm4b:s0+s3], $0x80, $0x38;
	[tilespmem:$0x8100] =	vst v63  }
0x110: {  	_ =	swait.ge [sflag:s4], $0x80  }
0x111: {  	[sflag:s4] =	ssyncset.done $0x0  }
0x112: {  	[sflag:s4] =	ssyncadd.s32 $0xFFFFFF80  }
0x113: {  	[tilespmem:s7], [sflag:$0x2] =	stream.indirect.gather [hbm4b:s2+s5], $0x80, s5, s5, $0xb8;
	[tilespmem:$0x8100] =	vst v63  }
0x114: {  	_ =	swait.ge [sflag:s8], $0x4000  }
0x115: {  	[sflag:s8] =	ssyncset.done $0x0  }
0x116: {  	s0 =	rddreg [dreg:$0xd];
	[sflag:s8] =	ssyncadd.s32 $0xFFFFC000  }
0x117: {  	[hbm4b:s0+s3] =	stream.linear.scatter [tilespmem:s6], [sflag:$0x3], $0x4000, $0x38;
	[tilespmem:$0x8100] =	vst v63  }
0x118: {  	_ =	swait.ge [sflag:s4], $0x4000  }
0x119: {  	[sflag:s4] =	ssyncset.done $0x0  }
0x11a: {  	[sflag:s4] =	ssyncadd.s32 $0xFFFFC000  }
0x11b: {  	[tilespmem:s3], [sflag:$0x3] =	stream.linear.gather [hbm4b:s10+s3], $0x80, $0x38;
	[tilespmem:$0x8100] =	vst v63  }
0x11c: {  	_ =	swait.ge [sflag:s4], $0x80  }
0x11d: {  	[sflag:s4] =	ssyncset.done $0x0  }
0x11e: {  	[sflag:s4] =	ssyncadd.s32 $0xFFFFFF80  }
0x11f: {  	[tilespmem:s6], [sflag:$0x1] =	stream.indirect.gather [hbm4b:s2+s5], $0x80, s3, s5, $0xb8;
	[tilespmem:$0x8100] =	vst v63  }
0x120: {  	_ =	swait.ge [sflag:s9], $0x4000  }
0x121: {  	[sflag:s9] =	ssyncset.done $0x0  }
0x122: {  	[sflag:s9] =	ssyncadd.s32 $0xFFFFC000  }
0x123: {  	[hbm4b:s11+s3] =	stream.linear.scatter [tilespmem:s7], [sflag:$0x3], $0x4000, $0x38;
	[tilespmem:$0x8100] =	vst v63  }
0x124: {  	_ =	swait.ge [sflag:s4], $0x4000  }
0x125: {  	[sflag:s4] =	ssyncset.done $0x0  }
0x126: {  	[sflag:s4] =	ssyncadd.s32 $0xFFFFC000  }
0x127: {  	[tilespmem:s5], [sflag:$0x3] =	stream.linear.gather [hbm4b:s12+s3], $0x80, $0x38;
	[tilespmem:$0x8100] =	vst v63  }
0x128: {  	_ =	swait.ge [sflag:s4], $0x80  }
0x129: {  	[sflag:s4] =	ssyncset.done $0x0  }
0x12a: {  	[sflag:s4] =	ssyncadd.s32 $0xFFFFFF80  }
0x12b: {  	[tilespmem:s7], [sflag:$0x2] =	stream.indirect.gather [hbm4b:s2+s5], $0x80, s5, s5, $0xb8;
	[tilespmem:$0x8100] =	vst v63  }
0x12c: {  	_ =	swait.ge [sflag:s8], $0x4000  }
0x12d: {  	[sflag:s8] =	ssyncset.done $0x0  }
0x12e: {  	[sflag:s8] =	ssyncadd.s32 $0xFFFFC000  }
0x12f: {  	[hbm4b:s13+s3] =	stream.linear.scatter [tilespmem:s6], [sflag:$0x3], $0x4000, $0x38;
	[tilespmem:$0x8100] =	vst v63  }
0x130: {  	_ =	swait.ge [sflag:s4], $0x4000  }
0x131: {  	[sflag:s4] =	ssyncset.done $0x0  }
0x132: {  	[sflag:s4] =	ssyncadd.s32 $0xFFFFC000  }
0x133: {  	[tilespmem:s3], [sflag:$0x3] =	stream.linear.gather [hbm4b:s14+s3], $0x80, $0x38;
	[tilespmem:$0x8100] =	vst v63  }
0x134: {  	_ =	swait.ge [sflag:s4], $0x80  }
0x135: {  	[sflag:s4] =	ssyncset.done $0x0  }
0x136: {  	[sflag:s4] =	ssyncadd.s32 $0xFFFFFF80  }
0x137: {  	[tilespmem:s6], [sflag:$0x1] =	stream.indirect.gather [hbm4b:s2+s5], $0x80, s3, s5, $0xb8;
	[tilespmem:$0x8100] =	vst v63  }
0x138: {  	_ =	swait.ge [sflag:s9], $0x4000  }
0x139: {  	[sflag:s9] =	ssyncset.done $0x0  }
0x13a: {  	[sflag:s9] =	ssyncadd.s32 $0xFFFFC000  }
0x13b: {  	[hbm4b:s15+s3] =	stream.linear.scatter [tilespmem:s7], [sflag:$0x3], $0x4000, $0x38;
	[tilespmem:$0x8100] =	vst v63  }
0x13c: {  	_ =	swait.ge [sflag:s4], $0x4000  }
0x13d: {  	[sflag:s4] =	ssyncset.done $0x0  }
0x13e: {  	[sflag:s4] =	ssyncadd.s32 $0xFFFFC000  }
0x13f: {  	[tilespmem:s5], [sflag:$0x3] =	stream.linear.gather [hbm4b:s16+s3], $0x80, $0x38;
	[tilespmem:$0x8100] =	vst v63  }
0x140: {  	_ =	swait.ge [sflag:s4], $0x80  }
0x141: {  	[sflag:s4] =	ssyncset.done $0x0  }
0x142: {  	[sflag:s4] =	ssyncadd.s32 $0xFFFFFF80  }
0x143: {  	[tilespmem:s7], [sflag:$0x2] =	stream.indirect.gather [hbm4b:s2+s5], $0x80, s5, s5, $0xb8;
	[tilespmem:$0x8100] =	vst v63  }
0x144: {  	_ =	swait.ge [sflag:s8], $0x4000  }
0x145: {  	[sflag:s8] =	ssyncset.done $0x0  }
0x146: {  	[sflag:s8] =	ssyncadd.s32 $0xFFFFC000  }
0x147: {  	[hbm4b:s17+s3] =	stream.linear.scatter [tilespmem:s6], [sflag:$0x3], $0x4000, $0x38;
	[tilespmem:$0x8100] =	vst v63  }
0x148: {  	_ =	swait.ge [sflag:s4], $0x4000  }
0x149: {  	[sflag:s4] =	ssyncset.done $0x0  }
0x14a: {  	[sflag:s4] =	ssyncadd.s32 $0xFFFFC000  }
0x14b: {  	[tilespmem:s3], [sflag:$0x3] =	stream.linear.gather [hbm4b:s18+s3], $0x80, $0x38;
	[tilespmem:$0x8100] =	vst v63  }
0x14c: {  	_ =	swait.ge [sflag:s4], $0x80  }
0x14d: {  	[sflag:s4] =	ssyncset.done $0x0  }
0x14e: {  	[sflag:s4] =	ssyncadd.s32 $0xFFFFFF80  }
0x14f: {  	[tilespmem:s6], [sflag:$0x1] =	stream.indirect.gather [hbm4b:s2+s5], $0x80, s3, s5, $0xb8;
	[tilespmem:$0x8100] =	vst v63  }
0x150: {  	_ =	swait.ge [sflag:s9], $0x4000  }
0x151: {  	[sflag:s9] =	ssyncset.done $0x0  }
0x152: {  	[sflag:s9] =	ssyncadd.s32 $0xFFFFC000  }
0x153: {  	[hbm4b:s19+s3] =	stream.linear.scatter [tilespmem:s7], [sflag:$0x3], $0x4000, $0x38;
	[tilespmem:$0x8100] =	vst v63  }
0x154: {  	_ =	swait.ge [sflag:s4], $0x4000  }
0x155: {  	[sflag:s4] =	ssyncset.done $0x0  }
0x156: {  	[sflag:s4] =	ssyncadd.s32 $0xFFFFC000  }
0x157: {  	[tilespmem:s5], [sflag:$0x3] =	stream.linear.gather [hbm4b:s20+s3], $0x80, $0x38;
	[tilespmem:$0x8100] =	vst v63  }
0x158: {  	_ =	swait.ge [sflag:s4], $0x80  }
0x159: {  	[sflag:s4] =	ssyncset.done $0x0  }
0x15a: {  	[sflag:s4] =	ssyncadd.s32 $0xFFFFFF80  }
0x15b: {  	[tilespmem:s7], [sflag:$0x2] =	stream.indirect.gather [hbm4b:s2+s5], $0x80, s5, s5, $0xb8;
	[tilespmem:$0x8100] =	vst v63  }
0x15c: {  	_ =	swait.ge [sflag:s8], $0x4000  }
0x15d: {  	[sflag:s8] =	ssyncset.done $0x0  }
0x15e: {  	[sflag:s8] =	ssyncadd.s32 $0xFFFFC000  }
0x15f: {  	[hbm4b:s21+s3] =	stream.linear.scatter [tilespmem:s6], [sflag:$0x3], $0x4000, $0x38;
	[tilespmem:$0x8100] =	vst v63  }
0x160: {  	_ =	swait.ge [sflag:s4], $0x4000  }
0x161: {  	[sflag:s4] =	ssyncset.done $0x0  }
0x162: {  	[sflag:s4] =	ssyncadd.s32 $0xFFFFC000  }
0x163: {  	[tilespmem:s3], [sflag:$0x3] =	stream.linear.gather [hbm4b:s22+s3], $0x80, $0x38;
	[tilespmem:$0x8100] =	vst v63  }
0x164: {  	_ =	swait.ge [sflag:s4], $0x80  }
0x165: {  	[sflag:s4] =	ssyncset.done $0x0  }
0x166: {  	[sflag:s4] =	ssyncadd.s32 $0xFFFFFF80  }
0x167: {  	[tilespmem:s6], [sflag:$0x1] =	stream.indirect.gather [hbm4b:s2+s5], $0x80, s3, s5, $0xb8;
	[tilespmem:$0x8100] =	vst v63  }
0x168: {  	_ =	swait.ge [sflag:s9], $0x4000  }
0x169: {  	[sflag:s9] =	ssyncset.done $0x0  }
0x16a: {  	[sflag:s9] =	ssyncadd.s32 $0xFFFFC000  }
0x16b: {  	[hbm4b:s23+s3] =	stream.linear.scatter [tilespmem:s7], [sflag:$0x3], $0x4000, $0x38;
	[tilespmem:$0x8100] =	vst v63  }
0x16c: {  	_ =	swait.ge [sflag:s4], $0x4000  }
0x16d: {  	[sflag:s4] =	ssyncset.done $0x0  }
0x16e: {  	[sflag:s4] =	ssyncadd.s32 $0xFFFFC000  }
0x16f: {  	[tilespmem:s5], [sflag:$0x3] =	stream.linear.gather [hbm4b:s24+s3], $0x80, $0x38;
	[tilespmem:$0x8100] =	vst v63  }
0x170: {  	_ =	swait.ge [sflag:s4], $0x80  }
0x171: {  	[sflag:s4] =	ssyncset.done $0x0  }
0x172: {  	[sflag:s4] =	ssyncadd.s32 $0xFFFFFF80  }
0x173: {  	[tilespmem:s7], [sflag:$0x2] =	stream.indirect.gather [hbm4b:s2+s5], $0x80, s5, s5, $0xb8;
	[tilespmem:$0x8100] =	vst v63  }
0x174: {  	_ =	swait.ge [sflag:s8], $0x4000  }
0x175: {  	[sflag:s8] =	ssyncset.done $0x0  }
0x176: {  	[sflag:s8] =	ssyncadd.s32 $0xFFFFC000  }
0x177: {  	[hbm4b:s25+s3] =	stream.linear.scatter [tilespmem:s6], [sflag:$0x3], $0x4000, $0x38;
	[tilespmem:$0x8100] =	vst v63  }
0x178: {  	_ =	swait.ge [sflag:s4], $0x4000  }
0x179: {  	[sflag:s4] =	ssyncset.done $0x0  }
0x17a: {  	[sflag:s4] =	ssyncadd.s32 $0xFFFFC000  }
0x17b: {  	[tilespmem:s3], [sflag:$0x3] =	stream.linear.gather [hbm4b:s26+s3], $0x80, $0x38;
	[tilespmem:$0x8100] =	vst v63  }
0x17c: {  	_ =	swait.ge [sflag:s4], $0x80  }
0x17d: {  	[sflag:s4] =	ssyncset.done $0x0  }
0x17e: {  	[sflag:s4] =	ssyncadd.s32 $0xFFFFFF80  }
0x17f: {  	[tilespmem:s6], [sflag:$0x1] =	stream.indirect.gather [hbm4b:s2+s5], $0x80, s3, s5, $0xb8;
	[tilespmem:$0x8100] =	vst v63  }
0x180: {  	_ =	swait.ge [sflag:s9], $0x4000  }
0x181: {  	[sflag:s9] =	ssyncset.done $0x0  }
0x182: {  	[sflag:s9] =	ssyncadd.s32 $0xFFFFC000  }
0x183: {  	[hbm4b:s28+s3] =	stream.linear.scatter [tilespmem:s7], [sflag:$0x3], $0x4000, $0x38;
	[tilespmem:$0x8100] =	vst v63  }
0x184: {  	_ =	swait.ge [sflag:s4], $0x4000  }
0x185: {  	[sflag:s4] =	ssyncset.done $0x0  }
0x186: {  	[sflag:s4] =	ssyncadd.s32 $0xFFFFC000  }
0x187: {  	[tilespmem:s5], [sflag:$0x3] =	stream.linear.gather [hbm4b:s29+s3], $0x80, $0x38;
	[tilespmem:$0x8100] =	vst v63  }
0x188: {  	_ =	swait.ge [sflag:s4], $0x80  }
0x189: {  	[sflag:s4] =	ssyncset.done $0x0  }
0x18a: {  	[sflag:s4] =	ssyncadd.s32 $0xFFFFFF80  }
0x18b: {  	[tilespmem:s7], [sflag:$0x2] =	stream.indirect.gather [hbm4b:s2+s5], $0x80, s5, s5, $0xb8;
	[tilespmem:$0x8100] =	vst v63  }
0x18c: {  	_ =	swait.ge [sflag:s8], $0x4000  }
0x18d: {  	[sflag:s8] =	ssyncset.done $0x0  }
0x18e: {  	[sflag:s8] =	ssyncadd.s32 $0xFFFFC000  }
0x18f: {  	[hbm4b:s30+s3] =	stream.linear.scatter [tilespmem:s6], [sflag:$0x3], $0x4000, $0x38;
	[tilespmem:$0x8100] =	vst v63  }
0x190: {  	_ =	swait.ge [sflag:s4], $0x4000  }
0x191: {  	[sflag:s4] =	ssyncset.done $0x0  }
0x192: {  	p0 =	sne.s32 s1, $0x1;
	[sflag:s4] =	ssyncadd.s32 $0xFFFFC000  }
.Ltmp1:
0x193: {  	_ =	swait.ge [sflag:s9], $0x4000;
	(pc) =	sbr.rel @p0 .LBB2_1-.Ltmp1, $4  }
0x194: {  	[sflag:s9] =	ssyncset.done $0x0  }
0x195: {  	[sflag:s9] =	ssyncadd.s32 $0xFFFFC000  }
0x196: {  	[hbm4b:s31+s3] =	stream.linear.scatter [tilespmem:s7], [sflag:$0x3], $0x4000, $0x38;
	[tilespmem:$0x8100] =	vst v63  }
0x197: {  	s1 =	sadd.s32 $0xFFFFFFFF, s1;
	_ =	swait.ge [sflag:s4], $0x4000  }
.LBB2_2:
0x198: {  	[sflag:s4] =	ssyncset.done $0x0  }
0x199: {  	[sflag:s4] =	ssyncadd.s32 $0xFFFFC000  }
0x19a: {  	_ =	sfence.sel $0x180000  }
0x19b: {  	[bflag:$0x0] =	sbarrier.arrive $0xFFFF  }
0x19c: {  	_ =	strace $0x9000004A  }
0x19d: {  	s0 =	stileid.u32;
	[bflag:$0x2] =	sbarrier.arrive $0xFFFF  }
0x19e: {  	p0 =	sne.s32 s0, $0x0;
	s0 =	rddreg [dreg:$0x2]  }
0x19f: {  	s0 =	sadd.s32 @!p0 $0x100000, s0  }
0x1a0: {  	[sflag:s0] =	ssyncadd.tile.s32 @!p0 $0x1;
	_ =	shalt  }
.Lfunc_end2:
_tile_overlayer_lowered:
.L_overlay_start_2:
0x1a1: {  	(tag) =	ssettag $0x2  }
0x1a2: {  	s0 =	rddreg [dreg:$0x0];
	s2 =	stileid.u32  }
0x1a3: {  	s1 =	rddreg [dreg:$0x1];
	p0 =	sne.s32 s2, $0x0  }
0x1a4: {  	s3 =	rddreg [dreg:$0x2];
	[bflag:$0x3] =	sbarrier.arrive $0xFFFF;
	s2 =	simm.s32 @!p0 $0x1C03  }
0x1a5: {  	[timem:s3], [sflag:s2] =	dma.local @!p0 [hbm:s0], s1  }
0x1a6: {  	s0 =	simm.s32 @!p0 $0x3  }
0x1a7: {  	_ =	swait.ge @!p0 [sflag:s0], s1  }
0x1a8: {  	s1 =	ssub.s32 @!p0 $0x0, s1;
	[sflag:s0] =	ssyncset.done @!p0 $0x0  }
0x1a9: {  	[sflag:s0] =	ssyncadd.s32 @!p0 s1  }
0x1aa: {  	[bflag:$0x3] =	sbarrier.arrive $0xFFFF  }
0x1ab: {  	_ =	shalt  }

// kernel: kernel.8.cloned.1.call-start
scs
__scs_entry_jumppad:
0x0: {  	(pc) =	sbr.rel $0x88, $3  }
0x1: {  	(tag) =	ssettag $0x0;
	lr =	simm.s32 $0x1  }
0x2: {  	[smem:$0x3F8C] =	sst lr;
	_ =	strace $0xD0000000  }
0x3: {  	_ = 	snop  }
0x4: {  	_ = 	snop  }
0x5: {  	_ = 	snop  }
0x6: {  	_ = 	snop  }
0x7: {  	_ = 	snop  }
__scs_overlays_trampoline_lowered:
0x8: {  	[smem:$0x3F9B] =	sst s0  }
0x9: {  	[smem:$0x3F9C] =	sst s1  }
0xa: {  	[smem:$0x3F9D] =	sst s2  }
0xb: {  	[smem:$0x3F9E] =	sst s3  }
0xc: {  	[smem:$0x3F9F] =	sst s4  }
0xd: {  	[smem:$0x3FA0] =	sst s5  }
0xe: {  	[smem:$0x3FA1] =	sst s6  }
0xf: {  	[smem:$0x3FA2] =	sst s7  }
0x10: {  	[smem:$0x3FA3] =	sst s8  }
0x11: {  	[smem:$0x3FA4] =	sst s9;
	s0 =	simm.s32 @!p0 $0x0  }
0x12: {  	s1 =	sld [smem:$0x3F8A];
	s0 =	simm.s32 @p0 $0x1  }
0x13: {  	[smem:$0x3FA5] =	sst s0;
	s0 =	simm.s32 @!p1 $0x0  }
0x14: {  	s2 =	sld [smem:$0x3F89];
	s0 =	simm.s32 @p1 $0x1  }
0x15: {  	[smem:$0x3FA6] =	sst s0;
	s0 =	simm.s32 @!p2 $0x0  }
0x16: {  	s3 =	sld [smem:$0x3FDB];
	s0 =	simm.s32 @p2 $0x1  }
0x17: {  	s4 =	simm.s32 $0x1BF5;
	[smem:$0x3FA8] =	sst s0  }
0x18: {  	s0 =	sld [smem:$0x3F8B];
	_ =	swait.ge [sflag:s4], $0x0  }
0x19: {  	s7 =	sld [smem:$0x3F8C]  }
0x1a: {  	s8 =	sadd.s32 $0xFFFFE003, lr  }
0x1b: {  	s9 =	sadd.s32 $0xFFFFFEF7, lr;
	s5 =	simm.s32 $0xFFFFFFFF;
	p2 =	slt.u32 s8, $0xFFFFF086  }
0x1c: {  	p1 =	slt.u32 s9, $0xF7A;
	s5 =	simm.s32 @!p2 $0x0  }
0x1d: {  	s5 =	simm.s32 @p1 $0x1;
	p0 =	seq.s32 s7, s2  }
0x1e: {  	s7 =	smul.u32 @!p0 $0xF7A, s2;
	p2 =	seq.s32 @!p0 s5, $0x0  }
0x1f: {  	s9 =	smul.u32 $0xF7A, s1;
	s8 =	simm.s32 @!p0 $0x1BF5;
	p2 =	por !p2, p0  }
0x20: {  	[sflag:s8] =	ssyncset.s32 @!p0 $0xFFFFF086;
	s6 =	sadd.s32 @!p0 s3, s7;
	s7 =	simm.s32 @!p0 $0x108  }
0x21: {  	s3 =	sadd.s32 s3, s9;
	s6 =	sadd.s32 @!p0 $0x88, s6;
	s7 =	simm.s32 @p2 $0x1082  }
0x22: {  	[simem:s7], [sflag:s8] =	dma.local @!p0 [hbm:s6], $0xF7A  }
0x23: {  	s9 =	sor.u32 $0xD0000000, s2;
	s6 =	simm.s32 $0x108;
	_ =	swait.ge @!p0 [sflag:s8], $0x0  }
0x24: {  	s3 =	sadd.s32 $0x88, s3;
	s6 =	simm.s32 @!p1 $0x1082;
	[sflag:s4] =	ssyncset.s32 $0xFFFFF086  }
0x25: {  	[simem:s6], [sflag:s4] =	dma.local [hbm:s3], $0xF7A  }
0x26: {  	[smem:$0x3F8C] =	sst s1;
	(tag) =	ssettag s2;
	_ =	strace s9  }
0x27: {  	s1 =	sld [smem:$0x3F9C]  }
0x28: {  	s2 =	sld [smem:$0x3F9D]  }
0x29: {  	s4 =	sld [smem:$0x3F9F]  }
0x2a: {  	p0 =	seq.s32 s5, $0x0;
	s5 =	sld [smem:$0x3FA0]  }
0x2b: {  	s6 =	sld [smem:$0x3FA1]  }
0x2c: {  	s7 =	sld [smem:$0x3FA2]  }
0x2d: {  	s3 =	simm.s32 $0x108;
	s8 =	sld [smem:$0x3FA3]  }
0x2e: {  	s3 =	simm.s32 @!p0 $0x1082;
	s9 =	sld [smem:$0x3FA4]  }
0x2f: {  	lr =	sadd.s32 s0, s3;
	s0 =	sld [smem:$0x3F9B]  }
0x30: {  	s3 =	sld [smem:$0x3F9E]  }
0x31: {  	[smem:$0x3FA7] =	sst s10  }
0x32: {  	s10 =	sld [smem:$0x3FA5];
	_ =	sdelay $0x3  }
0x33: {  	p0 =	seq.s32 s10, $0x1;
	s10 =	sld [smem:$0x3FA7];
	_ =	sdelay $0x3  }
0x34: {  	[smem:$0x3FA7] =	sst s10  }
0x35: {  	s10 =	sld [smem:$0x3FA6];
	_ =	sdelay $0x3  }
0x36: {  	p1 =	seq.s32 s10, $0x1;
	s10 =	sld [smem:$0x3FA7];
	_ =	sdelay $0x3  }
0x37: {  	[smem:$0x3FA7] =	sst s10  }
0x38: {  	s10 =	sld [smem:$0x3FA8]  }
0x39: {  	_ = 	snop;
	(pc) =	sbr.ind lr, $3  }
0x3a: {  	_ = 	snop  }
0x3b: {  	_ = 	snop  }
0x3c: {  	p2 =	seq.s32 s10, $0x1;
	s10 =	sld [smem:$0x3FA7]  }
0x3d: {  	_ =	shalt  }
0x3e: {  	_ =	shalt  }
0x3f: {  	_ =	shalt  }
0x40: {  	_ =	shalt  }
0x41: {  	_ =	shalt  }
0x42: {  	_ =	shalt  }
0x43: {  	_ =	shalt  }
0x44: {  	_ =	shalt  }
0x45: {  	_ =	shalt  }
0x46: {  	_ =	shalt  }
0x47: {  	_ =	shalt  }
0x48: {  	_ =	shalt  }
0x49: {  	_ =	shalt  }
0x4a: {  	_ =	shalt  }
0x4b: {  	_ =	shalt  }
0x4c: {  	_ =	shalt  }
0x4d: {  	_ =	shalt  }
0x4e: {  	_ =	shalt  }
0x4f: {  	_ =	shalt  }
0x50: {  	_ =	shalt  }
0x51: {  	_ =	shalt  }
0x52: {  	_ =	shalt  }
0x53: {  	_ =	shalt  }
0x54: {  	_ =	shalt  }
0x55: {  	_ =	shalt  }
0x56: {  	_ =	shalt  }
0x57: {  	_ =	shalt  }
0x58: {  	_ =	shalt  }
0x59: {  	_ =	shalt  }
0x5a: {  	_ =	shalt  }
0x5b: {  	_ =	shalt  }
0x5c: {  	_ =	shalt  }
0x5d: {  	_ =	shalt  }
0x5e: {  	_ =	shalt  }
0x5f: {  	_ =	shalt  }
0x60: {  	_ =	shalt  }
0x61: {  	_ =	shalt  }
0x62: {  	_ =	shalt  }
0x63: {  	_ =	shalt  }
0x64: {  	_ =	shalt  }
0x65: {  	_ =	shalt  }
0x66: {  	_ =	shalt  }
0x67: {  	_ =	shalt  }
0x68: {  	_ =	shalt  }
0x69: {  	_ =	shalt  }
0x6a: {  	_ =	shalt  }
0x6b: {  	_ =	shalt  }
0x6c: {  	_ =	shalt  }
0x6d: {  	_ =	shalt  }
0x6e: {  	_ =	shalt  }
0x6f: {  	_ =	shalt  }
0x70: {  	_ =	shalt  }
0x71: {  	_ =	shalt  }
0x72: {  	_ =	shalt  }
0x73: {  	_ =	shalt  }
0x74: {  	_ =	shalt  }
0x75: {  	_ =	shalt  }
0x76: {  	_ =	shalt  }
0x77: {  	_ =	shalt  }
0x78: {  	_ =	shalt  }
0x79: {  	_ =	shalt  }
0x7a: {  	_ =	shalt  }
0x7b: {  	_ =	shalt  }
0x7c: {  	_ =	shalt  }
0x7d: {  	_ =	shalt  }
0x7e: {  	_ =	shalt  }
0x7f: {  	_ =	shalt  }
0x80: {  	_ =	shalt  }
0x81: {  	_ =	shalt  }
0x82: {  	_ =	shalt  }
0x83: {  	_ =	shalt  }
0x84: {  	_ =	shalt  }
0x85: {  	_ =	shalt  }
0x86: {  	_ =	shalt  }
0x87: {  	_ =	shalt  }
.Lfunc_end0:
.L_simem_size_0:
called_computation_lowered:
.L_overlay_start_0:
0x88: {  	s2 =	sld [smem:$0x3FD9]  }
0x89: {  	s3 =	sld [smem:$0x3FFE];
	_ =	sdelay $0x1  }
0x8a: {  	s1 =	srdreg.scid  }
0x8b: {  	s0 =	sand.u32 $0x1, s1  }
0x8c: {  	s16 =	sshll.u32 s0, $0xA;
	s2 =	sadd.s32 s3, s2  }
0x8d: {  	s2 =	sadd.s32 s2, s16  }
0x8e: {  	[smem:$0x3FB3] =	sst s2  }
0x8f: {  	_ = 	snop  }
0x90: {  	(tm) =	ssettm $0x1  }
0x91: {  	s17 =	sld [smem:$0x3FFB];
	_ =	sdelay $0x3  }
0x92: {  	_ =	strace s17  }
0x93: {  	s2 =	sld [smem:$0x3FFC];
	_ =	sdelay $0x3  }
0x94: {  	_ =	strace s2  }
0x95: {  	s2 =	sld [smem:$0x3FFD];
	_ =	sdelay $0x3  }
0x96: {  	_ =	strace s2  }
0x97: {  	_ =	strace $0x8FFFFFFF  }
0x98: {  	s18 =	sld [smem:$0x3FDB];
	_ =	sdelay $0x1  }
0x99: {  	s19 =	simm.s32 $_scs_section_size  }
0x9a: {  	s4 =	simm.s32 $_size__tile_overlayer_lowered;
	s5 =	simm.s32 $_tile_overlayer_lowered  }
0x9b: {  	s22 =	simm.s32 $0x1BFF;
	s21 =	sshll.u32 s5, $0x1;
	s2 =	sadd.s32 s19, s18  }
0x9c: {  	s6 =	simm.s32 $0x0;
	s20 =	sshll.u32 s4, $0x1;
	s4 =	sadd.s32 s21, s2  }
0x9d: {  	[timem:s6], [sflag:s22] =	dma.local [hbm:s4], s20  }
0x9e: {  	_ =	swait.ge [sflag:s22], s20  }
0x9f: {  	s3 =	ssub.s32 $0x0, s20;
	[sflag:s22] =	ssyncset.done $0x0  }
0xa0: {  	[sflag:s22] =	ssyncadd.s32 s3;
	_ =	sdelay $0x1  }
0xa1: {  	s23 =	simm.s32 $0x1B8B  }
0xa2: {  	_ =	swait.ge [sflag:s23], $0x1  }
0xa3: {  	[sflag:s23] =	ssyncset.done $0x0  }
0xa4: {  	s25 =	simm.s32 $0x1B8E;
	s24 =	sld [smem:$0x3FFE];
	[sflag:s23] =	ssyncadd.s32 $0xFFFFFFFF  }
0xa5: {  	s26 =	simm.s32 $execute0_lowered;
	[smem:$0x3FD2] =	sst s25  }
0xa6: {  	s4 =	sshll.u32 s26, $0x1;
	_ =	strace $0x80000046;
	[dreg:$0x1] =	wrdreg $0xFFFFFFFF  }
0xa7: {  	s28 =	simm.s32 $_size_execute0_lowered;
	s2 =	sadd.s32 s2, s4;
	[dreg:$0x0] =	wrdreg $0x0  }
0xa8: {  	s4 =	sshll.u32 s28, $0x1;
	[dreg:$0x2] =	wrdreg s2  }
0xa9: {  	[dreg:$0x3] =	wrdreg s4  }
0xaa: {  	[dreg:$0x4] =	wrdreg $0xC0  }
0xab: {  	_ =	task [dreg:s6], $0x5FFFF  }
0xac: {  	[dreg:$0x1] =	wrdreg $0xFFFFFFFF  }
0xad: {  	[dreg:$0x0] =	wrdreg $0x60  }
0xae: {  	[dreg:$0x2] =	wrdreg s24  }
0xaf: {  	[dreg:$0x3] =	wrdreg $0x9  }
0xb0: {  	_ =	task.clear_ibuf [dreg:s6], $0x4FFFF;
	_ =	strace $0x90000046  }
0xb1: {  	s29 =	simm.s32 $0x9;
	_ =	strace $0x80000048  }
0xb2: {  	_ =	swait.ge [sflag:s29], $0x1  }
0xb3: {  	[sflag:s29] =	ssyncadd.s32 $0xFFFFFFFF  }
0xb4: {  	_ =	strace $0x90000048  }
0xb5: {  	_ =	sfence  }
0xb6: {  	s30 =	sld [smem:$0x0];
	_ =	sdelay $0x2  }
0xb7: {  	s31 =	sshll.u32 s1, $0xD;
	s1 =	sshrl.u32 s1, $0x2  }
0xb8: {  	s3 =	sand.u32 $0x4000, s31;
	s1 =	sadd.s32 s1, s30  }
0xb9: {  	s0 =	sor.u32 s3, s0;
	s1 =	sshll.u32 s1, $0x11  }
0xba: {  	s0 =	sor.u32 s1, s0  }
0xbb: {  	s0 =	sadd.s32 $0x8F2B, s0  }
0xbc: {  	[sflag:s0] =	ssyncadd.remote.s32 $0x1  }
0xbd: {  	_ =	sfence.sel $0xFFFF  }
0xbe: {  	[dreg:$0x0] =	wrdreg $0xFFFFFFFF;
	(pc) =	sbr.abs _section_cstart, $3  }
0xbf: {  	[dreg:$0x1] =	wrdreg $0xFFFFFFFF  }
0xc0: {  	_ =	task.clear_ibuf [dreg:s6], $0x2FFFF;
	_ =	strace $0x9FFFFFFF  }
0xc1: {  	(tm) =	ssettm $0x7FFFFFFF  }
tec
execute0_lowered:
.L_overlay_start_1:
0x0: {  	(tag) =	ssettag $0x1  }
0x1: {  	s1 =	srdreg.scid  }
0x2: {  	s0 =	stileid.u32;
	s4 =	rddreg [dreg:$0x0];
	s2 =	simm.s32 $0x0  }
0x3: {  	s1 =	sand.u32 $0x1, s1;
	s3 =	sshll.u32 s0, $0xC;
	[smem:$0x7FF] =	sst s2  }
0x4: {  	s29 =	sadd.s32 $0x14400, s4;
	[dreg:$0xd] =	wrdreg s1;
	s5 =	sshll.u32 s1, $0xB  }
0x5: {  	s31 =	sadd.s32 $0x16400, s4;
	s30 =	sor.u32 s5, s3;
	_ =	strace $0x80000047  }
0x6: {  	s3 =	sshrl.u32 s30, $0x3;
	s5 =	sor.u32 $0x80, s30;
	s6 =	sshll.u32 s30, $0x4  }
0x7: {  	s7 =	sor.u32 $0x100, s30;
	s10 =	sor.u32 $0x200, s30;
	s3 =	sadd.s32 s29, s3  }
0x8: {  	s23 =	sshrl.u32 s5, $0x3;
	s24 =	sadd.s32 s31, s6;
	[dreg:$0x2] =	wrdreg s3  }
0x9: {  	s25 =	sshrl.u32 s7, $0x3;
	s3 =	sadd.s32 s29, s23;
	[dreg:$0x4] =	wrdreg s24  }
0xa: {  	s5 =	sshll.u32 s5, $0x4;
	s26 =	sadd.s32 s29, s25;
	[dreg:$0x3] =	wrdreg s3  }
0xb: {  	s9 =	sshll.u32 s7, $0x4;
	s0 =	sadd.s32 s31, s5;
	[dreg:$0x5] =	wrdreg s26  }
0xc: {  	s12 =	sshrl.u32 s10, $0x3;
	s11 =	sadd.s32 s31, s9;
	[dreg:$0x6] =	wrdreg s0  }
0xd: {  	s1 =	sor.u32 $0x180, s30;
	s13 =	sadd.s32 s29, s12;
	[dreg:$0x8] =	wrdreg s11  }
0xe: {  	s8 =	sshrl.u32 s1, $0x3;
	s16 =	sshll.u32 s10, $0x4;
	[dreg:$0x9] =	wrdreg s13  }
0xf: {  	s5 =	sshll.u32 s1, $0x4;
	s18 =	sadd.s32 s31, s16;
	s17 =	rddreg [dreg:$0x2]  }
0x10: {  	s3 =	sadd.s32 s29, s8;
	s11 =	sor.u32 $0x280, s30;
	[dreg:$0xc] =	wrdreg s18  }
0x11: {  	s14 =	sadd.s32 s31, s5;
	[dreg:$0x7] =	wrdreg s3;
	s15 =	sshrl.u32 s11, $0x3  }
0x12: {  	[tilespmem:s2], [sflag:$0x3] =	stream.linear.gather [hbm4b:s17+s2], $0x80, $0x38;
	[tilespmem:$0x8100] =	vst v63  }
0x13: {  	[dreg:$0xa] =	wrdreg s14;
	s3 =	sadd.s32 s29, s15  }
0x14: {  	[dreg:$0xb] =	wrdreg s3;
	s3 =	simm.s32 $0x3  }
0x15: {  	_ =	swait.ge [sflag:s3], $0x80  }
0x16: {  	s4 =	sadd.s32 $0x4400, s4;
	[sflag:s3] =	ssyncset.done $0x0  }
0x17: {  	s6 =	simm.s32 $0x100;
	s5 =	simm.s32 $0x80;
	[sflag:s3] =	ssyncadd.s32 $0xFFFFFF80  }
0x18: {  	[tilespmem:s6], [sflag:$0x1] =	stream.indirect.gather [hbm4b:s4+s5], $0x80, s2, s5, $0xb8;
	[tilespmem:$0x8100] =	vst v63  }
0x19: {  	s19 =	rddreg [dreg:$0x3]  }
0x1a: {  	[tilespmem:s5], [sflag:$0x3] =	stream.linear.gather [hbm4b:s19+s2], $0x80, $0x38;
	[tilespmem:$0x8100] =	vst v63  }
0x1b: {  	_ =	swait.ge [sflag:s3], $0x80  }
0x1c: {  	[sflag:s3] =	ssyncset.done $0x0  }
0x1d: {  	s7 =	simm.s32 $0x4100;
	s8 =	simm.s32 $0x1;
	[sflag:s3] =	ssyncadd.s32 $0xFFFFFF80  }
0x1e: {  	[tilespmem:s7], [sflag:$0x2] =	stream.indirect.gather [hbm4b:s4+s5], $0x80, s5, s5, $0xb8;
	[tilespmem:$0x8100] =	vst v63  }
0x1f: {  	_ =	swait.ge [sflag:s8], $0x4000  }
0x20: {  	[sflag:s8] =	ssyncset.done $0x0  }
0x21: {  	s9 =	rddreg [dreg:$0x4];
	[sflag:s8] =	ssyncadd.s32 $0xFFFFC000  }
0x22: {  	[hbm4b:s9+s2] =	stream.linear.scatter [tilespmem:s6], [sflag:$0x3], $0x4000, $0x38;
	[tilespmem:$0x8100] =	vst v63  }
0x23: {  	_ =	swait.ge [sflag:s3], $0x4000  }
0x24: {  	[sflag:s3] =	ssyncset.done $0x0  }
0x25: {  	s20 =	rddreg [dreg:$0x5];
	[sflag:s3] =	ssyncadd.s32 $0xFFFFC000  }
0x26: {  	[tilespmem:s2], [sflag:$0x3] =	stream.linear.gather [hbm4b:s20+s2], $0x80, $0x38;
	[tilespmem:$0x8100] =	vst v63  }
0x27: {  	_ =	swait.ge [sflag:s3], $0x80  }
0x28: {  	[sflag:s3] =	ssyncset.done $0x0  }
0x29: {  	s9 =	simm.s32 $0x2;
	[sflag:s3] =	ssyncadd.s32 $0xFFFFFF80  }
0x2a: {  	[tilespmem:s6], [sflag:$0x1] =	stream.indirect.gather [hbm4b:s4+s5], $0x80, s2, s5, $0xb8;
	[tilespmem:$0x8100] =	vst v63  }
0x2b: {  	_ =	swait.ge [sflag:s9], $0x4000  }
0x2c: {  	[sflag:s9] =	ssyncset.done $0x0  }
0x2d: {  	s10 =	rddreg [dreg:$0x6];
	[sflag:s9] =	ssyncadd.s32 $0xFFFFC000  }
0x2e: {  	[hbm4b:s10+s2] =	stream.linear.scatter [tilespmem:s7], [sflag:$0x3], $0x4000, $0x38;
	[tilespmem:$0x8100] =	vst v63  }
0x2f: {  	_ =	swait.ge [sflag:s3], $0x4000  }
0x30: {  	[sflag:s3] =	ssyncset.done $0x0  }
0x31: {  	s21 =	rddreg [dreg:$0x7];
	[sflag:s3] =	ssyncadd.s32 $0xFFFFC000  }
0x32: {  	[tilespmem:s5], [sflag:$0x3] =	stream.linear.gather [hbm4b:s21+s2], $0x80, $0x38;
	[tilespmem:$0x8100] =	vst v63  }
0x33: {  	_ =	swait.ge [sflag:s3], $0x80  }
0x34: {  	[sflag:s3] =	ssyncset.done $0x0  }
0x35: {  	[sflag:s3] =	ssyncadd.s32 $0xFFFFFF80  }
0x36: {  	[tilespmem:s7], [sflag:$0x2] =	stream.indirect.gather [hbm4b:s4+s5], $0x80, s5, s5, $0xb8;
	[tilespmem:$0x8100] =	vst v63  }
0x37: {  	_ =	swait.ge [sflag:s8], $0x4000  }
0x38: {  	[sflag:s8] =	ssyncset.done $0x0  }
0x39: {  	s22 =	rddreg [dreg:$0x8];
	[sflag:s8] =	ssyncadd.s32 $0xFFFFC000  }
0x3a: {  	[hbm4b:s22+s2] =	stream.linear.scatter [tilespmem:s6], [sflag:$0x3], $0x4000, $0x38;
	[tilespmem:$0x8100] =	vst v63  }
0x3b: {  	_ =	swait.ge [sflag:s3], $0x4000  }
0x3c: {  	[sflag:s3] =	ssyncset.done $0x0  }
0x3d: {  	s23 =	rddreg [dreg:$0x9];
	[sflag:s3] =	ssyncadd.s32 $0xFFFFC000  }
0x3e: {  	[tilespmem:s2], [sflag:$0x3] =	stream.linear.gather [hbm4b:s23+s2], $0x80, $0x38;
	[tilespmem:$0x8100] =	vst v63  }
0x3f: {  	_ =	swait.ge [sflag:s3], $0x80  }
0x40: {  	[sflag:s3] =	ssyncset.done $0x0  }
0x41: {  	[sflag:s3] =	ssyncadd.s32 $0xFFFFFF80  }
0x42: {  	[tilespmem:s6], [sflag:$0x1] =	stream.indirect.gather [hbm4b:s4+s5], $0x80, s2, s5, $0xb8;
	[tilespmem:$0x8100] =	vst v63  }
0x43: {  	_ =	swait.ge [sflag:s9], $0x4000  }
0x44: {  	[sflag:s9] =	ssyncset.done $0x0  }
0x45: {  	s24 =	rddreg [dreg:$0xa];
	[sflag:s9] =	ssyncadd.s32 $0xFFFFC000  }
0x46: {  	[hbm4b:s24+s2] =	stream.linear.scatter [tilespmem:s7], [sflag:$0x3], $0x4000, $0x38;
	[tilespmem:$0x8100] =	vst v63  }
0x47: {  	_ =	swait.ge [sflag:s3], $0x4000  }
0x48: {  	[sflag:s3] =	ssyncset.done $0x0  }
0x49: {  	s25 =	rddreg [dreg:$0xb];
	[sflag:s3] =	ssyncadd.s32 $0xFFFFC000  }
0x4a: {  	[tilespmem:s5], [sflag:$0x3] =	stream.linear.gather [hbm4b:s25+s2], $0x80, $0x38;
	[tilespmem:$0x8100] =	vst v63  }
0x4b: {  	_ =	swait.ge [sflag:s3], $0x80  }
0x4c: {  	[sflag:s3] =	ssyncset.done $0x0  }
0x4d: {  	[sflag:s3] =	ssyncadd.s32 $0xFFFFFF80  }
0x4e: {  	[tilespmem:s7], [sflag:$0x2] =	stream.indirect.gather [hbm4b:s4+s5], $0x80, s5, s5, $0xb8;
	[tilespmem:$0x8100] =	vst v63  }
0x4f: {  	_ =	swait.ge [sflag:s8], $0x4000  }
0x50: {  	[sflag:s8] =	ssyncset.done $0x0  }
0x51: {  	s26 =	rddreg [dreg:$0xc];
	[sflag:s8] =	ssyncadd.s32 $0xFFFFC000  }
0x52: {  	[hbm4b:s26+s2] =	stream.linear.scatter [tilespmem:s6], [sflag:$0x3], $0x4000, $0x38;
	[tilespmem:$0x8100] =	vst v63  }
0x53: {  	s13 =	sor.u32 $0x300, s30;
	_ =	swait.ge [sflag:s3], $0x4000  }
0x54: {  	s0 =	sshrl.u32 s13, $0x3;
	[sflag:s3] =	ssyncset.done $0x0  }
0x55: {  	s10 =	sadd.s32 s29, s0;
	[sflag:s3] =	ssyncadd.s32 $0xFFFFC000  }
0x56: {  	[tilespmem:s2], [sflag:$0x3] =	stream.linear.gather [hbm4b:s10+s2], $0x80, $0x38;
	[tilespmem:$0x8100] =	vst v63  }
0x57: {  	_ =	swait.ge [sflag:s3], $0x80  }
0x58: {  	[sflag:s3] =	ssyncset.done $0x0  }
0x59: {  	[sflag:s3] =	ssyncadd.s32 $0xFFFFFF80  }
0x5a: {  	[tilespmem:s6], [sflag:$0x1] =	stream.indirect.gather [hbm4b:s4+s5], $0x80, s2, s5, $0xb8;
	[tilespmem:$0x8100] =	vst v63  }
0x5b: {  	_ =	swait.ge [sflag:s9], $0x4000  }
0x5c: {  	s11 =	sshll.u32 s11, $0x4;
	[sflag:s9] =	ssyncset.done $0x0  }
0x5d: {  	s11 =	sadd.s32 s31, s11;
	[sflag:s9] =	ssyncadd.s32 $0xFFFFC000  }
0x5e: {  	[hbm4b:s11+s2] =	stream.linear.scatter [tilespmem:s7], [sflag:$0x3], $0x4000, $0x38;
	[tilespmem:$0x8100] =	vst v63  }
0x5f: {  	s15 =	sor.u32 $0x380, s30;
	_ =	swait.ge [sflag:s3], $0x4000  }
0x60: {  	s12 =	sshrl.u32 s15, $0x3;
	[sflag:s3] =	ssyncset.done $0x0  }
0x61: {  	s12 =	sadd.s32 s29, s12;
	[sflag:s3] =	ssyncadd.s32 $0xFFFFC000  }
0x62: {  	[tilespmem:s5], [sflag:$0x3] =	stream.linear.gather [hbm4b:s12+s2], $0x80, $0x38;
	[tilespmem:$0x8100] =	vst v63  }
0x63: {  	_ =	swait.ge [sflag:s3], $0x80  }
0x64: {  	[sflag:s3] =	ssyncset.done $0x0  }
0x65: {  	[sflag:s3] =	ssyncadd.s32 $0xFFFFFF80  }
0x66: {  	[tilespmem:s7], [sflag:$0x2] =	stream.indirect.gather [hbm4b:s4+s5], $0x80, s5, s5, $0xb8;
	[tilespmem:$0x8100] =	vst v63  }
0x67: {  	_ =	swait.ge [sflag:s8], $0x4000  }
0x68: {  	s13 =	sshll.u32 s13, $0x4;
	[sflag:s8] =	ssyncset.done $0x0  }
0x69: {  	s13 =	sadd.s32 s31, s13;
	[sflag:s8] =	ssyncadd.s32 $0xFFFFC000  }
0x6a: {  	[hbm4b:s13+s2] =	stream.linear.scatter [tilespmem:s6], [sflag:$0x3], $0x4000, $0x38;
	[tilespmem:$0x8100] =	vst v63  }
0x6b: {  	s17 =	sor.u32 $0x400, s30;
	_ =	swait.ge [sflag:s3], $0x4000  }
0x6c: {  	s14 =	sshrl.u32 s17, $0x3;
	[sflag:s3] =	ssyncset.done $0x0  }
0x6d: {  	s14 =	sadd.s32 s29, s14;
	[sflag:s3] =	ssyncadd.s32 $0xFFFFC000  }
0x6e: {  	[tilespmem:s2], [sflag:$0x3] =	stream.linear.gather [hbm4b:s14+s2], $0x80, $0x38;
	[tilespmem:$0x8100] =	vst v63  }
0x6f: {  	_ =	swait.ge [sflag:s3], $0x80  }
0x70: {  	[sflag:s3] =	ssyncset.done $0x0  }
0x71: {  	[sflag:s3] =	ssyncadd.s32 $0xFFFFFF80  }
0x72: {  	[tilespmem:s6], [sflag:$0x1] =	stream.indirect.gather [hbm4b:s4+s5], $0x80, s2, s5, $0xb8;
	[tilespmem:$0x8100] =	vst v63  }
0x73: {  	_ =	swait.ge [sflag:s9], $0x4000  }
0x74: {  	s15 =	sshll.u32 s15, $0x4;
	[sflag:s9] =	ssyncset.done $0x0  }
0x75: {  	s15 =	sadd.s32 s31, s15;
	[sflag:s9] =	ssyncadd.s32 $0xFFFFC000  }
0x76: {  	[hbm4b:s15+s2] =	stream.linear.scatter [tilespmem:s7], [sflag:$0x3], $0x4000, $0x38;
	[tilespmem:$0x8100] =	vst v63  }
0x77: {  	s19 =	sor.u32 $0x480, s30;
	_ =	swait.ge [sflag:s3], $0x4000  }
0x78: {  	s16 =	sshrl.u32 s19, $0x3;
	[sflag:s3] =	ssyncset.done $0x0  }
0x79: {  	s16 =	sadd.s32 s29, s16;
	[sflag:s3] =	ssyncadd.s32 $0xFFFFC000  }
0x7a: {  	[tilespmem:s5], [sflag:$0x3] =	stream.linear.gather [hbm4b:s16+s2], $0x80, $0x38;
	[tilespmem:$0x8100] =	vst v63  }
0x7b: {  	_ =	swait.ge [sflag:s3], $0x80  }
0x7c: {  	[sflag:s3] =	ssyncset.done $0x0  }
0x7d: {  	[sflag:s3] =	ssyncadd.s32 $0xFFFFFF80  }
0x7e: {  	[tilespmem:s7], [sflag:$0x2] =	stream.indirect.gather [hbm4b:s4+s5], $0x80, s5, s5, $0xb8;
	[tilespmem:$0x8100] =	vst v63  }
0x7f: {  	_ =	swait.ge [sflag:s8], $0x4000  }
0x80: {  	s17 =	sshll.u32 s17, $0x4;
	[sflag:s8] =	ssyncset.done $0x0  }
0x81: {  	s17 =	sadd.s32 s31, s17;
	[sflag:s8] =	ssyncadd.s32 $0xFFFFC000  }
0x82: {  	[hbm4b:s17+s2] =	stream.linear.scatter [tilespmem:s6], [sflag:$0x3], $0x4000, $0x38;
	[tilespmem:$0x8100] =	vst v63  }
0x83: {  	s21 =	sor.u32 $0x500, s30;
	_ =	swait.ge [sflag:s3], $0x4000  }
0x84: {  	s18 =	sshrl.u32 s21, $0x3;
	[sflag:s3] =	ssyncset.done $0x0  }
0x85: {  	s18 =	sadd.s32 s29, s18;
	[sflag:s3] =	ssyncadd.s32 $0xFFFFC000  }
0x86: {  	[tilespmem:s2], [sflag:$0x3] =	stream.linear.gather [hbm4b:s18+s2], $0x80, $0x38;
	[tilespmem:$0x8100] =	vst v63  }
0x87: {  	_ =	swait.ge [sflag:s3], $0x80  }
0x88: {  	[sflag:s3] =	ssyncset.done $0x0  }
0x89: {  	[sflag:s3] =	ssyncadd.s32 $0xFFFFFF80  }
0x8a: {  	[tilespmem:s6], [sflag:$0x1] =	stream.indirect.gather [hbm4b:s4+s5], $0x80, s2, s5, $0xb8;
	[tilespmem:$0x8100] =	vst v63  }
0x8b: {  	_ =	swait.ge [sflag:s9], $0x4000  }
0x8c: {  	s19 =	sshll.u32 s19, $0x4;
	[sflag:s9] =	ssyncset.done $0x0  }
0x8d: {  	s19 =	sadd.s32 s31, s19;
	[sflag:s9] =	ssyncadd.s32 $0xFFFFC000  }
0x8e: {  	[hbm4b:s19+s2] =	stream.linear.scatter [tilespmem:s7], [sflag:$0x3], $0x4000, $0x38;
	[tilespmem:$0x8100] =	vst v63  }
0x8f: {  	s23 =	sor.u32 $0x580, s30;
	_ =	swait.ge [sflag:s3], $0x4000  }
0x90: {  	s20 =	sshrl.u32 s23, $0x3;
	[sflag:s3] =	ssyncset.done $0x0  }
0x91: {  	s20 =	sadd.s32 s29, s20;
	[sflag:s3] =	ssyncadd.s32 $0xFFFFC000  }
0x92: {  	[tilespmem:s5], [sflag:$0x3] =	stream.linear.gather [hbm4b:s20+s2], $0x80, $0x38;
	[tilespmem:$0x8100] =	vst v63  }
0x93: {  	_ =	swait.ge [sflag:s3], $0x80  }
0x94: {  	[sflag:s3] =	ssyncset.done $0x0  }
0x95: {  	[sflag:s3] =	ssyncadd.s32 $0xFFFFFF80  }
0x96: {  	[tilespmem:s7], [sflag:$0x2] =	stream.indirect.gather [hbm4b:s4+s5], $0x80, s5, s5, $0xb8;
	[tilespmem:$0x8100] =	vst v63  }
0x97: {  	_ =	swait.ge [sflag:s8], $0x4000  }
0x98: {  	s21 =	sshll.u32 s21, $0x4;
	[sflag:s8] =	ssyncset.done $0x0  }
0x99: {  	s21 =	sadd.s32 s31, s21;
	[sflag:s8] =	ssyncadd.s32 $0xFFFFC000  }
0x9a: {  	[hbm4b:s21+s2] =	stream.linear.scatter [tilespmem:s6], [sflag:$0x3], $0x4000, $0x38;
	[tilespmem:$0x8100] =	vst v63  }
0x9b: {  	s25 =	sor.u32 $0x600, s30;
	_ =	swait.ge [sflag:s3], $0x4000  }
0x9c: {  	s22 =	sshrl.u32 s25, $0x3;
	[sflag:s3] =	ssyncset.done $0x0  }
0x9d: {  	s22 =	sadd.s32 s29, s22;
	[sflag:s3] =	ssyncadd.s32 $0xFFFFC000  }
0x9e: {  	[tilespmem:s2], [sflag:$0x3] =	stream.linear.gather [hbm4b:s22+s2], $0x80, $0x38;
	[tilespmem:$0x8100] =	vst v63  }
0x9f: {  	_ =	swait.ge [sflag:s3], $0x80  }
0xa0: {  	[sflag:s3] =	ssyncset.done $0x0  }
0xa1: {  	[sflag:s3] =	ssyncadd.s32 $0xFFFFFF80  }
0xa2: {  	[tilespmem:s6], [sflag:$0x1] =	stream.indirect.gather [hbm4b:s4+s5], $0x80, s2, s5, $0xb8;
	[tilespmem:$0x8100] =	vst v63  }
0xa3: {  	_ =	swait.ge [sflag:s9], $0x4000  }
0xa4: {  	s23 =	sshll.u32 s23, $0x4;
	[sflag:s9] =	ssyncset.done $0x0  }
0xa5: {  	s23 =	sadd.s32 s31, s23;
	[sflag:s9] =	ssyncadd.s32 $0xFFFFC000  }
0xa6: {  	[hbm4b:s23+s2] =	stream.linear.scatter [tilespmem:s7], [sflag:$0x3], $0x4000, $0x38;
	[tilespmem:$0x8100] =	vst v63  }
0xa7: {  	s28 =	sor.u32 $0x680, s30;
	_ =	swait.ge [sflag:s3], $0x4000  }
0xa8: {  	s24 =	sshrl.u32 s28, $0x3;
	[sflag:s3] =	ssyncset.done $0x0  }
0xa9: {  	s24 =	sadd.s32 s29, s24;
	[sflag:s3] =	ssyncadd.s32 $0xFFFFC000  }
0xaa: {  	[tilespmem:s5], [sflag:$0x3] =	stream.linear.gather [hbm4b:s24+s2], $0x80, $0x38;
	[tilespmem:$0x8100] =	vst v63  }
0xab: {  	_ =	swait.ge [sflag:s3], $0x80  }
0xac: {  	[sflag:s3] =	ssyncset.done $0x0  }
0xad: {  	[sflag:s3] =	ssyncadd.s32 $0xFFFFFF80  }
0xae: {  	[tilespmem:s7], [sflag:$0x2] =	stream.indirect.gather [hbm4b:s4+s5], $0x80, s5, s5, $0xb8;
	[tilespmem:$0x8100] =	vst v63  }
0xaf: {  	_ =	swait.ge [sflag:s8], $0x4000  }
0xb0: {  	s25 =	sshll.u32 s25, $0x4;
	[sflag:s8] =	ssyncset.done $0x0  }
0xb1: {  	s25 =	sadd.s32 s31, s25;
	[sflag:s8] =	ssyncadd.s32 $0xFFFFC000  }
0xb2: {  	[hbm4b:s25+s2] =	stream.linear.scatter [tilespmem:s6], [sflag:$0x3], $0x4000, $0x38;
	[tilespmem:$0x8100] =	vst v63  }
0xb3: {  	s1 =	sor.u32 $0x700, s30;
	_ =	swait.ge [sflag:s3], $0x4000  }
0xb4: {  	s26 =	sshrl.u32 s1, $0x3;
	[sflag:s3] =	ssyncset.done $0x0  }
0xb5: {  	s26 =	sadd.s32 s29, s26;
	[sflag:s3] =	ssyncadd.s32 $0xFFFFC000  }
0xb6: {  	[tilespmem:s2], [sflag:$0x3] =	stream.linear.gather [hbm4b:s26+s2], $0x80, $0x38;
	[tilespmem:$0x8100] =	vst v63  }
0xb7: {  	_ =	swait.ge [sflag:s3], $0x80  }
0xb8: {  	[sflag:s3] =	ssyncset.done $0x0  }
0xb9: {  	[sflag:s3] =	ssyncadd.s32 $0xFFFFFF80  }
0xba: {  	[tilespmem:s6], [sflag:$0x1] =	stream.indirect.gather [hbm4b:s4+s5], $0x80, s2, s5, $0xb8;
	[tilespmem:$0x8100] =	vst v63  }
0xbb: {  	_ =	swait.ge [sflag:s9], $0x4000  }
0xbc: {  	s28 =	sshll.u32 s28, $0x4;
	[sflag:s9] =	ssyncset.done $0x0  }
0xbd: {  	s28 =	sadd.s32 s31, s28;
	[dreg:$0xe] =	wrdreg s31;
	[sflag:s9] =	ssyncadd.s32 $0xFFFFC000  }
0xbe: {  	[hbm4b:s28+s2] =	stream.linear.scatter [tilespmem:s7], [sflag:$0x3], $0x4000, $0x38;
	[tilespmem:$0x8100] =	vst v63  }
0xbf: {  	s0 =	sor.u32 $0x780, s30;
	_ =	swait.ge [sflag:s3], $0x4000  }
0xc0: {  	s30 =	sshrl.u32 s0, $0x3;
	[sflag:s3] =	ssyncset.done $0x0  }
0xc1: {  	s29 =	sadd.s32 s29, s30;
	[sflag:s3] =	ssyncadd.s32 $0xFFFFC000  }
0xc2: {  	[tilespmem:s5], [sflag:$0x3] =	stream.linear.gather [hbm4b:s29+s2], $0x80, $0x38;
	[tilespmem:$0x8100] =	vst v63  }
0xc3: {  	_ =	swait.ge [sflag:s3], $0x80  }
0xc4: {  	[sflag:s3] =	ssyncset.done $0x0  }
0xc5: {  	[sflag:s3] =	ssyncadd.s32 $0xFFFFFF80  }
0xc6: {  	[tilespmem:s7], [sflag:$0x2] =	stream.indirect.gather [hbm4b:s4+s5], $0x80, s5, s5, $0xb8;
	[tilespmem:$0x8100] =	vst v63  }
0xc7: {  	_ =	swait.ge [sflag:s8], $0x4000  }
0xc8: {  	s1 =	sshll.u32 s1, $0x4;
	[sflag:s8] =	ssyncset.done $0x0  }
0xc9: {  	s30 =	sadd.s32 s31, s1;
	[sflag:s8] =	ssyncadd.s32 $0xFFFFC000  }
0xca: {  	[hbm4b:s30+s2] =	stream.linear.scatter [tilespmem:s6], [sflag:$0x3], $0x4000, $0x38;
	[tilespmem:$0x8100] =	vst v63  }
0xcb: {  	_ =	swait.ge [sflag:s3], $0x4000  }
0xcc: {  	s1 =	rddreg [dreg:$0xd]  }
0xcd: {  	s1 =	ssub.s32 $0x2, s1  }
0xce: {  	s31 =	sshrl.u32 s1, $0x1  }
0xcf: {  	s1 =	ssub.s32 s1, s31  }
0xd0: {  	[sflag:s3] =	ssyncset.done $0x0;
	s1 =	smax.u32 s1, $0x1  }
0xd1: {  	[sflag:s3] =	ssyncadd.s32 $0xFFFFC000;
	p0 =	sne.s32 s1, $0x1  }
.Ltmp0:
0xd2: {  	_ =	swait.ge [sflag:s9], $0x4000;
	(pc) =	sbr.rel @!p0 .LBB2_2-.Ltmp0, $4  }
0xd3: {  	s0 =	sshll.u32 s0, $0x4;
	[sflag:s9] =	ssyncset.done $0x0;
	s31 =	rddreg [dreg:$0xe]  }
0xd4: {  	s31 =	sadd.s32 s31, s0;
	[sflag:s9] =	ssyncadd.s32 $0xFFFFC000  }
0xd5: {  	[hbm4b:s31+s2] =	stream.linear.scatter [tilespmem:s7], [sflag:$0x3], $0x4000, $0x38;
	[tilespmem:$0x8100] =	vst v63  }
0xd6: {  	s1 =	sadd.s32 $0xFFFFFFFF, s1;
	_ =	swait.ge [sflag:s3], $0x4000  }
.LBB2_1:
0xd7: {  	[sflag:s3] =	ssyncset.done $0x0  }
0xd8: {  	s0 =	rddreg [dreg:$0x2];
	[sflag:s3] =	ssyncadd.s32 $0xFFFFC000  }
0xd9: {  	[tilespmem:s2], [sflag:$0x3] =	stream.linear.gather [hbm4b:s0+s2], $0x80, $0x38;
	[tilespmem:$0x8100] =	vst v63  }
0xda: {  	_ =	swait.ge [sflag:s3], $0x80  }
0xdb: {  	[sflag:s3] =	ssyncset.done $0x0  }
0xdc: {  	[sflag:s3] =	ssyncadd.s32 $0xFFFFFF80  }
0xdd: {  	[tilespmem:s6], [sflag:$0x1] =	stream.indirect.gather [hbm4b:s4+s5], $0x80, s2, s5, $0xb8;
	[tilespmem:$0x8100] =	vst v63  }
0xde: {  	s0 =	rddreg [dreg:$0x3]  }
0xdf: {  	[tilespmem:s5], [sflag:$0x3] =	stream.linear.gather [hbm4b:s0+s2], $0x80, $0x38;
	[tilespmem:$0x8100] =	vst v63  }
0xe0: {  	_ =	swait.ge [sflag:s3], $0x80  }
0xe1: {  	[sflag:s3] =	ssyncset.done $0x0  }
0xe2: {  	[sflag:s3] =	ssyncadd.s32 $0xFFFFFF80  }
0xe3: {  	[tilespmem:s7], [sflag:$0x2] =	stream.indirect.gather [hbm4b:s4+s5], $0x80, s5, s5, $0xb8;
	[tilespmem:$0x8100] =	vst v63  }
0xe4: {  	_ =	swait.ge [sflag:s8], $0x4000  }
0xe5: {  	[sflag:s8] =	ssyncset.done $0x0  }
0xe6: {  	s0 =	rddreg [dreg:$0x4];
	[sflag:s8] =	ssyncadd.s32 $0xFFFFC000  }
0xe7: {  	[hbm4b:s0+s2] =	stream.linear.scatter [tilespmem:s6], [sflag:$0x3], $0x4000, $0x38;
	[tilespmem:$0x8100] =	vst v63  }
0xe8: {  	_ =	swait.ge [sflag:s3], $0x4000  }
0xe9: {  	[sflag:s3] =	ssyncset.done $0x0  }
0xea: {  	s0 =	rddreg [dreg:$0x5];
	[sflag:s3] =	ssyncadd.s32 $0xFFFFC000  }
0xeb: {  	[tilespmem:s2], [sflag:$0x3] =	stream.linear.gather [hbm4b:s0+s2], $0x80, $0x38;
	[tilespmem:$0x8100] =	vst v63  }
0xec: {  	_ =	swait.ge [sflag:s3], $0x80  }
0xed: {  	[sflag:s3] =	ssyncset.done $0x0  }
0xee: {  	[sflag:s3] =	ssyncadd.s32 $0xFFFFFF80  }
0xef: {  	[tilespmem:s6], [sflag:$0x1] =	stream.indirect.gather [hbm4b:s4+s5], $0x80, s2, s5, $0xb8;
	[tilespmem:$0x8100] =	vst v63  }
0xf0: {  	_ =	swait.ge [sflag:s9], $0x4000  }
0xf1: {  	[sflag:s9] =	ssyncset.done $0x0  }
0xf2: {  	s0 =	rddreg [dreg:$0x6];
	[sflag:s9] =	ssyncadd.s32 $0xFFFFC000  }
0xf3: {  	[hbm4b:s0+s2] =	stream.linear.scatter [tilespmem:s7], [sflag:$0x3], $0x4000, $0x38;
	[tilespmem:$0x8100] =	vst v63  }
0xf4: {  	_ =	swait.ge [sflag:s3], $0x4000  }
0xf5: {  	[sflag:s3] =	ssyncset.done $0x0  }
0xf6: {  	s0 =	rddreg [dreg:$0x7];
	[sflag:s3] =	ssyncadd.s32 $0xFFFFC000  }
0xf7: {  	[tilespmem:s5], [sflag:$0x3] =	stream.linear.gather [hbm4b:s0+s2], $0x80, $0x38;
	[tilespmem:$0x8100] =	vst v63  }
0xf8: {  	_ =	swait.ge [sflag:s3], $0x80  }
0xf9: {  	[sflag:s3] =	ssyncset.done $0x0  }
0xfa: {  	[sflag:s3] =	ssyncadd.s32 $0xFFFFFF80  }
0xfb: {  	[tilespmem:s7], [sflag:$0x2] =	stream.indirect.gather [hbm4b:s4+s5], $0x80, s5, s5, $0xb8;
	[tilespmem:$0x8100] =	vst v63  }
0xfc: {  	_ =	swait.ge [sflag:s8], $0x4000  }
0xfd: {  	[sflag:s8] =	ssyncset.done $0x0  }
0xfe: {  	s0 =	rddreg [dreg:$0x8];
	[sflag:s8] =	ssyncadd.s32 $0xFFFFC000  }
0xff: {  	[hbm4b:s0+s2] =	stream.linear.scatter [tilespmem:s6], [sflag:$0x3], $0x4000, $0x38;
	[tilespmem:$0x8100] =	vst v63  }
0x100: {  	_ =	swait.ge [sflag:s3], $0x4000  }
0x101: {  	[sflag:s3] =	ssyncset.done $0x0  }
0x102: {  	s0 =	rddreg [dreg:$0x9];
	[sflag:s3] =	ssyncadd.s32 $0xFFFFC000  }
0x103: {  	[tilespmem:s2], [sflag:$0x3] =	stream.linear.gather [hbm4b:s0+s2], $0x80, $0x38;
	[tilespmem:$0x8100] =	vst v63  }
0x104: {  	_ =	swait.ge [sflag:s3], $0x80  }
0x105: {  	[sflag:s3] =	ssyncset.done $0x0  }
0x106: {  	[sflag:s3] =	ssyncadd.s32 $0xFFFFFF80  }
0x107: {  	[tilespmem:s6], [sflag:$0x1] =	stream.indirect.gather [hbm4b:s4+s5], $0x80, s2, s5, $0xb8;
	[tilespmem:$0x8100] =	vst v63  }
0x108: {  	_ =	swait.ge [sflag:s9], $0x4000  }
0x109: {  	[sflag:s9] =	ssyncset.done $0x0  }
0x10a: {  	s0 =	rddreg [dreg:$0xa];
	[sflag:s9] =	ssyncadd.s32 $0xFFFFC000  }
0x10b: {  	[hbm4b:s0+s2] =	stream.linear.scatter [tilespmem:s7], [sflag:$0x3], $0x4000, $0x38;
	[tilespmem:$0x8100] =	vst v63  }
0x10c: {  	_ =	swait.ge [sflag:s3], $0x4000  }
0x10d: {  	[sflag:s3] =	ssyncset.done $0x0  }
0x10e: {  	s0 =	rddreg [dreg:$0xb];
	[sflag:s3] =	ssyncadd.s32 $0xFFFFC000  }
0x10f: {  	[tilespmem:s5], [sflag:$0x3] =	stream.linear.gather [hbm4b:s0+s2], $0x80, $0x38;
	[tilespmem:$0x8100] =	vst v63  }
0x110: {  	_ =	swait.ge [sflag:s3], $0x80  }
0x111: {  	[sflag:s3] =	ssyncset.done $0x0  }
0x112: {  	[sflag:s3] =	ssyncadd.s32 $0xFFFFFF80  }
0x113: {  	[tilespmem:s7], [sflag:$0x2] =	stream.indirect.gather [hbm4b:s4+s5], $0x80, s5, s5, $0xb8;
	[tilespmem:$0x8100] =	vst v63  }
0x114: {  	_ =	swait.ge [sflag:s8], $0x4000  }
0x115: {  	[sflag:s8] =	ssyncset.done $0x0  }
0x116: {  	s0 =	rddreg [dreg:$0xc];
	[sflag:s8] =	ssyncadd.s32 $0xFFFFC000  }
0x117: {  	[hbm4b:s0+s2] =	stream.linear.scatter [tilespmem:s6], [sflag:$0x3], $0x4000, $0x38;
	[tilespmem:$0x8100] =	vst v63  }
0x118: {  	_ =	swait.ge [sflag:s3], $0x4000  }
0x119: {  	[sflag:s3] =	ssyncset.done $0x0  }
0x11a: {  	[sflag:s3] =	ssyncadd.s32 $0xFFFFC000  }
0x11b: {  	[tilespmem:s2], [sflag:$0x3] =	stream.linear.gather [hbm4b:s10+s2], $0x80, $0x38;
	[tilespmem:$0x8100] =	vst v63  }
0x11c: {  	_ =	swait.ge [sflag:s3], $0x80  }
0x11d: {  	[sflag:s3] =	ssyncset.done $0x0  }
0x11e: {  	[sflag:s3] =	ssyncadd.s32 $0xFFFFFF80  }
0x11f: {  	[tilespmem:s6], [sflag:$0x1] =	stream.indirect.gather [hbm4b:s4+s5], $0x80, s2, s5, $0xb8;
	[tilespmem:$0x8100] =	vst v63  }
0x120: {  	_ =	swait.ge [sflag:s9], $0x4000  }
0x121: {  	[sflag:s9] =	ssyncset.done $0x0  }
0x122: {  	[sflag:s9] =	ssyncadd.s32 $0xFFFFC000  }
0x123: {  	[hbm4b:s11+s2] =	stream.linear.scatter [tilespmem:s7], [sflag:$0x3], $0x4000, $0x38;
	[tilespmem:$0x8100] =	vst v63  }
0x124: {  	_ =	swait.ge [sflag:s3], $0x4000  }
0x125: {  	[sflag:s3] =	ssyncset.done $0x0  }
0x126: {  	[sflag:s3] =	ssyncadd.s32 $0xFFFFC000  }
0x127: {  	[tilespmem:s5], [sflag:$0x3] =	stream.linear.gather [hbm4b:s12+s2], $0x80, $0x38;
	[tilespmem:$0x8100] =	vst v63  }
0x128: {  	_ =	swait.ge [sflag:s3], $0x80  }
0x129: {  	[sflag:s3] =	ssyncset.done $0x0  }
0x12a: {  	[sflag:s3] =	ssyncadd.s32 $0xFFFFFF80  }
0x12b: {  	[tilespmem:s7], [sflag:$0x2] =	stream.indirect.gather [hbm4b:s4+s5], $0x80, s5, s5, $0xb8;
	[tilespmem:$0x8100] =	vst v63  }
0x12c: {  	_ =	swait.ge [sflag:s8], $0x4000  }
0x12d: {  	[sflag:s8] =	ssyncset.done $0x0  }
0x12e: {  	[sflag:s8] =	ssyncadd.s32 $0xFFFFC000  }
0x12f: {  	[hbm4b:s13+s2] =	stream.linear.scatter [tilespmem:s6], [sflag:$0x3], $0x4000, $0x38;
	[tilespmem:$0x8100] =	vst v63  }
0x130: {  	_ =	swait.ge [sflag:s3], $0x4000  }
0x131: {  	[sflag:s3] =	ssyncset.done $0x0  }
0x132: {  	[sflag:s3] =	ssyncadd.s32 $0xFFFFC000  }
0x133: {  	[tilespmem:s2], [sflag:$0x3] =	stream.linear.gather [hbm4b:s14+s2], $0x80, $0x38;
	[tilespmem:$0x8100] =	vst v63  }
0x134: {  	_ =	swait.ge [sflag:s3], $0x80  }
0x135: {  	[sflag:s3] =	ssyncset.done $0x0  }
0x136: {  	[sflag:s3] =	ssyncadd.s32 $0xFFFFFF80  }
0x137: {  	[tilespmem:s6], [sflag:$0x1] =	stream.indirect.gather [hbm4b:s4+s5], $0x80, s2, s5, $0xb8;
	[tilespmem:$0x8100] =	vst v63  }
0x138: {  	_ =	swait.ge [sflag:s9], $0x4000  }
0x139: {  	[sflag:s9] =	ssyncset.done $0x0  }
0x13a: {  	[sflag:s9] =	ssyncadd.s32 $0xFFFFC000  }
0x13b: {  	[hbm4b:s15+s2] =	stream.linear.scatter [tilespmem:s7], [sflag:$0x3], $0x4000, $0x38;
	[tilespmem:$0x8100] =	vst v63  }
0x13c: {  	_ =	swait.ge [sflag:s3], $0x4000  }
0x13d: {  	[sflag:s3] =	ssyncset.done $0x0  }
0x13e: {  	[sflag:s3] =	ssyncadd.s32 $0xFFFFC000  }
0x13f: {  	[tilespmem:s5], [sflag:$0x3] =	stream.linear.gather [hbm4b:s16+s2], $0x80, $0x38;
	[tilespmem:$0x8100] =	vst v63  }
0x140: {  	_ =	swait.ge [sflag:s3], $0x80  }
0x141: {  	[sflag:s3] =	ssyncset.done $0x0  }
0x142: {  	[sflag:s3] =	ssyncadd.s32 $0xFFFFFF80  }
0x143: {  	[tilespmem:s7], [sflag:$0x2] =	stream.indirect.gather [hbm4b:s4+s5], $0x80, s5, s5, $0xb8;
	[tilespmem:$0x8100] =	vst v63  }
0x144: {  	_ =	swait.ge [sflag:s8], $0x4000  }
0x145: {  	[sflag:s8] =	ssyncset.done $0x0  }
0x146: {  	[sflag:s8] =	ssyncadd.s32 $0xFFFFC000  }
0x147: {  	[hbm4b:s17+s2] =	stream.linear.scatter [tilespmem:s6], [sflag:$0x3], $0x4000, $0x38;
	[tilespmem:$0x8100] =	vst v63  }
0x148: {  	_ =	swait.ge [sflag:s3], $0x4000  }
0x149: {  	[sflag:s3] =	ssyncset.done $0x0  }
0x14a: {  	[sflag:s3] =	ssyncadd.s32 $0xFFFFC000  }
0x14b: {  	[tilespmem:s2], [sflag:$0x3] =	stream.linear.gather [hbm4b:s18+s2], $0x80, $0x38;
	[tilespmem:$0x8100] =	vst v63  }
0x14c: {  	_ =	swait.ge [sflag:s3], $0x80  }
0x14d: {  	[sflag:s3] =	ssyncset.done $0x0  }
0x14e: {  	[sflag:s3] =	ssyncadd.s32 $0xFFFFFF80  }
0x14f: {  	[tilespmem:s6], [sflag:$0x1] =	stream.indirect.gather [hbm4b:s4+s5], $0x80, s2, s5, $0xb8;
	[tilespmem:$0x8100] =	vst v63  }
0x150: {  	_ =	swait.ge [sflag:s9], $0x4000  }
0x151: {  	[sflag:s9] =	ssyncset.done $0x0  }
0x152: {  	[sflag:s9] =	ssyncadd.s32 $0xFFFFC000  }
0x153: {  	[hbm4b:s19+s2] =	stream.linear.scatter [tilespmem:s7], [sflag:$0x3], $0x4000, $0x38;
	[tilespmem:$0x8100] =	vst v63  }
0x154: {  	_ =	swait.ge [sflag:s3], $0x4000  }
0x155: {  	[sflag:s3] =	ssyncset.done $0x0  }
0x156: {  	[sflag:s3] =	ssyncadd.s32 $0xFFFFC000  }
0x157: {  	[tilespmem:s5], [sflag:$0x3] =	stream.linear.gather [hbm4b:s20+s2], $0x80, $0x38;
	[tilespmem:$0x8100] =	vst v63  }
0x158: {  	_ =	swait.ge [sflag:s3], $0x80  }
0x159: {  	[sflag:s3] =	ssyncset.done $0x0  }
0x15a: {  	[sflag:s3] =	ssyncadd.s32 $0xFFFFFF80  }
0x15b: {  	[tilespmem:s7], [sflag:$0x2] =	stream.indirect.gather [hbm4b:s4+s5], $0x80, s5, s5, $0xb8;
	[tilespmem:$0x8100] =	vst v63  }
0x15c: {  	_ =	swait.ge [sflag:s8], $0x4000  }
0x15d: {  	[sflag:s8] =	ssyncset.done $0x0  }
0x15e: {  	[sflag:s8] =	ssyncadd.s32 $0xFFFFC000  }
0x15f: {  	[hbm4b:s21+s2] =	stream.linear.scatter [tilespmem:s6], [sflag:$0x3], $0x4000, $0x38;
	[tilespmem:$0x8100] =	vst v63  }
0x160: {  	_ =	swait.ge [sflag:s3], $0x4000  }
0x161: {  	[sflag:s3] =	ssyncset.done $0x0  }
0x162: {  	[sflag:s3] =	ssyncadd.s32 $0xFFFFC000  }
0x163: {  	[tilespmem:s2], [sflag:$0x3] =	stream.linear.gather [hbm4b:s22+s2], $0x80, $0x38;
	[tilespmem:$0x8100] =	vst v63  }
0x164: {  	_ =	swait.ge [sflag:s3], $0x80  }
0x165: {  	[sflag:s3] =	ssyncset.done $0x0  }
0x166: {  	[sflag:s3] =	ssyncadd.s32 $0xFFFFFF80  }
0x167: {  	[tilespmem:s6], [sflag:$0x1] =	stream.indirect.gather [hbm4b:s4+s5], $0x80, s2, s5, $0xb8;
	[tilespmem:$0x8100] =	vst v63  }
0x168: {  	_ =	swait.ge [sflag:s9], $0x4000  }
0x169: {  	[sflag:s9] =	ssyncset.done $0x0  }
0x16a: {  	[sflag:s9] =	ssyncadd.s32 $0xFFFFC000  }
0x16b: {  	[hbm4b:s23+s2] =	stream.linear.scatter [tilespmem:s7], [sflag:$0x3], $0x4000, $0x38;
	[tilespmem:$0x8100] =	vst v63  }
0x16c: {  	_ =	swait.ge [sflag:s3], $0x4000  }
0x16d: {  	[sflag:s3] =	ssyncset.done $0x0  }
0x16e: {  	[sflag:s3] =	ssyncadd.s32 $0xFFFFC000  }
0x16f: {  	[tilespmem:s5], [sflag:$0x3] =	stream.linear.gather [hbm4b:s24+s2], $0x80, $0x38;
	[tilespmem:$0x8100] =	vst v63  }
0x170: {  	_ =	swait.ge [sflag:s3], $0x80  }
0x171: {  	[sflag:s3] =	ssyncset.done $0x0  }
0x172: {  	[sflag:s3] =	ssyncadd.s32 $0xFFFFFF80  }
0x173: {  	[tilespmem:s7], [sflag:$0x2] =	stream.indirect.gather [hbm4b:s4+s5], $0x80, s5, s5, $0xb8;
	[tilespmem:$0x8100] =	vst v63  }
0x174: {  	_ =	swait.ge [sflag:s8], $0x4000  }
0x175: {  	[sflag:s8] =	ssyncset.done $0x0  }
0x176: {  	[sflag:s8] =	ssyncadd.s32 $0xFFFFC000  }
0x177: {  	[hbm4b:s25+s2] =	stream.linear.scatter [tilespmem:s6], [sflag:$0x3], $0x4000, $0x38;
	[tilespmem:$0x8100] =	vst v63  }
0x178: {  	_ =	swait.ge [sflag:s3], $0x4000  }
0x179: {  	[sflag:s3] =	ssyncset.done $0x0  }
0x17a: {  	[sflag:s3] =	ssyncadd.s32 $0xFFFFC000  }
0x17b: {  	[tilespmem:s2], [sflag:$0x3] =	stream.linear.gather [hbm4b:s26+s2], $0x80, $0x38;
	[tilespmem:$0x8100] =	vst v63  }
0x17c: {  	_ =	swait.ge [sflag:s3], $0x80  }
0x17d: {  	[sflag:s3] =	ssyncset.done $0x0  }
0x17e: {  	[sflag:s3] =	ssyncadd.s32 $0xFFFFFF80  }
0x17f: {  	[tilespmem:s6], [sflag:$0x1] =	stream.indirect.gather [hbm4b:s4+s5], $0x80, s2, s5, $0xb8;
	[tilespmem:$0x8100] =	vst v63  }
0x180: {  	_ =	swait.ge [sflag:s9], $0x4000  }
0x181: {  	[sflag:s9] =	ssyncset.done $0x0  }
0x182: {  	[sflag:s9] =	ssyncadd.s32 $0xFFFFC000  }
0x183: {  	[hbm4b:s28+s2] =	stream.linear.scatter [tilespmem:s7], [sflag:$0x3], $0x4000, $0x38;
	[tilespmem:$0x8100] =	vst v63  }
0x184: {  	_ =	swait.ge [sflag:s3], $0x4000  }
0x185: {  	[sflag:s3] =	ssyncset.done $0x0  }
0x186: {  	[sflag:s3] =	ssyncadd.s32 $0xFFFFC000  }
0x187: {  	[tilespmem:s5], [sflag:$0x3] =	stream.linear.gather [hbm4b:s29+s2], $0x80, $0x38;
	[tilespmem:$0x8100] =	vst v63  }
0x188: {  	_ =	swait.ge [sflag:s3], $0x80  }
0x189: {  	[sflag:s3] =	ssyncset.done $0x0  }
0x18a: {  	[sflag:s3] =	ssyncadd.s32 $0xFFFFFF80  }
0x18b: {  	[tilespmem:s7], [sflag:$0x2] =	stream.indirect.gather [hbm4b:s4+s5], $0x80, s5, s5, $0xb8;
	[tilespmem:$0x8100] =	vst v63  }
0x18c: {  	_ =	swait.ge [sflag:s8], $0x4000  }
0x18d: {  	[sflag:s8] =	ssyncset.done $0x0  }
0x18e: {  	[sflag:s8] =	ssyncadd.s32 $0xFFFFC000  }
0x18f: {  	[hbm4b:s30+s2] =	stream.linear.scatter [tilespmem:s6], [sflag:$0x3], $0x4000, $0x38;
	[tilespmem:$0x8100] =	vst v63  }
0x190: {  	_ =	swait.ge [sflag:s3], $0x4000  }
0x191: {  	[sflag:s3] =	ssyncset.done $0x0  }
0x192: {  	p0 =	sne.s32 s1, $0x1;
	[sflag:s3] =	ssyncadd.s32 $0xFFFFC000  }
.Ltmp1:
0x193: {  	_ =	swait.ge [sflag:s9], $0x4000;
	(pc) =	sbr.rel @p0 .LBB2_1-.Ltmp1, $4  }
0x194: {  	[sflag:s9] =	ssyncset.done $0x0  }
0x195: {  	[sflag:s9] =	ssyncadd.s32 $0xFFFFC000  }
0x196: {  	[hbm4b:s31+s2] =	stream.linear.scatter [tilespmem:s7], [sflag:$0x3], $0x4000, $0x38;
	[tilespmem:$0x8100] =	vst v63  }
0x197: {  	s1 =	sadd.s32 $0xFFFFFFFF, s1;
	_ =	swait.ge [sflag:s3], $0x4000  }
.LBB2_2:
0x198: {  	[sflag:s3] =	ssyncset.done $0x0  }
0x199: {  	[sflag:s3] =	ssyncadd.s32 $0xFFFFC000  }
0x19a: {  	_ =	sfence.sel $0x180000  }
0x19b: {  	[bflag:$0x0] =	sbarrier.arrive $0xFFFF  }
0x19c: {  	_ =	strace $0x90000047  }
0x19d: {  	s0 =	stileid.u32;
	[bflag:$0x2] =	sbarrier.arrive $0xFFFF  }
0x19e: {  	p0 =	sne.s32 s0, $0x0;
	s0 =	rddreg [dreg:$0x1]  }
0x19f: {  	s0 =	sadd.s32 @!p0 $0x100000, s0  }
0x1a0: {  	[sflag:s0] =	ssyncadd.tile.s32 @!p0 $0x1;
	_ =	shalt  }
.Lfunc_end2:
_tile_overlayer_lowered:
.L_overlay_start_2:
0x1a1: {  	(tag) =	ssettag $0x2  }
0x1a2: {  	s0 =	rddreg [dreg:$0x0];
	s2 =	stileid.u32  }
0x1a3: {  	s1 =	rddreg [dreg:$0x1];
	p0 =	sne.s32 s2, $0x0  }
0x1a4: {  	s3 =	rddreg [dreg:$0x2];
	[bflag:$0x3] =	sbarrier.arrive $0xFFFF;
	s2 =	simm.s32 @!p0 $0x1C03  }
0x1a5: {  	[timem:s3], [sflag:s2] =	dma.local @!p0 [hbm:s0], s1  }
0x1a6: {  	s0 =	simm.s32 @!p0 $0x3  }
0x1a7: {  	_ =	swait.ge @!p0 [sflag:s0], s1  }
0x1a8: {  	s1 =	ssub.s32 @!p0 $0x0, s1;
	[sflag:s0] =	ssyncset.done @!p0 $0x0  }
0x1a9: {  	[sflag:s0] =	ssyncadd.s32 @!p0 s1  }
0x1aa: {  	[bflag:$0x3] =	sbarrier.arrive $0xFFFF  }
0x1ab: {  	_ =	shalt  }

</sc_bundles>
